<compile_context>
chip_gen: v7x
topology: tpu7x:2x2x1
jax: 0.10.2.dev20260603
libtpu: 0.0.44.dev20260713+nightly
codegen_flags: <defaults>
</compile_context>

<pallas_src>
import functools
import jax
import jax.numpy as jnp
from jax import lax
from jax.experimental import pallas as pl
from jax.experimental.pallas import tpu as pltpu
from jax.experimental.pallas import tpu_sc as plsc

_MD = (128, 64, 32, 16)


_OUT = 592
_FEAT = 240
_RSHS = 16

_N = 100000
_NW = 32
_C = 128
_NCH = -(-_N // _C)
_SLAB = 16
_NSLAB = _OUT // _SLAB
_RING = 12
_TMAIN = 24


def _slab_meta(s):
    fbase = jnp.where(
        s < 8, 16 * s,
        jnp.where(s < 20, 128 + 16 * lax.rem(s - 8, 4),
                  jnp.where(s < 30, 192 + 16 * lax.rem(s - 20, 2), 224)))
    si = jnp.where(
        s < 8, 0,
        jnp.where(s < 20, 1 + lax.div(s - 8, 4),
                  jnp.where(s < 30, 4 + lax.div(s - 20, 2), 9 + (s - 30))))
    return fbase, si


def _sc_body(rshs_hbm, feat_hbm, out_hbm, fb, rb, sb, sin_f, sin_r, ssl):
    nc = 2
    wid = lax.axis_index("s") * nc + lax.axis_index("c")
    tail_c = _TMAIN * _NW + lax.div(wid, 2)
    tail_lo = jnp.where(lax.rem(wid, 2) == 0, 0, _NSLAB // 2)
    tail_hi = jnp.where(lax.rem(wid, 2) == 0, _NSLAB // 2, _NSLAB)
    has_tail = wid < 2 * (_NCH - _TMAIN * _NW)

    def col0_of(c):
        return pl.multiple_of(c * _C, _C)

    def start_in(c, slot):
        c0 = col0_of(c)
        pltpu.async_copy(feat_hbm.at[:, pl.ds(c0, _C)], fb.at[slot], sin_f.at[slot])
        pltpu.async_copy(rshs_hbm.at[:, pl.ds(c0, _C)], rb.at[slot], sin_r.at[slot])

    def wait_in(slot):
        c0 = col0_of(0)
        pltpu.make_async_copy(feat_hbm.at[:, pl.ds(c0, _C)], fb.at[slot], sin_f.at[slot]).wait()
        pltpu.make_async_copy(rshs_hbm.at[:, pl.ds(c0, _C)], rb.at[slot], sin_r.at[slot]).wait()

    def wait_out_slab(b):
        c0 = col0_of(0)
        pltpu.make_async_copy(sb.at[b], out_hbm.at[pl.ds(0, _SLAB), pl.ds(c0, _C)],
                              ssl.at[b]).wait()

    def run_slabs(c, slot, s_lo, s_hi, wait_all):
        def slab(s, carry2):
            b = lax.rem(s, _RING)

            @pl.when(wait_all | (s >= _RING))
            def _():
                wait_out_slab(b)

            fbase, si = _slab_meta(s)

            @plsc.parallel_loop(0, _C // 16)
            def _groups(g):
                lo = g * 16
                rvec = rb[slot, si, pl.ds(lo, 16)]
                for lr in range(_SLAB):
                    sb[b, lr, pl.ds(lo, 16)] = fb[slot, fbase + lr, pl.ds(lo, 16)] * rvec

            pltpu.async_copy(sb.at[b],
                             out_hbm.at[pl.ds(s * _SLAB, _SLAB), pl.ds(col0_of(c), _C)],
                             ssl.at[b])
            return carry2

        lax.fori_loop(s_lo, s_hi, slab, 0)

    def chunk(t, carry):
        slot = lax.rem(t, 2)

        @pl.when(t + 1 < _TMAIN)
        def _():
            start_in(wid + (t + 1) * _NW, 1 - slot)

        @pl.when((t + 1 == _TMAIN) & has_tail)
        def _():
            start_in(tail_c, 1 - slot)

        wait_in(slot)
        run_slabs(wid + t * _NW, slot, 0, _NSLAB, wait_all=(t > 0))
        return carry

    start_in(wid, 0)
    lax.fori_loop(0, _TMAIN, chunk, 0)

    @pl.when(has_tail)
    def _():
        wait_in(0)
        run_slabs(tail_c, 0, tail_lo, tail_hi, wait_all=True)

    for b in range(_RING):
        wait_out_slab(b)


def kernel(rshs_ten, feat):
    rshs_t = rshs_ten.T
    feat_t = feat.T
    k = functools.partial(
        pl.kernel,
        mesh=plsc.VectorSubcoreMesh(core_axis_name="c", subcore_axis_name="s"),
        out_type=jax.ShapeDtypeStruct((_OUT, _N), jnp.float32),
        scratch_types=[
            pltpu.VMEM((2, _FEAT, _C), jnp.float32),
            pltpu.VMEM((2, _RSHS, _C), jnp.float32),
            pltpu.VMEM((_RING, _SLAB, _C), jnp.float32),
            pltpu.SemaphoreType.DMA((2,)),
            pltpu.SemaphoreType.DMA((2,)),
            pltpu.SemaphoreType.DMA((_RING,)),
        ],
    )(_sc_body)
    out_t = k(rshs_t, feat_t)
    return out_t.T

# --- scband reference (transcript-rebuilt; emitter-appended) ---
"""Pipeline reference for scband-kernel-broadcast-31791347925865 (READ-ONLY COPY).

The authoritative reference and input builder live on the scoring server;
editing this copy changes nothing except your own understanding.
"""

import jax, jax.numpy as jnp
import numpy as np

METADATA = np.array([128, 64, 32, 16], dtype=np.int64)

def _build_indices():
    # filter_broadcast_idx: for each l, for each m in [0, 2l], repeat src_idx n_l times
    filt = []
    src = 0
    for l, n in enumerate(METADATA):
        for m in range(2 * l + 1):
            filt.append(np.full((int(n),), src, dtype=np.int64))
            src += 1
    filter_idx = np.concatenate(filt)
    # feat_broadcast_idx: row 2 of generate_rep_layout_1d_ -> per-l channel ids tiled over (2l+1) m's
    offs = np.concatenate([[0], np.cumsum(METADATA)[:-1]]).astype(np.int64)
    fidx = []
    for l, n in enumerate(METADATA):
        ch = np.arange(offs[l], offs[l] + int(n), dtype=np.int64)
        fidx.append(np.tile(ch, 2 * l + 1))
    feat_idx = np.concatenate(fidx)
    return jnp.asarray(filter_idx), jnp.asarray(feat_idx)

FILTER_IDX, FEAT_IDX = _build_indices()

def setup_inputs(seed: int = 0):
    key = jax.random.key(seed)
    k1, k2 = jax.random.split(key)
    rshs_ten = jax.random.normal(k1, (100000, 16), dtype=jnp.float32)
    feat = jax.random.normal(k2, (100000, 240), dtype=jnp.float32)
    return {"rshs_ten": rshs_ten, "feat": feat}

def reference(rshs_ten, feat):
    # torch.index_select on last dim == jnp.take along axis=-1 (gather)
    broadcasted_rshs = jnp.take(rshs_ten, FILTER_IDX, axis=-1)
    broadcasted_feat = jnp.take(feat, FEAT_IDX, axis=-1)
    return broadcasted_feat * broadcasted_rshs

if __name__ == "__main__":
    import jax
    _d = setup_inputs()
    print(jax.jit(kernel)(*tuple(_d.values())))

</pallas_src>

<mosaic_0001>
#map = affine_map<(d0, d1) -> (0, 0)>
module attributes {stable_mosaic.version = 14 : i64} {
  func.func @_sc_body(%arg0: i32, %arg1: i32, %arg2: memref<16x100000xf32, #tpu.memory_space<hbm>>, %arg3: memref<240x100000xf32, #tpu.memory_space<hbm>>, %arg4: memref<592x100000xf32, #tpu.memory_space<hbm>>, %arg5: memref<2x240x128xf32, #tpu.memory_space<vmem>>, %arg6: memref<2x16x128xf32, #tpu.memory_space<vmem>>, %arg7: memref<12x16x128xf32, #tpu.memory_space<vmem>>, %arg8: memref<2x!tpu.dma_semaphore, #tpu.memory_space<semaphore_mem>>, %arg9: memref<2x!tpu.dma_semaphore, #tpu.memory_space<semaphore_mem>>, %arg10: memref<12x!tpu.dma_semaphore, #tpu.memory_space<semaphore_mem>>) attributes {dimension_semantics = [#tpu.dimension_semantics<core_parallel>, #tpu.dimension_semantics<subcore_parallel>], iteration_bounds = array<i64: 2, 16>, scalar_prefetch = 0 : i64, scratch_operands = 6 : i64, tpu.core_type = #tpu.core_type<sc_vector_subcore>, window_params = [{transform_indices = #map}, {transform_indices = #map}, {transform_indices = #map}]} {
    %mul3A = arith.constant 2 : i32
    %mul3A_0 = arith.muli %arg1, %mul3A : i32
    %add3A = arith.addi %mul3A_0, %arg0 : i32
    %div3A = arith.constant 2 : i32
    %div3A_1 = arith.divsi %add3A, %div3A : i32
    %add3A_2 = arith.constant 768 : i32
    %add3A_3 = arith.addi %add3A_2, %div3A_1 : i32
    %rem3A = arith.constant 2 : i32
    %rem3A_4 = arith.remsi %add3A, %rem3A : i32
    %eq3A = arith.constant 0 : i32
    %eq3A_5 = arith.cmpi eq, %rem3A_4, %eq3A : i32
    %jit3A = arith.constant 0 : i32
    %jit3A_6 = arith.constant 18 : i32
    %select_n3A = arith.select %eq3A_5, %jit3A, %jit3A_6 : i32
    %rem3A_7 = arith.constant 2 : i32
    %rem3A_8 = arith.remsi %add3A, %rem3A_7 : i32
    %eq3A_9 = arith.constant 0 : i32
    %eq3A_10 = arith.cmpi eq, %rem3A_8, %eq3A_9 : i32
    %jit3A_11 = arith.constant 18 : i32
    %jit3A_12 = arith.constant 37 : i32
    %select_n3A_13 = arith.select %eq3A_10, %jit3A_11, %jit3A_12 : i32
    %lt3A = arith.constant 28 : i32
    %lt3A_14 = arith.cmpi slt, %add3A, %lt3A : i32
    %mul3A_15 = arith.constant 128 : i32
    %mul3A_16 = arith.muli %add3A, %mul3A_15 : i32
    %multiple_of3A = tpu.assume_multiple %mul3A_16, 128 : i32
    %dma_start3A = arith.constant 0 : i32
    %dma_start3A_17 = arith.constant 0 : i32
    %dma_start3A_18 = arith.constant 0 : i32
    %dma_start3A_19 = arith.constant 0 : i32
    %dma_start3A_20 = tpu.memref_slice %arg5[%dma_start3A, %dma_start3A_18, %dma_start3A_19] : memref<2x240x128xf32, #tpu.memory_space<vmem>> -> memref<1x240x128xf32, #tpu.memory_space<vmem>>
    %dma_start3A_21 = tpu.memref_squeeze %dma_start3A_20 : memref<1x240x128xf32, #tpu.memory_space<vmem>> -> memref<240x128xf32, #tpu.memory_space<vmem>>
    %dma_start3A_22 = arith.constant 0 : i32
    %dma_start3A_23 = tpu.memref_slice %arg3[%dma_start3A_22, %multiple_of3A] : memref<240x100000xf32, #tpu.memory_space<hbm>> -> memref<240x128xf32, #tpu.memory_space<hbm>>
    %dma_start3A_24 = tpu.memref_slice %arg8[%dma_start3A_17] : memref<2x!tpu.dma_semaphore, #tpu.memory_space<semaphore_mem>> -> memref<1x!tpu.dma_semaphore, #tpu.memory_space<semaphore_mem>>
    %dma_start3A_25 = tpu.memref_squeeze %dma_start3A_24 : memref<1x!tpu.dma_semaphore, #tpu.memory_space<semaphore_mem>> -> memref<!tpu.dma_semaphore, #tpu.memory_space<semaphore_mem>>
    %dma_start3A_26 = arith.constant 0 : i32
    %dma_start3A_27 = arith.constant 0 : i32
    %dma_start3A_28 = tpu.memref_slice %arg5[%dma_start3A, %dma_start3A_26, %dma_start3A_27] : memref<2x240x128xf32, #tpu.memory_space<vmem>> -> memref<1x240x128xf32, #tpu.memory_space<vmem>>
    %dma_start3A_29 = tpu.memref_squeeze %dma_start3A_28 : memref<1x240x128xf32, #tpu.memory_space<vmem>> -> memref<240x128xf32, #tpu.memory_space<vmem>>
    %dma_start3A_30 = arith.constant 0 : i32
    %dma_start3A_31 = tpu.memref_slice %arg3[%dma_start3A_30, %multiple_of3A] : memref<240x100000xf32, #tpu.memory_space<hbm>> -> memref<240x128xf32, #tpu.memory_space<hbm>>
    tpu.enqueue_dma source(%dma_start3A_31 : memref<240x128xf32, #tpu.memory_space<hbm>>) target(%dma_start3A_29 : memref<240x128xf32, #tpu.memory_space<vmem>>) target_semaphore(%dma_start3A_25 : memref<!tpu.dma_semaphore, #tpu.memory_space<semaphore_mem>>)
    %dma_start3A_32 = arith.constant 0 : i32
    %dma_start3A_33 = arith.constant 0 : i32
    %dma_start3A_34 = arith.constant 0 : i32
    %dma_start3A_35 = arith.constant 0 : i32
    %dma_start3A_36 = tpu.memref_slice %arg6[%dma_start3A_32, %dma_start3A_34, %dma_start3A_35] : memref<2x16x128xf32, #tpu.memory_space<vmem>> -> memref<1x16x128xf32, #tpu.memory_space<vmem>>
    %dma_start3A_37 = tpu.memref_squeeze %dma_start3A_36 : memref<1x16x128xf32, #tpu.memory_space<vmem>> -> memref<16x128xf32, #tpu.memory_space<vmem>>
    %dma_start3A_38 = arith.constant 0 : i32
    %dma_start3A_39 = tpu.memref_slice %arg2[%dma_start3A_38, %multiple_of3A] : memref<16x100000xf32, #tpu.memory_space<hbm>> -> memref<16x128xf32, #tpu.memory_space<hbm>>
    %dma_start3A_40 = tpu.memref_slice %arg9[%dma_start3A_33] : memref<2x!tpu.dma_semaphore, #tpu.memory_space<semaphore_mem>> -> memref<1x!tpu.dma_semaphore, #tpu.memory_space<semaphore_mem>>
    %dma_start3A_41 = tpu.memref_squeeze %dma_start3A_40 : memref<1x!tpu.dma_semaphore, #tpu.memory_space<semaphore_mem>> -> memref<!tpu.dma_semaphore, #tpu.memory_space<semaphore_mem>>
    %dma_start3A_42 = arith.constant 0 : i32
    %dma_start3A_43 = arith.constant 0 : i32
    %dma_start3A_44 = tpu.memref_slice %arg6[%dma_start3A_32, %dma_start3A_42, %dma_start3A_43] : memref<2x16x128xf32, #tpu.memory_space<vmem>> -> memref<1x16x128xf32, #tpu.memory_space<vmem>>
    %dma_start3A_45 = tpu.memref_squeeze %dma_start3A_44 : memref<1x16x128xf32, #tpu.memory_space<vmem>> -> memref<16x128xf32, #tpu.memory_space<vmem>>
    %dma_start3A_46 = arith.constant 0 : i32
    %dma_start3A_47 = tpu.memref_slice %arg2[%dma_start3A_46, %multiple_of3A] : memref<16x100000xf32, #tpu.memory_space<hbm>> -> memref<16x128xf32, #tpu.memory_space<hbm>>
    tpu.enqueue_dma source(%dma_start3A_47 : memref<16x128xf32, #tpu.memory_space<hbm>>) target(%dma_start3A_45 : memref<16x128xf32, #tpu.memory_space<vmem>>) target_semaphore(%dma_start3A_41 : memref<!tpu.dma_semaphore, #tpu.memory_space<semaphore_mem>>)
    %scan3A = arith.constant 0 : i32
    %scan3A_48 = arith.constant 0 : i32
    %scan3A_49 = arith.constant 24 : i32
    %scan3A_50 = arith.addi %scan3A_48, %scan3A_49 : i32
    %scan3A_51 = arith.constant 1 : i32
    scf.for %scan3A_269 = %scan3A_48 to %scan3A_50 step %scan3A_51  : i32 {
      %rem3A_270 = arith.constant 2 : i32
      %rem3A_271 = arith.remsi %scan3A_269, %rem3A_270 : i32
      %add3A_272 = arith.constant 1 : i32
      %add3A_273 = arith.addi %scan3A_269, %add3A_272 : i32
      %lt3A_274 = arith.constant 24 : i32
      %lt3A_275 = arith.cmpi slt, %add3A_273, %lt3A_274 : i32
      %convert_element_type3A_276 = arith.extui %lt3A_275 : i1 to i32
      %cond3A_277 = arith.constant 0 : i32
      %cond3A_278 = arith.cmpi ne, %convert_element_type3A_276, %cond3A_277 : i32
      scf.if %cond3A_278 {
        %add3A_326 = arith.constant 1 : i32
        %add3A_327 = arith.addi %scan3A_269, %add3A_326 : i32
        %mul3A_328 = arith.constant 32 : i32
        %mul3A_329 = arith.muli %add3A_327, %mul3A_328 : i32
        %add3A_330 = arith.addi %add3A, %mul3A_329 : i32
        %sub3A = arith.constant 1 : i32
        %sub3A_331 = arith.subi %sub3A, %rem3A_271 : i32
        %mul3A_332 = arith.constant 128 : i32
        %mul3A_333 = arith.muli %add3A_330, %mul3A_332 : i32
        %multiple_of3A_334 = tpu.assume_multiple %mul3A_333, 128 : i32
        %dma_start3A_335 = arith.constant 0 : i32
        %dma_start3A_336 = arith.constant 0 : i32
        %dma_start3A_337 = tpu.memref_slice %arg5[%sub3A_331, %dma_start3A_335, %dma_start3A_336] : memref<2x240x128xf32, #tpu.memory_space<vmem>> -> memref<1x240x128xf32, #tpu.memory_space<vmem>>
        %dma_start3A_338 = tpu.memref_squeeze %dma_start3A_337 : memref<1x240x128xf32, #tpu.memory_space<vmem>> -> memref<240x128xf32, #tpu.memory_space<vmem>>
        %dma_start3A_339 = arith.constant 0 : i32
        %dma_start3A_340 = tpu.memref_slice %arg3[%dma_start3A_339, %multiple_of3A_334] : memref<240x100000xf32, #tpu.memory_space<hbm>> -> memref<240x128xf32, #tpu.memory_space<hbm>>
        %dma_start3A_341 = tpu.memref_slice %arg8[%sub3A_331] : memref<2x!tpu.dma_semaphore, #tpu.memory_space<semaphore_mem>> -> memref<1x!tpu.dma_semaphore, #tpu.memory_space<semaphore_mem>>
        %dma_start3A_342 = tpu.memref_squeeze %dma_start3A_341 : memref<1x!tpu.dma_semaphore, #tpu.memory_space<semaphore_mem>> -> memref<!tpu.dma_semaphore, #tpu.memory_space<semaphore_mem>>
        %dma_start3A_343 = arith.constant 0 : i32
        %dma_start3A_344 = arith.constant 0 : i32
        %dma_start3A_345 = tpu.memref_slice %arg5[%sub3A_331, %dma_start3A_343, %dma_start3A_344] : memref<2x240x128xf32, #tpu.memory_space<vmem>> -> memref<1x240x128xf32, #tpu.memory_space<vmem>>
        %dma_start3A_346 = tpu.memref_squeeze %dma_start3A_345 : memref<1x240x128xf32, #tpu.memory_space<vmem>> -> memref<240x128xf32, #tpu.memory_space<vmem>>
        %dma_start3A_347 = arith.constant 0 : i32
        %dma_start3A_348 = tpu.memref_slice %arg3[%dma_start3A_347, %multiple_of3A_334] : memref<240x100000xf32, #tpu.memory_space<hbm>> -> memref<240x128xf32, #tpu.memory_space<hbm>>
        tpu.enqueue_dma source(%dma_start3A_348 : memref<240x128xf32, #tpu.memory_space<hbm>>) target(%dma_start3A_346 : memref<240x128xf32, #tpu.memory_space<vmem>>) target_semaphore(%dma_start3A_342 : memref<!tpu.dma_semaphore, #tpu.memory_space<semaphore_mem>>)
        %dma_start3A_349 = arith.constant 0 : i32
        %dma_start3A_350 = arith.constant 0 : i32
        %dma_start3A_351 = tpu.memref_slice %arg6[%sub3A_331, %dma_start3A_349, %dma_start3A_350] : memref<2x16x128xf32, #tpu.memory_space<vmem>> -> memref<1x16x128xf32, #tpu.memory_space<vmem>>
        %dma_start3A_352 = tpu.memref_squeeze %dma_start3A_351 : memref<1x16x128xf32, #tpu.memory_space<vmem>> -> memref<16x128xf32, #tpu.memory_space<vmem>>
        %dma_start3A_353 = arith.constant 0 : i32
        %dma_start3A_354 = tpu.memref_slice %arg2[%dma_start3A_353, %multiple_of3A_334] : memref<16x100000xf32, #tpu.memory_space<hbm>> -> memref<16x128xf32, #tpu.memory_space<hbm>>
        %dma_start3A_355 = tpu.memref_slice %arg9[%sub3A_331] : memref<2x!tpu.dma_semaphore, #tpu.memory_space<semaphore_mem>> -> memref<1x!tpu.dma_semaphore, #tpu.memory_space<semaphore_mem>>
        %dma_start3A_356 = tpu.memref_squeeze %dma_start3A_355 : memref<1x!tpu.dma_semaphore, #tpu.memory_space<semaphore_mem>> -> memref<!tpu.dma_semaphore, #tpu.memory_space<semaphore_mem>>
        %dma_start3A_357 = arith.constant 0 : i32
        %dma_start3A_358 = arith.constant 0 : i32
        %dma_start3A_359 = tpu.memref_slice %arg6[%sub3A_331, %dma_start3A_357, %dma_start3A_358] : memref<2x16x128xf32, #tpu.memory_space<vmem>> -> memref<1x16x128xf32, #tpu.memory_space<vmem>>
        %dma_start3A_360 = tpu.memref_squeeze %dma_start3A_359 : memref<1x16x128xf32, #tpu.memory_space<vmem>> -> memref<16x128xf32, #tpu.memory_space<vmem>>
        %dma_start3A_361 = arith.constant 0 : i32
        %dma_start3A_362 = tpu.memref_slice %arg2[%dma_start3A_361, %multiple_of3A_334] : memref<16x100000xf32, #tpu.memory_space<hbm>> -> memref<16x128xf32, #tpu.memory_space<hbm>>
        tpu.enqueue_dma source(%dma_start3A_362 : memref<16x128xf32, #tpu.memory_space<hbm>>) target(%dma_start3A_360 : memref<16x128xf32, #tpu.memory_space<vmem>>) target_semaphore(%dma_start3A_356 : memref<!tpu.dma_semaphore, #tpu.memory_space<semaphore_mem>>)
      } else {
      }
      %add3A_279 = arith.constant 1 : i32
      %add3A_280 = arith.addi %scan3A_269, %add3A_279 : i32
      %eq3A_281 = arith.constant 24 : i32
      %eq3A_282 = arith.cmpi eq, %add3A_280, %eq3A_281 : i32
      %and3A = arith.andi %eq3A_282, %lt3A_14 : i1
      %convert_element_type3A_283 = arith.extui %and3A : i1 to i32
      %cond3A_284 = arith.constant 0 : i32
      %cond3A_285 = arith.cmpi ne, %convert_element_type3A_283, %cond3A_284 : i32
      scf.if %cond3A_285 {
        %sub3A = arith.constant 1 : i32
        %sub3A_326 = arith.subi %sub3A, %rem3A_271 : i32
        %mul3A_327 = arith.constant 128 : i32
        %mul3A_328 = arith.muli %add3A_3, %mul3A_327 : i32
        %multiple_of3A_329 = tpu.assume_multiple %mul3A_328, 128 : i32
        %dma_start3A_330 = arith.constant 0 : i32
        %dma_start3A_331 = arith.constant 0 : i32
        %dma_start3A_332 = tpu.memref_slice %arg5[%sub3A_326, %dma_start3A_330, %dma_start3A_331] : memref<2x240x128xf32, #tpu.memory_space<vmem>> -> memref<1x240x128xf32, #tpu.memory_space<vmem>>
        %dma_start3A_333 = tpu.memref_squeeze %dma_start3A_332 : memref<1x240x128xf32, #tpu.memory_space<vmem>> -> memref<240x128xf32, #tpu.memory_space<vmem>>
        %dma_start3A_334 = arith.constant 0 : i32
        %dma_start3A_335 = tpu.memref_slice %arg3[%dma_start3A_334, %multiple_of3A_329] : memref<240x100000xf32, #tpu.memory_space<hbm>> -> memref<240x128xf32, #tpu.memory_space<hbm>>
        %dma_start3A_336 = tpu.memref_slice %arg8[%sub3A_326] : memref<2x!tpu.dma_semaphore, #tpu.memory_space<semaphore_mem>> -> memref<1x!tpu.dma_semaphore, #tpu.memory_space<semaphore_mem>>
        %dma_start3A_337 = tpu.memref_squeeze %dma_start3A_336 : memref<1x!tpu.dma_semaphore, #tpu.memory_space<semaphore_mem>> -> memref<!tpu.dma_semaphore, #tpu.memory_space<semaphore_mem>>
        %dma_start3A_338 = arith.constant 0 : i32
        %dma_start3A_339 = arith.constant 0 : i32
        %dma_start3A_340 = tpu.memref_slice %arg5[%sub3A_326, %dma_start3A_338, %dma_start3A_339] : memref<2x240x128xf32, #tpu.memory_space<vmem>> -> memref<1x240x128xf32, #tpu.memory_space<vmem>>
        %dma_start3A_341 = tpu.memref_squeeze %dma_start3A_340 : memref<1x240x128xf32, #tpu.memory_space<vmem>> -> memref<240x128xf32, #tpu.memory_space<vmem>>
        %dma_start3A_342 = arith.constant 0 : i32
        %dma_start3A_343 = tpu.memref_slice %arg3[%dma_start3A_342, %multiple_of3A_329] : memref<240x100000xf32, #tpu.memory_space<hbm>> -> memref<240x128xf32, #tpu.memory_space<hbm>>
        tpu.enqueue_dma source(%dma_start3A_343 : memref<240x128xf32, #tpu.memory_space<hbm>>) target(%dma_start3A_341 : memref<240x128xf32, #tpu.memory_space<vmem>>) target_semaphore(%dma_start3A_337 : memref<!tpu.dma_semaphore, #tpu.memory_space<semaphore_mem>>)
        %dma_start3A_344 = arith.constant 0 : i32
        %dma_start3A_345 = arith.constant 0 : i32
        %dma_start3A_346 = tpu.memref_slice %arg6[%sub3A_326, %dma_start3A_344, %dma_start3A_345] : memref<2x16x128xf32, #tpu.memory_space<vmem>> -> memref<1x16x128xf32, #tpu.memory_space<vmem>>
        %dma_start3A_347 = tpu.memref_squeeze %dma_start3A_346 : memref<1x16x128xf32, #tpu.memory_space<vmem>> -> memref<16x128xf32, #tpu.memory_space<vmem>>
        %dma_start3A_348 = arith.constant 0 : i32
        %dma_start3A_349 = tpu.memref_slice %arg2[%dma_start3A_348, %multiple_of3A_329] : memref<16x100000xf32, #tpu.memory_space<hbm>> -> memref<16x128xf32, #tpu.memory_space<hbm>>
        %dma_start3A_350 = tpu.memref_slice %arg9[%sub3A_326] : memref<2x!tpu.dma_semaphore, #tpu.memory_space<semaphore_mem>> -> memref<1x!tpu.dma_semaphore, #tpu.memory_space<semaphore_mem>>
        %dma_start3A_351 = tpu.memref_squeeze %dma_start3A_350 : memref<1x!tpu.dma_semaphore, #tpu.memory_space<semaphore_mem>> -> memref<!tpu.dma_semaphore, #tpu.memory_space<semaphore_mem>>
        %dma_start3A_352 = arith.constant 0 : i32
        %dma_start3A_353 = arith.constant 0 : i32
        %dma_start3A_354 = tpu.memref_slice %arg6[%sub3A_326, %dma_start3A_352, %dma_start3A_353] : memref<2x16x128xf32, #tpu.memory_space<vmem>> -> memref<1x16x128xf32, #tpu.memory_space<vmem>>
        %dma_start3A_355 = tpu.memref_squeeze %dma_start3A_354 : memref<1x16x128xf32, #tpu.memory_space<vmem>> -> memref<16x128xf32, #tpu.memory_space<vmem>>
        %dma_start3A_356 = arith.constant 0 : i32
        %dma_start3A_357 = tpu.memref_slice %arg2[%dma_start3A_356, %multiple_of3A_329] : memref<16x100000xf32, #tpu.memory_space<hbm>> -> memref<16x128xf32, #tpu.memory_space<hbm>>
        tpu.enqueue_dma source(%dma_start3A_357 : memref<16x128xf32, #tpu.memory_space<hbm>>) target(%dma_start3A_355 : memref<16x128xf32, #tpu.memory_space<vmem>>) target_semaphore(%dma_start3A_351 : memref<!tpu.dma_semaphore, #tpu.memory_space<semaphore_mem>>)
      } else {
      }
      %multiple_of3A_286 = arith.constant 0 : i32
      %multiple_of3A_287 = tpu.assume_multiple %multiple_of3A_286, 128 : i32
      %dma_wait3A_288 = arith.constant 0 : i32
      %dma_wait3A_289 = arith.constant 0 : i32
      %dma_wait3A_290 = tpu.memref_slice %arg5[%rem3A_271, %dma_wait3A_288, %dma_wait3A_289] : memref<2x240x128xf32, #tpu.memory_space<vmem>> -> memref<1x240x128xf32, #tpu.memory_space<vmem>>
      %dma_wait3A_291 = tpu.memref_squeeze %dma_wait3A_290 : memref<1x240x128xf32, #tpu.memory_space<vmem>> -> memref<240x128xf32, #tpu.memory_space<vmem>>
      %dma_wait3A_292 = arith.constant 0 : i32
      %dma_wait3A_293 = tpu.memref_slice %arg3[%dma_wait3A_292, %multiple_of3A_287] : memref<240x100000xf32, #tpu.memory_space<hbm>> -> memref<240x128xf32, #tpu.memory_space<hbm>>
      %dma_wait3A_294 = tpu.memref_slice %arg8[%rem3A_271] : memref<2x!tpu.dma_semaphore, #tpu.memory_space<semaphore_mem>> -> memref<1x!tpu.dma_semaphore, #tpu.memory_space<semaphore_mem>>
      %dma_wait3A_295 = tpu.memref_squeeze %dma_wait3A_294 : memref<1x!tpu.dma_semaphore, #tpu.memory_space<semaphore_mem>> -> memref<!tpu.dma_semaphore, #tpu.memory_space<semaphore_mem>>
      %dma_wait3A_296 = arith.constant 0 : i32
      %dma_wait3A_297 = arith.constant 0 : i32
      %dma_wait3A_298 = tpu.memref_slice %arg5[%rem3A_271, %dma_wait3A_296, %dma_wait3A_297] : memref<2x240x128xf32, #tpu.memory_space<vmem>> -> memref<1x240x128xf32, #tpu.memory_space<vmem>>
      %dma_wait3A_299 = tpu.memref_squeeze %dma_wait3A_298 : memref<1x240x128xf32, #tpu.memory_space<vmem>> -> memref<240x128xf32, #tpu.memory_space<vmem>>
      %dma_wait3A_300 = arith.constant 0 : i32
      %dma_wait3A_301 = tpu.memref_slice %arg3[%dma_wait3A_300, %multiple_of3A_287] : memref<240x100000xf32, #tpu.memory_space<hbm>> -> memref<240x128xf32, #tpu.memory_space<hbm>>
      tpu.wait_dma2 semaphore(%dma_wait3A_295 : memref<!tpu.dma_semaphore, #tpu.memory_space<semaphore_mem>>) src(%dma_wait3A_301 : memref<240x128xf32, #tpu.memory_space<hbm>>) dst(%dma_wait3A_299 : memref<240x128xf32, #tpu.memory_space<vmem>>)
      %dma_wait3A_302 = arith.constant 0 : i32
      %dma_wait3A_303 = arith.constant 0 : i32
      %dma_wait3A_304 = tpu.memref_slice %arg6[%rem3A_271, %dma_wait3A_302, %dma_wait3A_303] : memref<2x16x128xf32, #tpu.memory_space<vmem>> -> memref<1x16x128xf32, #tpu.memory_space<vmem>>
      %dma_wait3A_305 = tpu.memref_squeeze %dma_wait3A_304 : memref<1x16x128xf32, #tpu.memory_space<vmem>> -> memref<16x128xf32, #tpu.memory_space<vmem>>
      %dma_wait3A_306 = arith.constant 0 : i32
      %dma_wait3A_307 = tpu.memref_slice %arg2[%dma_wait3A_306, %multiple_of3A_287] : memref<16x100000xf32, #tpu.memory_space<hbm>> -> memref<16x128xf32, #tpu.memory_space<hbm>>
      %dma_wait3A_308 = tpu.memref_slice %arg9[%rem3A_271] : memref<2x!tpu.dma_semaphore, #tpu.memory_space<semaphore_mem>> -> memref<1x!tpu.dma_semaphore, #tpu.memory_space<semaphore_mem>>
      %dma_wait3A_309 = tpu.memref_squeeze %dma_wait3A_308 : memref<1x!tpu.dma_semaphore, #tpu.memory_space<semaphore_mem>> -> memref<!tpu.dma_semaphore, #tpu.memory_space<semaphore_mem>>
      %dma_wait3A_310 = arith.constant 0 : i32
      %dma_wait3A_311 = arith.constant 0 : i32
      %dma_wait3A_312 = tpu.memref_slice %arg6[%rem3A_271, %dma_wait3A_310, %dma_wait3A_311] : memref<2x16x128xf32, #tpu.memory_space<vmem>> -> memref<1x16x128xf32, #tpu.memory_space<vmem>>
      %dma_wait3A_313 = tpu.memref_squeeze %dma_wait3A_312 : memref<1x16x128xf32, #tpu.memory_space<vmem>> -> memref<16x128xf32, #tpu.memory_space<vmem>>
      %dma_wait3A_314 = arith.constant 0 : i32
      %dma_wait3A_315 = tpu.memref_slice %arg2[%dma_wait3A_314, %multiple_of3A_287] : memref<16x100000xf32, #tpu.memory_space<hbm>> -> memref<16x128xf32, #tpu.memory_space<hbm>>
      tpu.wait_dma2 semaphore(%dma_wait3A_309 : memref<!tpu.dma_semaphore, #tpu.memory_space<semaphore_mem>>) src(%dma_wait3A_315 : memref<16x128xf32, #tpu.memory_space<hbm>>) dst(%dma_wait3A_313 : memref<16x128xf32, #tpu.memory_space<vmem>>)
      %mul3A_316 = arith.constant 32 : i32
      %mul3A_317 = arith.muli %scan3A_269, %mul3A_316 : i32
      %add3A_318 = arith.addi %add3A, %mul3A_317 : i32
      %gt3A = arith.constant 0 : i32
      %gt3A_319 = arith.cmpi sgt, %scan3A_269, %gt3A : i32
      %scan3A_320 = arith.constant 0 : i32
      %scan3A_321 = arith.constant 0 : i32
      %scan3A_322 = arith.constant 37 : i32
      %scan3A_323 = arith.addi %scan3A_321, %scan3A_322 : i32
      %scan3A_324 = arith.constant 1 : i32
      scf.for %scan3A_326 = %scan3A_321 to %scan3A_323 step %scan3A_324  : i32 {
        %rem3A_327 = arith.constant 12 : i32
        %rem3A_328 = arith.remsi %scan3A_326, %rem3A_327 : i32
        %ge3A = arith.constant 12 : i32
        %ge3A_329 = arith.cmpi sge, %scan3A_326, %ge3A : i32
        %or3A = arith.ori %gt3A_319, %ge3A_329 : i1
        %convert_element_type3A_330 = arith.extui %or3A : i1 to i32
        %cond3A_331 = arith.constant 0 : i32
        %cond3A_332 = arith.cmpi ne, %convert_element_type3A_330, %cond3A_331 : i32
        scf.if %cond3A_332 {
          %multiple_of3A_405 = arith.constant 0 : i32
          %multiple_of3A_406 = tpu.assume_multiple %multiple_of3A_405, 128 : i32
          %dma_wait3A_407 = arith.constant 0 : i32
          %dma_wait3A_408 = arith.constant 0 : i32
          %dma_wait3A_409 = tpu.memref_slice %arg7[%rem3A_328, %dma_wait3A_407, %dma_wait3A_408] : memref<12x16x128xf32, #tpu.memory_space<vmem>> -> memref<1x16x128xf32, #tpu.memory_space<vmem>>
          %dma_wait3A_410 = tpu.memref_squeeze %dma_wait3A_409 : memref<1x16x128xf32, #tpu.memory_space<vmem>> -> memref<16x128xf32, #tpu.memory_space<vmem>>
          %dma_wait3A_411 = arith.constant 0 : i32
          %dma_wait3A_412 = tpu.memref_slice %arg4[%dma_wait3A_411, %multiple_of3A_406] : memref<592x100000xf32, #tpu.memory_space<hbm>> -> memref<16x128xf32, #tpu.memory_space<hbm>>
          %dma_wait3A_413 = tpu.memref_slice %arg10[%rem3A_328] : memref<12x!tpu.dma_semaphore, #tpu.memory_space<semaphore_mem>> -> memref<1x!tpu.dma_semaphore, #tpu.memory_space<semaphore_mem>>
          %dma_wait3A_414 = tpu.memref_squeeze %dma_wait3A_413 : memref<1x!tpu.dma_semaphore, #tpu.memory_space<semaphore_mem>> -> memref<!tpu.dma_semaphore, #tpu.memory_space<semaphore_mem>>
          %dma_wait3A_415 = arith.constant 0 : i32
          %dma_wait3A_416 = tpu.memref_slice %arg4[%dma_wait3A_415, %multiple_of3A_406] : memref<592x100000xf32, #tpu.memory_space<hbm>> -> memref<16x128xf32, #tpu.memory_space<hbm>>
          %dma_wait3A_417 = arith.constant 0 : i32
          %dma_wait3A_418 = arith.constant 0 : i32
          %dma_wait3A_419 = tpu.memref_slice %arg7[%rem3A_328, %dma_wait3A_417, %dma_wait3A_418] : memref<12x16x128xf32, #tpu.memory_space<vmem>> -> memref<1x16x128xf32, #tpu.memory_space<vmem>>
          %dma_wait3A_420 = tpu.memref_squeeze %dma_wait3A_419 : memref<1x16x128xf32, #tpu.memory_space<vmem>> -> memref<16x128xf32, #tpu.memory_space<vmem>>
          tpu.wait_dma2 semaphore(%dma_wait3A_414 : memref<!tpu.dma_semaphore, #tpu.memory_space<semaphore_mem>>) src(%dma_wait3A_420 : memref<16x128xf32, #tpu.memory_space<vmem>>) dst(%dma_wait3A_416 : memref<16x128xf32, #tpu.memory_space<hbm>>)
        } else {
        }
        %lt3A_333 = arith.constant 8 : i32
        %lt3A_334 = arith.cmpi slt, %scan3A_326, %lt3A_333 : i32
        %mul3A_335 = arith.constant 16 : i32
        %mul3A_336 = arith.muli %mul3A_335, %scan3A_326 : i32
        %lt3A_337 = arith.constant 20 : i32
        %lt3A_338 = arith.cmpi slt, %scan3A_326, %lt3A_337 : i32
        %sub3A = arith.constant 8 : i32
        %sub3A_339 = arith.subi %scan3A_326, %sub3A : i32
        %rem3A_340 = arith.constant 4 : i32
        %rem3A_341 = arith.remsi %sub3A_339, %rem3A_340 : i32
        %mul3A_342 = arith.constant 16 : i32
        %mul3A_343 = arith.muli %mul3A_342, %rem3A_341 : i32
        %add3A_344 = arith.constant 128 : i32
        %add3A_345 = arith.addi %add3A_344, %mul3A_343 : i32
        %lt3A_346 = arith.constant 30 : i32
        %lt3A_347 = arith.cmpi slt, %scan3A_326, %lt3A_346 : i32
        %sub3A_348 = arith.constant 20 : i32
        %sub3A_349 = arith.subi %scan3A_326, %sub3A_348 : i32
        %rem3A_350 = arith.constant 2 : i32
        %rem3A_351 = arith.remsi %sub3A_349, %rem3A_350 : i32
        %mul3A_352 = arith.constant 16 : i32
        %mul3A_353 = arith.muli %mul3A_352, %rem3A_351 : i32
        %add3A_354 = arith.constant 192 : i32
        %add3A_355 = arith.addi %add3A_354, %mul3A_353 : i32
        %jit3A_356 = arith.constant 224 : i32
        %select_n3A_357 = arith.select %lt3A_347, %add3A_355, %jit3A_356 : i32
        %select_n3A_358 = arith.select %lt3A_338, %add3A_345, %select_n3A_357 : i32
        %select_n3A_359 = arith.select %lt3A_334, %mul3A_336, %select_n3A_358 : i32
        %lt3A_360 = arith.constant 8 : i32
        %lt3A_361 = arith.cmpi slt, %scan3A_326, %lt3A_360 : i32
        %lt3A_362 = arith.constant 20 : i32
        %lt3A_363 = arith.cmpi slt, %scan3A_326, %lt3A_362 : i32
        %sub3A_364 = arith.constant 8 : i32
        %sub3A_365 = arith.subi %scan3A_326, %sub3A_364 : i32
        %div3A_366 = arith.constant 4 : i32
        %div3A_367 = arith.divsi %sub3A_365, %div3A_366 : i32
        %add3A_368 = arith.constant 1 : i32
        %add3A_369 = arith.addi %add3A_368, %div3A_367 : i32
        %lt3A_370 = arith.constant 30 : i32
        %lt3A_371 = arith.cmpi slt, %scan3A_326, %lt3A_370 : i32
        %sub3A_372 = arith.constant 20 : i32
        %sub3A_373 = arith.subi %scan3A_326, %sub3A_372 : i32
        %div3A_374 = arith.constant 2 : i32
        %div3A_375 = arith.divsi %sub3A_373, %div3A_374 : i32
        %add3A_376 = arith.constant 4 : i32
        %add3A_377 = arith.addi %add3A_376, %div3A_375 : i32
        %sub3A_378 = arith.constant 30 : i32
        %sub3A_379 = arith.subi %scan3A_326, %sub3A_378 : i32
        %add3A_380 = arith.constant 9 : i32
        %add3A_381 = arith.addi %add3A_380, %sub3A_379 : i32
        %select_n3A_382 = arith.select %lt3A_371, %add3A_377, %add3A_381 : i32
        %select_n3A_383 = arith.select %lt3A_363, %add3A_369, %select_n3A_382 : i32
        %jit3A_384 = arith.constant 0 : i32
        %select_n3A_385 = arith.select %lt3A_361, %jit3A_384, %select_n3A_383 : i32
        %parallel_loop3A = arith.constant 0 : i32
        %parallel_loop3A_386 = arith.constant 8 : i32
        %parallel_loop3A_387 = arith.constant 1 : i32
        scf.for %parallel_loop3A_405 = %parallel_loop3A to %parallel_loop3A_386 step %parallel_loop3A_387  : i32 {
          %parallel_loop3A_406 = arith.constant 16 : i32
          %parallel_loop3A_407 = arith.muli %parallel_loop3A_405, %parallel_loop3A_406 : i32
          %parallel_loop3A_408 = arith.index_cast %rem3A_271 : i32 to index
          %parallel_loop3A_409 = arith.index_cast %select_n3A_385 : i32 to index
          %parallel_loop3A_410 = arith.index_cast %parallel_loop3A_407 : i32 to index
          %parallel_loop3A_411 = tpu.vector_load %arg6[%parallel_loop3A_408, %parallel_loop3A_409, %parallel_loop3A_410] {strides = array<i32>} : memref<2x16x128xf32, #tpu.memory_space<vmem>>, vector<1x1x16xf32>,
          %parallel_loop3A_412 = vector.shape_cast %parallel_loop3A_411 : vector<1x1x16xf32> to vector<16xf32>
          %parallel_loop3A_413 = arith.constant 0 : i32
          %parallel_loop3A_414 = arith.addi %select_n3A_359, %parallel_loop3A_413 : i32
          %parallel_loop3A_415 = arith.index_cast %rem3A_271 : i32 to index
          %parallel_loop3A_416 = arith.index_cast %parallel_loop3A_414 : i32 to index
          %parallel_loop3A_417 = arith.index_cast %parallel_loop3A_407 : i32 to index
          %parallel_loop3A_418 = tpu.vector_load %arg5[%parallel_loop3A_415, %parallel_loop3A_416, %parallel_loop3A_417] {strides = array<i32>} : memref<2x240x128xf32, #tpu.memory_space<vmem>>, vector<1x1x16xf32>,
          %parallel_loop3A_419 = vector.shape_cast %parallel_loop3A_418 : vector<1x1x16xf32> to vector<16xf32>
          %parallel_loop3A_420 = arith.mulf %parallel_loop3A_419, %parallel_loop3A_412 : vector<16xf32>
          %parallel_loop3A_421 = arith.constant 0 : i32
          %parallel_loop3A_422 = arith.index_cast %rem3A_328 : i32 to index
          %parallel_loop3A_423 = arith.index_cast %parallel_loop3A_421 : i32 to index
          %parallel_loop3A_424 = arith.index_cast %parallel_loop3A_407 : i32 to index
          %parallel_loop3A_425 = tpu.vector_load %arg7[%parallel_loop3A_422, %parallel_loop3A_423, %parallel_loop3A_424] {strides = array<i32>} : memref<12x16x128xf32, #tpu.memory_space<vmem>>, vector<1x1x16xf32>,
          %parallel_loop3A_426 = vector.shape_cast %parallel_loop3A_425 : vector<1x1x16xf32> to vector<16xf32>
          %parallel_loop3A_427 = vector.shape_cast %parallel_loop3A_420 : vector<16xf32> to vector<1x1x16xf32>
          tpu.vector_store %arg7[%parallel_loop3A_422, %parallel_loop3A_423, %parallel_loop3A_424], %parallel_loop3A_427 {strides = array<i32>} : memref<12x16x128xf32, #tpu.memory_space<vmem>>, vector<1x1x16xf32>,
          %parallel_loop3A_428 = arith.constant 1 : i32
          %parallel_loop3A_429 = arith.addi %select_n3A_359, %parallel_loop3A_428 : i32
          %parallel_loop3A_430 = arith.index_cast %rem3A_271 : i32 to index
          %parallel_loop3A_431 = arith.index_cast %parallel_loop3A_429 : i32 to index
          %parallel_loop3A_432 = arith.index_cast %parallel_loop3A_407 : i32 to index
          %parallel_loop3A_433 = tpu.vector_load %arg5[%parallel_loop3A_430, %parallel_loop3A_431, %parallel_loop3A_432] {strides = array<i32>} : memref<2x240x128xf32, #tpu.memory_space<vmem>>, vector<1x1x16xf32>,
          %parallel_loop3A_434 = vector.shape_cast %parallel_loop3A_433 : vector<1x1x16xf32> to vector<16xf32>
          %parallel_loop3A_435 = arith.mulf %parallel_loop3A_434, %parallel_loop3A_412 : vector<16xf32>
          %parallel_loop3A_436 = arith.constant 1 : i32
          %parallel_loop3A_437 = arith.index_cast %rem3A_328 : i32 to index
          %parallel_loop3A_438 = arith.index_cast %parallel_loop3A_436 : i32 to index
          %parallel_loop3A_439 = arith.index_cast %parallel_loop3A_407 : i32 to index
          %parallel_loop3A_440 = tpu.vector_load %arg7[%parallel_loop3A_437, %parallel_loop3A_438, %parallel_loop3A_439] {strides = array<i32>} : memref<12x16x128xf32, #tpu.memory_space<vmem>>, vector<1x1x16xf32>,
          %parallel_loop3A_441 = vector.shape_cast %parallel_loop3A_440 : vector<1x1x16xf32> to vector<16xf32>
          %parallel_loop3A_442 = vector.shape_cast %parallel_loop3A_435 : vector<16xf32> to vector<1x1x16xf32>
          tpu.vector_store %arg7[%parallel_loop3A_437, %parallel_loop3A_438, %parallel_loop3A_439], %parallel_loop3A_442 {strides = array<i32>} : memref<12x16x128xf32, #tpu.memory_space<vmem>>, vector<1x1x16xf32>,
          %parallel_loop3A_443 = arith.constant 2 : i32
          %parallel_loop3A_444 = arith.addi %select_n3A_359, %parallel_loop3A_443 : i32
          %parallel_loop3A_445 = arith.index_cast %rem3A_271 : i32 to index
          %parallel_loop3A_446 = arith.index_cast %parallel_loop3A_444 : i32 to index
          %parallel_loop3A_447 = arith.index_cast %parallel_loop3A_407 : i32 to index
          %parallel_loop3A_448 = tpu.vector_load %arg5[%parallel_loop3A_445, %parallel_loop3A_446, %parallel_loop3A_447] {strides = array<i32>} : memref<2x240x128xf32, #tpu.memory_space<vmem>>, vector<1x1x16xf32>,
          %parallel_loop3A_449 = vector.shape_cast %parallel_loop3A_448 : vector<1x1x16xf32> to vector<16xf32>
          %parallel_loop3A_450 = arith.mulf %parallel_loop3A_449, %parallel_loop3A_412 : vector<16xf32>
          %parallel_loop3A_451 = arith.constant 2 : i32
          %parallel_loop3A_452 = arith.index_cast %rem3A_328 : i32 to index
          %parallel_loop3A_453 = arith.index_cast %parallel_loop3A_451 : i32 to index
          %parallel_loop3A_454 = arith.index_cast %parallel_loop3A_407 : i32 to index
          %parallel_loop3A_455 = tpu.vector_load %arg7[%parallel_loop3A_452, %parallel_loop3A_453, %parallel_loop3A_454] {strides = array<i32>} : memref<12x16x128xf32, #tpu.memory_space<vmem>>, vector<1x1x16xf32>,
          %parallel_loop3A_456 = vector.shape_cast %parallel_loop3A_455 : vector<1x1x16xf32> to vector<16xf32>
          %parallel_loop3A_457 = vector.shape_cast %parallel_loop3A_450 : vector<16xf32> to vector<1x1x16xf32>
          tpu.vector_store %arg7[%parallel_loop3A_452, %parallel_loop3A_453, %parallel_loop3A_454], %parallel_loop3A_457 {strides = array<i32>} : memref<12x16x128xf32, #tpu.memory_space<vmem>>, vector<1x1x16xf32>,
          %parallel_loop3A_458 = arith.constant 3 : i32
          %parallel_loop3A_459 = arith.addi %select_n3A_359, %parallel_loop3A_458 : i32
          %parallel_loop3A_460 = arith.index_cast %rem3A_271 : i32 to index
          %parallel_loop3A_461 = arith.index_cast %parallel_loop3A_459 : i32 to index
          %parallel_loop3A_462 = arith.index_cast %parallel_loop3A_407 : i32 to index
          %parallel_loop3A_463 = tpu.vector_load %arg5[%parallel_loop3A_460, %parallel_loop3A_461, %parallel_loop3A_462] {strides = array<i32>} : memref<2x240x128xf32, #tpu.memory_space<vmem>>, vector<1x1x16xf32>,
          %parallel_loop3A_464 = vector.shape_cast %parallel_loop3A_463 : vector<1x1x16xf32> to vector<16xf32>
          %parallel_loop3A_465 = arith.mulf %parallel_loop3A_464, %parallel_loop3A_412 : vector<16xf32>
          %parallel_loop3A_466 = arith.constant 3 : i32
          %parallel_loop3A_467 = arith.index_cast %rem3A_328 : i32 to index
          %parallel_loop3A_468 = arith.index_cast %parallel_loop3A_466 : i32 to index
          %parallel_loop3A_469 = arith.index_cast %parallel_loop3A_407 : i32 to index
          %parallel_loop3A_470 = tpu.vector_load %arg7[%parallel_loop3A_467, %parallel_loop3A_468, %parallel_loop3A_469] {strides = array<i32>} : memref<12x16x128xf32, #tpu.memory_space<vmem>>, vector<1x1x16xf32>,
          %parallel_loop3A_471 = vector.shape_cast %parallel_loop3A_470 : vector<1x1x16xf32> to vector<16xf32>
          %parallel_loop3A_472 = vector.shape_cast %parallel_loop3A_465 : vector<16xf32> to vector<1x1x16xf32>
          tpu.vector_store %arg7[%parallel_loop3A_467, %parallel_loop3A_468, %parallel_loop3A_469], %parallel_loop3A_472 {strides = array<i32>} : memref<12x16x128xf32, #tpu.memory_space<vmem>>, vector<1x1x16xf32>,
          %parallel_loop3A_473 = arith.constant 4 : i32
          %parallel_loop3A_474 = arith.addi %select_n3A_359, %parallel_loop3A_473 : i32
          %parallel_loop3A_475 = arith.index_cast %rem3A_271 : i32 to index
          %parallel_loop3A_476 = arith.index_cast %parallel_loop3A_474 : i32 to index
          %parallel_loop3A_477 = arith.index_cast %parallel_loop3A_407 : i32 to index
          %parallel_loop3A_478 = tpu.vector_load %arg5[%parallel_loop3A_475, %parallel_loop3A_476, %parallel_loop3A_477] {strides = array<i32>} : memref<2x240x128xf32, #tpu.memory_space<vmem>>, vector<1x1x16xf32>,
          %parallel_loop3A_479 = vector.shape_cast %parallel_loop3A_478 : vector<1x1x16xf32> to vector<16xf32>
          %parallel_loop3A_480 = arith.mulf %parallel_loop3A_479, %parallel_loop3A_412 : vector<16xf32>
          %parallel_loop3A_481 = arith.constant 4 : i32
          %parallel_loop3A_482 = arith.index_cast %rem3A_328 : i32 to index
          %parallel_loop3A_483 = arith.index_cast %parallel_loop3A_481 : i32 to index
          %parallel_loop3A_484 = arith.index_cast %parallel_loop3A_407 : i32 to index
          %parallel_loop3A_485 = tpu.vector_load %arg7[%parallel_loop3A_482, %parallel_loop3A_483, %parallel_loop3A_484] {strides = array<i32>} : memref<12x16x128xf32, #tpu.memory_space<vmem>>, vector<1x1x16xf32>,
          %parallel_loop3A_486 = vector.shape_cast %parallel_loop3A_485 : vector<1x1x16xf32> to vector<16xf32>
          %parallel_loop3A_487 = vector.shape_cast %parallel_loop3A_480 : vector<16xf32> to vector<1x1x16xf32>
          tpu.vector_store %arg7[%parallel_loop3A_482, %parallel_loop3A_483, %parallel_loop3A_484], %parallel_loop3A_487 {strides = array<i32>} : memref<12x16x128xf32, #tpu.memory_space<vmem>>, vector<1x1x16xf32>,
          %parallel_loop3A_488 = arith.constant 5 : i32
          %parallel_loop3A_489 = arith.addi %select_n3A_359, %parallel_loop3A_488 : i32
          %parallel_loop3A_490 = arith.index_cast %rem3A_271 : i32 to index
          %parallel_loop3A_491 = arith.index_cast %parallel_loop3A_489 : i32 to index
          %parallel_loop3A_492 = arith.index_cast %parallel_loop3A_407 : i32 to index
          %parallel_loop3A_493 = tpu.vector_load %arg5[%parallel_loop3A_490, %parallel_loop3A_491, %parallel_loop3A_492] {strides = array<i32>} : memref<2x240x128xf32, #tpu.memory_space<vmem>>, vector<1x1x16xf32>,
          %parallel_loop3A_494 = vector.shape_cast %parallel_loop3A_493 : vector<1x1x16xf32> to vector<16xf32>
          %parallel_loop3A_495 = arith.mulf %parallel_loop3A_494, %parallel_loop3A_412 : vector<16xf32>
          %parallel_loop3A_496 = arith.constant 5 : i32
          %parallel_loop3A_497 = arith.index_cast %rem3A_328 : i32 to index
          %parallel_loop3A_498 = arith.index_cast %parallel_loop3A_496 : i32 to index
          %parallel_loop3A_499 = arith.index_cast %parallel_loop3A_407 : i32 to index
          %parallel_loop3A_500 = tpu.vector_load %arg7[%parallel_loop3A_497, %parallel_loop3A_498, %parallel_loop3A_499] {strides = array<i32>} : memref<12x16x128xf32, #tpu.memory_space<vmem>>, vector<1x1x16xf32>,
          %parallel_loop3A_501 = vector.shape_cast %parallel_loop3A_500 : vector<1x1x16xf32> to vector<16xf32>
          %parallel_loop3A_502 = vector.shape_cast %parallel_loop3A_495 : vector<16xf32> to vector<1x1x16xf32>
          tpu.vector_store %arg7[%parallel_loop3A_497, %parallel_loop3A_498, %parallel_loop3A_499], %parallel_loop3A_502 {strides = array<i32>} : memref<12x16x128xf32, #tpu.memory_space<vmem>>, vector<1x1x16xf32>,
          %parallel_loop3A_503 = arith.constant 6 : i32
          %parallel_loop3A_504 = arith.addi %select_n3A_359, %parallel_loop3A_503 : i32
          %parallel_loop3A_505 = arith.index_cast %rem3A_271 : i32 to index
          %parallel_loop3A_506 = arith.index_cast %parallel_loop3A_504 : i32 to index
          %parallel_loop3A_507 = arith.index_cast %parallel_loop3A_407 : i32 to index
          %parallel_loop3A_508 = tpu.vector_load %arg5[%parallel_loop3A_505, %parallel_loop3A_506, %parallel_loop3A_507] {strides = array<i32>} : memref<2x240x128xf32, #tpu.memory_space<vmem>>, vector<1x1x16xf32>,
          %parallel_loop3A_509 = vector.shape_cast %parallel_loop3A_508 : vector<1x1x16xf32> to vector<16xf32>
          %parallel_loop3A_510 = arith.mulf %parallel_loop3A_509, %parallel_loop3A_412 : vector<16xf32>
          %parallel_loop3A_511 = arith.constant 6 : i32
          %parallel_loop3A_512 = arith.index_cast %rem3A_328 : i32 to index
          %parallel_loop3A_513 = arith.index_cast %parallel_loop3A_511 : i32 to index
          %parallel_loop3A_514 = arith.index_cast %parallel_loop3A_407 : i32 to index
          %parallel_loop3A_515 = tpu.vector_load %arg7[%parallel_loop3A_512, %parallel_loop3A_513, %parallel_loop3A_514] {strides = array<i32>} : memref<12x16x128xf32, #tpu.memory_space<vmem>>, vector<1x1x16xf32>,
          %parallel_loop3A_516 = vector.shape_cast %parallel_loop3A_515 : vector<1x1x16xf32> to vector<16xf32>
          %parallel_loop3A_517 = vector.shape_cast %parallel_loop3A_510 : vector<16xf32> to vector<1x1x16xf32>
          tpu.vector_store %arg7[%parallel_loop3A_512, %parallel_loop3A_513, %parallel_loop3A_514], %parallel_loop3A_517 {strides = array<i32>} : memref<12x16x128xf32, #tpu.memory_space<vmem>>, vector<1x1x16xf32>,
          %parallel_loop3A_518 = arith.constant 7 : i32
          %parallel_loop3A_519 = arith.addi %select_n3A_359, %parallel_loop3A_518 : i32
          %parallel_loop3A_520 = arith.index_cast %rem3A_271 : i32 to index
          %parallel_loop3A_521 = arith.index_cast %parallel_loop3A_519 : i32 to index
          %parallel_loop3A_522 = arith.index_cast %parallel_loop3A_407 : i32 to index
          %parallel_loop3A_523 = tpu.vector_load %arg5[%parallel_loop3A_520, %parallel_loop3A_521, %parallel_loop3A_522] {strides = array<i32>} : memref<2x240x128xf32, #tpu.memory_space<vmem>>, vector<1x1x16xf32>,
          %parallel_loop3A_524 = vector.shape_cast %parallel_loop3A_523 : vector<1x1x16xf32> to vector<16xf32>
          %parallel_loop3A_525 = arith.mulf %parallel_loop3A_524, %parallel_loop3A_412 : vector<16xf32>
          %parallel_loop3A_526 = arith.constant 7 : i32
          %parallel_loop3A_527 = arith.index_cast %rem3A_328 : i32 to index
          %parallel_loop3A_528 = arith.index_cast %parallel_loop3A_526 : i32 to index
          %parallel_loop3A_529 = arith.index_cast %parallel_loop3A_407 : i32 to index
          %parallel_loop3A_530 = tpu.vector_load %arg7[%parallel_loop3A_527, %parallel_loop3A_528, %parallel_loop3A_529] {strides = array<i32>} : memref<12x16x128xf32, #tpu.memory_space<vmem>>, vector<1x1x16xf32>,
          %parallel_loop3A_531 = vector.shape_cast %parallel_loop3A_530 : vector<1x1x16xf32> to vector<16xf32>
          %parallel_loop3A_532 = vector.shape_cast %parallel_loop3A_525 : vector<16xf32> to vector<1x1x16xf32>
          tpu.vector_store %arg7[%parallel_loop3A_527, %parallel_loop3A_528, %parallel_loop3A_529], %parallel_loop3A_532 {strides = array<i32>} : memref<12x16x128xf32, #tpu.memory_space<vmem>>, vector<1x1x16xf32>,
          %parallel_loop3A_533 = arith.constant 8 : i32
          %parallel_loop3A_534 = arith.addi %select_n3A_359, %parallel_loop3A_533 : i32
          %parallel_loop3A_535 = arith.index_cast %rem3A_271 : i32 to index
          %parallel_loop3A_536 = arith.index_cast %parallel_loop3A_534 : i32 to index
          %parallel_loop3A_537 = arith.index_cast %parallel_loop3A_407 : i32 to index
          %parallel_loop3A_538 = tpu.vector_load %arg5[%parallel_loop3A_535, %parallel_loop3A_536, %parallel_loop3A_537] {strides = array<i32>} : memref<2x240x128xf32, #tpu.memory_space<vmem>>, vector<1x1x16xf32>,
          %parallel_loop3A_539 = vector.shape_cast %parallel_loop3A_538 : vector<1x1x16xf32> to vector<16xf32>
          %parallel_loop3A_540 = arith.mulf %parallel_loop3A_539, %parallel_loop3A_412 : vector<16xf32>
          %parallel_loop3A_541 = arith.constant 8 : i32
          %parallel_loop3A_542 = arith.index_cast %rem3A_328 : i32 to index
          %parallel_loop3A_543 = arith.index_cast %parallel_loop3A_541 : i32 to index
          %parallel_loop3A_544 = arith.index_cast %parallel_loop3A_407 : i32 to index
          %parallel_loop3A_545 = tpu.vector_load %arg7[%parallel_loop3A_542, %parallel_loop3A_543, %parallel_loop3A_544] {strides = array<i32>} : memref<12x16x128xf32, #tpu.memory_space<vmem>>, vector<1x1x16xf32>,
          %parallel_loop3A_546 = vector.shape_cast %parallel_loop3A_545 : vector<1x1x16xf32> to vector<16xf32>
          %parallel_loop3A_547 = vector.shape_cast %parallel_loop3A_540 : vector<16xf32> to vector<1x1x16xf32>
          tpu.vector_store %arg7[%parallel_loop3A_542, %parallel_loop3A_543, %parallel_loop3A_544], %parallel_loop3A_547 {strides = array<i32>} : memref<12x16x128xf32, #tpu.memory_space<vmem>>, vector<1x1x16xf32>,
          %parallel_loop3A_548 = arith.constant 9 : i32
          %parallel_loop3A_549 = arith.addi %select_n3A_359, %parallel_loop3A_548 : i32
          %parallel_loop3A_550 = arith.index_cast %rem3A_271 : i32 to index
          %parallel_loop3A_551 = arith.index_cast %parallel_loop3A_549 : i32 to index
          %parallel_loop3A_552 = arith.index_cast %parallel_loop3A_407 : i32 to index
          %parallel_loop3A_553 = tpu.vector_load %arg5[%parallel_loop3A_550, %parallel_loop3A_551, %parallel_loop3A_552] {strides = array<i32>} : memref<2x240x128xf32, #tpu.memory_space<vmem>>, vector<1x1x16xf32>,
          %parallel_loop3A_554 = vector.shape_cast %parallel_loop3A_553 : vector<1x1x16xf32> to vector<16xf32>
          %parallel_loop3A_555 = arith.mulf %parallel_loop3A_554, %parallel_loop3A_412 : vector<16xf32>
          %parallel_loop3A_556 = arith.constant 9 : i32
          %parallel_loop3A_557 = arith.index_cast %rem3A_328 : i32 to index
          %parallel_loop3A_558 = arith.index_cast %parallel_loop3A_556 : i32 to index
          %parallel_loop3A_559 = arith.index_cast %parallel_loop3A_407 : i32 to index
          %parallel_loop3A_560 = tpu.vector_load %arg7[%parallel_loop3A_557, %parallel_loop3A_558, %parallel_loop3A_559] {strides = array<i32>} : memref<12x16x128xf32, #tpu.memory_space<vmem>>, vector<1x1x16xf32>,
          %parallel_loop3A_561 = vector.shape_cast %parallel_loop3A_560 : vector<1x1x16xf32> to vector<16xf32>
          %parallel_loop3A_562 = vector.shape_cast %parallel_loop3A_555 : vector<16xf32> to vector<1x1x16xf32>
          tpu.vector_store %arg7[%parallel_loop3A_557, %parallel_loop3A_558, %parallel_loop3A_559], %parallel_loop3A_562 {strides = array<i32>} : memref<12x16x128xf32, #tpu.memory_space<vmem>>, vector<1x1x16xf32>,
          %parallel_loop3A_563 = arith.constant 10 : i32
          %parallel_loop3A_564 = arith.addi %select_n3A_359, %parallel_loop3A_563 : i32
          %parallel_loop3A_565 = arith.index_cast %rem3A_271 : i32 to index
          %parallel_loop3A_566 = arith.index_cast %parallel_loop3A_564 : i32 to index
          %parallel_loop3A_567 = arith.index_cast %parallel_loop3A_407 : i32 to index
          %parallel_loop3A_568 = tpu.vector_load %arg5[%parallel_loop3A_565, %parallel_loop3A_566, %parallel_loop3A_567] {strides = array<i32>} : memref<2x240x128xf32, #tpu.memory_space<vmem>>, vector<1x1x16xf32>,
          %parallel_loop3A_569 = vector.shape_cast %parallel_loop3A_568 : vector<1x1x16xf32> to vector<16xf32>
          %parallel_loop3A_570 = arith.mulf %parallel_loop3A_569, %parallel_loop3A_412 : vector<16xf32>
          %parallel_loop3A_571 = arith.constant 10 : i32
          %parallel_loop3A_572 = arith.index_cast %rem3A_328 : i32 to index
          %parallel_loop3A_573 = arith.index_cast %parallel_loop3A_571 : i32 to index
          %parallel_loop3A_574 = arith.index_cast %parallel_loop3A_407 : i32 to index
          %parallel_loop3A_575 = tpu.vector_load %arg7[%parallel_loop3A_572, %parallel_loop3A_573, %parallel_loop3A_574] {strides = array<i32>} : memref<12x16x128xf32, #tpu.memory_space<vmem>>, vector<1x1x16xf32>,
          %parallel_loop3A_576 = vector.shape_cast %parallel_loop3A_575 : vector<1x1x16xf32> to vector<16xf32>
          %parallel_loop3A_577 = vector.shape_cast %parallel_loop3A_570 : vector<16xf32> to vector<1x1x16xf32>
          tpu.vector_store %arg7[%parallel_loop3A_572, %parallel_loop3A_573, %parallel_loop3A_574], %parallel_loop3A_577 {strides = array<i32>} : memref<12x16x128xf32, #tpu.memory_space<vmem>>, vector<1x1x16xf32>,
          %parallel_loop3A_578 = arith.constant 11 : i32
          %parallel_loop3A_579 = arith.addi %select_n3A_359, %parallel_loop3A_578 : i32
          %parallel_loop3A_580 = arith.index_cast %rem3A_271 : i32 to index
          %parallel_loop3A_581 = arith.index_cast %parallel_loop3A_579 : i32 to index
          %parallel_loop3A_582 = arith.index_cast %parallel_loop3A_407 : i32 to index
          %parallel_loop3A_583 = tpu.vector_load %arg5[%parallel_loop3A_580, %parallel_loop3A_581, %parallel_loop3A_582] {strides = array<i32>} : memref<2x240x128xf32, #tpu.memory_space<vmem>>, vector<1x1x16xf32>,
          %parallel_loop3A_584 = vector.shape_cast %parallel_loop3A_583 : vector<1x1x16xf32> to vector<16xf32>
          %parallel_loop3A_585 = arith.mulf %parallel_loop3A_584, %parallel_loop3A_412 : vector<16xf32>
          %parallel_loop3A_586 = arith.constant 11 : i32
          %parallel_loop3A_587 = arith.index_cast %rem3A_328 : i32 to index
          %parallel_loop3A_588 = arith.index_cast %parallel_loop3A_586 : i32 to index
          %parallel_loop3A_589 = arith.index_cast %parallel_loop3A_407 : i32 to index
          %parallel_loop3A_590 = tpu.vector_load %arg7[%parallel_loop3A_587, %parallel_loop3A_588, %parallel_loop3A_589] {strides = array<i32>} : memref<12x16x128xf32, #tpu.memory_space<vmem>>, vector<1x1x16xf32>,
          %parallel_loop3A_591 = vector.shape_cast %parallel_loop3A_590 : vector<1x1x16xf32> to vector<16xf32>
          %parallel_loop3A_592 = vector.shape_cast %parallel_loop3A_585 : vector<16xf32> to vector<1x1x16xf32>
          tpu.vector_store %arg7[%parallel_loop3A_587, %parallel_loop3A_588, %parallel_loop3A_589], %parallel_loop3A_592 {strides = array<i32>} : memref<12x16x128xf32, #tpu.memory_space<vmem>>, vector<1x1x16xf32>,
          %parallel_loop3A_593 = arith.constant 12 : i32
          %parallel_loop3A_594 = arith.addi %select_n3A_359, %parallel_loop3A_593 : i32
          %parallel_loop3A_595 = arith.index_cast %rem3A_271 : i32 to index
          %parallel_loop3A_596 = arith.index_cast %parallel_loop3A_594 : i32 to index
          %parallel_loop3A_597 = arith.index_cast %parallel_loop3A_407 : i32 to index
          %parallel_loop3A_598 = tpu.vector_load %arg5[%parallel_loop3A_595, %parallel_loop3A_596, %parallel_loop3A_597] {strides = array<i32>} : memref<2x240x128xf32, #tpu.memory_space<vmem>>, vector<1x1x16xf32>,
          %parallel_loop3A_599 = vector.shape_cast %parallel_loop3A_598 : vector<1x1x16xf32> to vector<16xf32>
          %parallel_loop3A_600 = arith.mulf %parallel_loop3A_599, %parallel_loop3A_412 : vector<16xf32>
          %parallel_loop3A_601 = arith.constant 12 : i32
          %parallel_loop3A_602 = arith.index_cast %rem3A_328 : i32 to index
          %parallel_loop3A_603 = arith.index_cast %parallel_loop3A_601 : i32 to index
          %parallel_loop3A_604 = arith.index_cast %parallel_loop3A_407 : i32 to index
          %parallel_loop3A_605 = tpu.vector_load %arg7[%parallel_loop3A_602, %parallel_loop3A_603, %parallel_loop3A_604] {strides = array<i32>} : memref<12x16x128xf32, #tpu.memory_space<vmem>>, vector<1x1x16xf32>,
          %parallel_loop3A_606 = vector.shape_cast %parallel_loop3A_605 : vector<1x1x16xf32> to vector<16xf32>
          %parallel_loop3A_607 = vector.shape_cast %parallel_loop3A_600 : vector<16xf32> to vector<1x1x16xf32>
          tpu.vector_store %arg7[%parallel_loop3A_602, %parallel_loop3A_603, %parallel_loop3A_604], %parallel_loop3A_607 {strides = array<i32>} : memref<12x16x128xf32, #tpu.memory_space<vmem>>, vector<1x1x16xf32>,
          %parallel_loop3A_608 = arith.constant 13 : i32
          %parallel_loop3A_609 = arith.addi %select_n3A_359, %parallel_loop3A_608 : i32
          %parallel_loop3A_610 = arith.index_cast %rem3A_271 : i32 to index
          %parallel_loop3A_611 = arith.index_cast %parallel_loop3A_609 : i32 to index
          %parallel_loop3A_612 = arith.index_cast %parallel_loop3A_407 : i32 to index
          %parallel_loop3A_613 = tpu.vector_load %arg5[%parallel_loop3A_610, %parallel_loop3A_611, %parallel_loop3A_612] {strides = array<i32>} : memref<2x240x128xf32, #tpu.memory_space<vmem>>, vector<1x1x16xf32>,
          %parallel_loop3A_614 = vector.shape_cast %parallel_loop3A_613 : vector<1x1x16xf32> to vector<16xf32>
          %parallel_loop3A_615 = arith.mulf %parallel_loop3A_614, %parallel_loop3A_412 : vector<16xf32>
          %parallel_loop3A_616 = arith.constant 13 : i32
          %parallel_loop3A_617 = arith.index_cast %rem3A_328 : i32 to index
          %parallel_loop3A_618 = arith.index_cast %parallel_loop3A_616 : i32 to index
          %parallel_loop3A_619 = arith.index_cast %parallel_loop3A_407 : i32 to index
          %parallel_loop3A_620 = tpu.vector_load %arg7[%parallel_loop3A_617, %parallel_loop3A_618, %parallel_loop3A_619] {strides = array<i32>} : memref<12x16x128xf32, #tpu.memory_space<vmem>>, vector<1x1x16xf32>,
          %parallel_loop3A_621 = vector.shape_cast %parallel_loop3A_620 : vector<1x1x16xf32> to vector<16xf32>
          %parallel_loop3A_622 = vector.shape_cast %parallel_loop3A_615 : vector<16xf32> to vector<1x1x16xf32>
          tpu.vector_store %arg7[%parallel_loop3A_617, %parallel_loop3A_618, %parallel_loop3A_619], %parallel_loop3A_622 {strides = array<i32>} : memref<12x16x128xf32, #tpu.memory_space<vmem>>, vector<1x1x16xf32>,
          %parallel_loop3A_623 = arith.constant 14 : i32
          %parallel_loop3A_624 = arith.addi %select_n3A_359, %parallel_loop3A_623 : i32
          %parallel_loop3A_625 = arith.index_cast %rem3A_271 : i32 to index
          %parallel_loop3A_626 = arith.index_cast %parallel_loop3A_624 : i32 to index
          %parallel_loop3A_627 = arith.index_cast %parallel_loop3A_407 : i32 to index
          %parallel_loop3A_628 = tpu.vector_load %arg5[%parallel_loop3A_625, %parallel_loop3A_626, %parallel_loop3A_627] {strides = array<i32>} : memref<2x240x128xf32, #tpu.memory_space<vmem>>, vector<1x1x16xf32>,
          %parallel_loop3A_629 = vector.shape_cast %parallel_loop3A_628 : vector<1x1x16xf32> to vector<16xf32>
          %parallel_loop3A_630 = arith.mulf %parallel_loop3A_629, %parallel_loop3A_412 : vector<16xf32>
          %parallel_loop3A_631 = arith.constant 14 : i32
          %parallel_loop3A_632 = arith.index_cast %rem3A_328 : i32 to index
          %parallel_loop3A_633 = arith.index_cast %parallel_loop3A_631 : i32 to index
          %parallel_loop3A_634 = arith.index_cast %parallel_loop3A_407 : i32 to index
          %parallel_loop3A_635 = tpu.vector_load %arg7[%parallel_loop3A_632, %parallel_loop3A_633, %parallel_loop3A_634] {strides = array<i32>} : memref<12x16x128xf32, #tpu.memory_space<vmem>>, vector<1x1x16xf32>,
          %parallel_loop3A_636 = vector.shape_cast %parallel_loop3A_635 : vector<1x1x16xf32> to vector<16xf32>
          %parallel_loop3A_637 = vector.shape_cast %parallel_loop3A_630 : vector<16xf32> to vector<1x1x16xf32>
          tpu.vector_store %arg7[%parallel_loop3A_632, %parallel_loop3A_633, %parallel_loop3A_634], %parallel_loop3A_637 {strides = array<i32>} : memref<12x16x128xf32, #tpu.memory_space<vmem>>, vector<1x1x16xf32>,
          %parallel_loop3A_638 = arith.constant 15 : i32
          %parallel_loop3A_639 = arith.addi %select_n3A_359, %parallel_loop3A_638 : i32
          %parallel_loop3A_640 = arith.index_cast %rem3A_271 : i32 to index
          %parallel_loop3A_641 = arith.index_cast %parallel_loop3A_639 : i32 to index
          %parallel_loop3A_642 = arith.index_cast %parallel_loop3A_407 : i32 to index
          %parallel_loop3A_643 = tpu.vector_load %arg5[%parallel_loop3A_640, %parallel_loop3A_641, %parallel_loop3A_642] {strides = array<i32>} : memref<2x240x128xf32, #tpu.memory_space<vmem>>, vector<1x1x16xf32>,
          %parallel_loop3A_644 = vector.shape_cast %parallel_loop3A_643 : vector<1x1x16xf32> to vector<16xf32>
          %parallel_loop3A_645 = arith.mulf %parallel_loop3A_644, %parallel_loop3A_412 : vector<16xf32>
          %parallel_loop3A_646 = arith.constant 15 : i32
          %parallel_loop3A_647 = arith.index_cast %rem3A_328 : i32 to index
          %parallel_loop3A_648 = arith.index_cast %parallel_loop3A_646 : i32 to index
          %parallel_loop3A_649 = arith.index_cast %parallel_loop3A_407 : i32 to index
          %parallel_loop3A_650 = tpu.vector_load %arg7[%parallel_loop3A_647, %parallel_loop3A_648, %parallel_loop3A_649] {strides = array<i32>} : memref<12x16x128xf32, #tpu.memory_space<vmem>>, vector<1x1x16xf32>,
          %parallel_loop3A_651 = vector.shape_cast %parallel_loop3A_650 : vector<1x1x16xf32> to vector<16xf32>
          %parallel_loop3A_652 = vector.shape_cast %parallel_loop3A_645 : vector<16xf32> to vector<1x1x16xf32>
          tpu.vector_store %arg7[%parallel_loop3A_647, %parallel_loop3A_648, %parallel_loop3A_649], %parallel_loop3A_652 {strides = array<i32>} : memref<12x16x128xf32, #tpu.memory_space<vmem>>, vector<1x1x16xf32>,
        } {sc.loop_unroll_factor = 1 : i64, sc.parallel_access}
        %mul3A_388 = arith.constant 16 : i32
        %mul3A_389 = arith.muli %scan3A_326, %mul3A_388 : i32
        %mul3A_390 = arith.constant 128 : i32
        %mul3A_391 = arith.muli %add3A_318, %mul3A_390 : i32
        %multiple_of3A_392 = tpu.assume_multiple %mul3A_391, 128 : i32
        %dma_start3A_393 = arith.constant 0 : i32
        %dma_start3A_394 = arith.constant 0 : i32
        %dma_start3A_395 = tpu.memref_slice %arg7[%rem3A_328, %dma_start3A_393, %dma_start3A_394] : memref<12x16x128xf32, #tpu.memory_space<vmem>> -> memref<1x16x128xf32, #tpu.memory_space<vmem>>
        %dma_start3A_396 = tpu.memref_squeeze %dma_start3A_395 : memref<1x16x128xf32, #tpu.memory_space<vmem>> -> memref<16x128xf32, #tpu.memory_space<vmem>>
        %dma_start3A_397 = tpu.memref_slice %arg4[%mul3A_389, %multiple_of3A_392] : memref<592x100000xf32, #tpu.memory_space<hbm>> -> memref<16x128xf32, #tpu.memory_space<hbm>>
        %dma_start3A_398 = tpu.memref_slice %arg10[%rem3A_328] : memref<12x!tpu.dma_semaphore, #tpu.memory_space<semaphore_mem>> -> memref<1x!tpu.dma_semaphore, #tpu.memory_space<semaphore_mem>>
        %dma_start3A_399 = tpu.memref_squeeze %dma_start3A_398 : memref<1x!tpu.dma_semaphore, #tpu.memory_space<semaphore_mem>> -> memref<!tpu.dma_semaphore, #tpu.memory_space<semaphore_mem>>
        %dma_start3A_400 = tpu.memref_slice %arg4[%mul3A_389, %multiple_of3A_392] : memref<592x100000xf32, #tpu.memory_space<hbm>> -> memref<16x128xf32, #tpu.memory_space<hbm>>
        %dma_start3A_401 = arith.constant 0 : i32
        %dma_start3A_402 = arith.constant 0 : i32
        %dma_start3A_403 = tpu.memref_slice %arg7[%rem3A_328, %dma_start3A_401, %dma_start3A_402] : memref<12x16x128xf32, #tpu.memory_space<vmem>> -> memref<1x16x128xf32, #tpu.memory_space<vmem>>
        %dma_start3A_404 = tpu.memref_squeeze %dma_start3A_403 : memref<1x16x128xf32, #tpu.memory_space<vmem>> -> memref<16x128xf32, #tpu.memory_space<vmem>>
        tpu.enqueue_dma source(%dma_start3A_404 : memref<16x128xf32, #tpu.memory_space<vmem>>) target(%dma_start3A_400 : memref<16x128xf32, #tpu.memory_space<hbm>>) target_semaphore(%dma_start3A_399 : memref<!tpu.dma_semaphore, #tpu.memory_space<semaphore_mem>>)
      }
      %scan3A_325 = arith.constant 37 : i32
    }
    %scan3A_52 = arith.constant 24 : i32
    %convert_element_type3A = arith.extui %lt3A_14 : i1 to i32
    %cond3A = arith.constant 0 : i32
    %cond3A_53 = arith.cmpi ne, %convert_element_type3A, %cond3A : i32
    scf.if %cond3A_53 {
      %multiple_of3A_269 = arith.constant 0 : i32
      %multiple_of3A_270 = tpu.assume_multiple %multiple_of3A_269, 128 : i32
      %dma_wait3A_271 = arith.constant 0 : i32
      %dma_wait3A_272 = arith.constant 0 : i32
      %dma_wait3A_273 = arith.constant 0 : i32
      %dma_wait3A_274 = arith.constant 0 : i32
      %dma_wait3A_275 = tpu.memref_slice %arg5[%dma_wait3A_271, %dma_wait3A_273, %dma_wait3A_274] : memref<2x240x128xf32, #tpu.memory_space<vmem>> -> memref<1x240x128xf32, #tpu.memory_space<vmem>>
      %dma_wait3A_276 = tpu.memref_squeeze %dma_wait3A_275 : memref<1x240x128xf32, #tpu.memory_space<vmem>> -> memref<240x128xf32, #tpu.memory_space<vmem>>
      %dma_wait3A_277 = arith.constant 0 : i32
      %dma_wait3A_278 = tpu.memref_slice %arg3[%dma_wait3A_277, %multiple_of3A_270] : memref<240x100000xf32, #tpu.memory_space<hbm>> -> memref<240x128xf32, #tpu.memory_space<hbm>>
      %dma_wait3A_279 = tpu.memref_slice %arg8[%dma_wait3A_272] : memref<2x!tpu.dma_semaphore, #tpu.memory_space<semaphore_mem>> -> memref<1x!tpu.dma_semaphore, #tpu.memory_space<semaphore_mem>>
      %dma_wait3A_280 = tpu.memref_squeeze %dma_wait3A_279 : memref<1x!tpu.dma_semaphore, #tpu.memory_space<semaphore_mem>> -> memref<!tpu.dma_semaphore, #tpu.memory_space<semaphore_mem>>
      %dma_wait3A_281 = arith.constant 0 : i32
      %dma_wait3A_282 = arith.constant 0 : i32
      %dma_wait3A_283 = tpu.memref_slice %arg5[%dma_wait3A_271, %dma_wait3A_281, %dma_wait3A_282] : memref<2x240x128xf32, #tpu.memory_space<vmem>> -> memref<1x240x128xf32, #tpu.memory_space<vmem>>
      %dma_wait3A_284 = tpu.memref_squeeze %dma_wait3A_283 : memref<1x240x128xf32, #tpu.memory_space<vmem>> -> memref<240x128xf32, #tpu.memory_space<vmem>>
      %dma_wait3A_285 = arith.constant 0 : i32
      %dma_wait3A_286 = tpu.memref_slice %arg3[%dma_wait3A_285, %multiple_of3A_270] : memref<240x100000xf32, #tpu.memory_space<hbm>> -> memref<240x128xf32, #tpu.memory_space<hbm>>
      tpu.wait_dma2 semaphore(%dma_wait3A_280 : memref<!tpu.dma_semaphore, #tpu.memory_space<semaphore_mem>>) src(%dma_wait3A_286 : memref<240x128xf32, #tpu.memory_space<hbm>>) dst(%dma_wait3A_284 : memref<240x128xf32, #tpu.memory_space<vmem>>)
      %dma_wait3A_287 = arith.constant 0 : i32
      %dma_wait3A_288 = arith.constant 0 : i32
      %dma_wait3A_289 = arith.constant 0 : i32
      %dma_wait3A_290 = arith.constant 0 : i32
      %dma_wait3A_291 = tpu.memref_slice %arg6[%dma_wait3A_287, %dma_wait3A_289, %dma_wait3A_290] : memref<2x16x128xf32, #tpu.memory_space<vmem>> -> memref<1x16x128xf32, #tpu.memory_space<vmem>>
      %dma_wait3A_292 = tpu.memref_squeeze %dma_wait3A_291 : memref<1x16x128xf32, #tpu.memory_space<vmem>> -> memref<16x128xf32, #tpu.memory_space<vmem>>
      %dma_wait3A_293 = arith.constant 0 : i32
      %dma_wait3A_294 = tpu.memref_slice %arg2[%dma_wait3A_293, %multiple_of3A_270] : memref<16x100000xf32, #tpu.memory_space<hbm>> -> memref<16x128xf32, #tpu.memory_space<hbm>>
      %dma_wait3A_295 = tpu.memref_slice %arg9[%dma_wait3A_288] : memref<2x!tpu.dma_semaphore, #tpu.memory_space<semaphore_mem>> -> memref<1x!tpu.dma_semaphore, #tpu.memory_space<semaphore_mem>>
      %dma_wait3A_296 = tpu.memref_squeeze %dma_wait3A_295 : memref<1x!tpu.dma_semaphore, #tpu.memory_space<semaphore_mem>> -> memref<!tpu.dma_semaphore, #tpu.memory_space<semaphore_mem>>
      %dma_wait3A_297 = arith.constant 0 : i32
      %dma_wait3A_298 = arith.constant 0 : i32
      %dma_wait3A_299 = tpu.memref_slice %arg6[%dma_wait3A_287, %dma_wait3A_297, %dma_wait3A_298] : memref<2x16x128xf32, #tpu.memory_space<vmem>> -> memref<1x16x128xf32, #tpu.memory_space<vmem>>
      %dma_wait3A_300 = tpu.memref_squeeze %dma_wait3A_299 : memref<1x16x128xf32, #tpu.memory_space<vmem>> -> memref<16x128xf32, #tpu.memory_space<vmem>>
      %dma_wait3A_301 = arith.constant 0 : i32
      %dma_wait3A_302 = tpu.memref_slice %arg2[%dma_wait3A_301, %multiple_of3A_270] : memref<16x100000xf32, #tpu.memory_space<hbm>> -> memref<16x128xf32, #tpu.memory_space<hbm>>
      tpu.wait_dma2 semaphore(%dma_wait3A_296 : memref<!tpu.dma_semaphore, #tpu.memory_space<semaphore_mem>>) src(%dma_wait3A_302 : memref<16x128xf32, #tpu.memory_space<hbm>>) dst(%dma_wait3A_300 : memref<16x128xf32, #tpu.memory_space<vmem>>)
      %while3A = arith.constant 0 : i32
      %while3A_303 = arith.subi %select_n3A_13, %select_n3A : i32
      %while3A_304 = arith.addi %select_n3A, %while3A_303 : i32
      %while3A_305 = arith.constant 1 : i32
      %while3A_306 = arith.divsi %while3A_303, %while3A_305 : i32
      %while3A_307 = arith.muli %while3A_306, %while3A_305 : i32
      %while3A_308 = arith.addi %select_n3A, %while3A_307 : i32
      %while3A_309 = arith.constant 1 : i32
      scf.for %while3A_311 = %select_n3A to %while3A_308 step %while3A_309  : i32 {
        %rem3A_312 = arith.constant 12 : i32
        %rem3A_313 = arith.remsi %while3A_311, %rem3A_312 : i32
        %ge3A = arith.constant 12 : i32
        %ge3A_314 = arith.cmpi sge, %while3A_311, %ge3A : i32
        %or3A = arith.constant true
        %or3A_315 = arith.ori %or3A, %ge3A_314 : i1
        %convert_element_type3A_316 = arith.extui %or3A_315 : i1 to i32
        %cond3A_317 = arith.constant 0 : i32
        %cond3A_318 = arith.cmpi ne, %convert_element_type3A_316, %cond3A_317 : i32
        scf.if %cond3A_318 {
          %multiple_of3A_391 = arith.constant 0 : i32
          %multiple_of3A_392 = tpu.assume_multiple %multiple_of3A_391, 128 : i32
          %dma_wait3A_393 = arith.constant 0 : i32
          %dma_wait3A_394 = arith.constant 0 : i32
          %dma_wait3A_395 = tpu.memref_slice %arg7[%rem3A_313, %dma_wait3A_393, %dma_wait3A_394] : memref<12x16x128xf32, #tpu.memory_space<vmem>> -> memref<1x16x128xf32, #tpu.memory_space<vmem>>
          %dma_wait3A_396 = tpu.memref_squeeze %dma_wait3A_395 : memref<1x16x128xf32, #tpu.memory_space<vmem>> -> memref<16x128xf32, #tpu.memory_space<vmem>>
          %dma_wait3A_397 = arith.constant 0 : i32
          %dma_wait3A_398 = tpu.memref_slice %arg4[%dma_wait3A_397, %multiple_of3A_392] : memref<592x100000xf32, #tpu.memory_space<hbm>> -> memref<16x128xf32, #tpu.memory_space<hbm>>
          %dma_wait3A_399 = tpu.memref_slice %arg10[%rem3A_313] : memref<12x!tpu.dma_semaphore, #tpu.memory_space<semaphore_mem>> -> memref<1x!tpu.dma_semaphore, #tpu.memory_space<semaphore_mem>>
          %dma_wait3A_400 = tpu.memref_squeeze %dma_wait3A_399 : memref<1x!tpu.dma_semaphore, #tpu.memory_space<semaphore_mem>> -> memref<!tpu.dma_semaphore, #tpu.memory_space<semaphore_mem>>
          %dma_wait3A_401 = arith.constant 0 : i32
          %dma_wait3A_402 = tpu.memref_slice %arg4[%dma_wait3A_401, %multiple_of3A_392] : memref<592x100000xf32, #tpu.memory_space<hbm>> -> memref<16x128xf32, #tpu.memory_space<hbm>>
          %dma_wait3A_403 = arith.constant 0 : i32
          %dma_wait3A_404 = arith.constant 0 : i32
          %dma_wait3A_405 = tpu.memref_slice %arg7[%rem3A_313, %dma_wait3A_403, %dma_wait3A_404] : memref<12x16x128xf32, #tpu.memory_space<vmem>> -> memref<1x16x128xf32, #tpu.memory_space<vmem>>
          %dma_wait3A_406 = tpu.memref_squeeze %dma_wait3A_405 : memref<1x16x128xf32, #tpu.memory_space<vmem>> -> memref<16x128xf32, #tpu.memory_space<vmem>>
          tpu.wait_dma2 semaphore(%dma_wait3A_400 : memref<!tpu.dma_semaphore, #tpu.memory_space<semaphore_mem>>) src(%dma_wait3A_406 : memref<16x128xf32, #tpu.memory_space<vmem>>) dst(%dma_wait3A_402 : memref<16x128xf32, #tpu.memory_space<hbm>>)
        } else {
        }
        %lt3A_319 = arith.constant 8 : i32
        %lt3A_320 = arith.cmpi slt, %while3A_311, %lt3A_319 : i32
        %mul3A_321 = arith.constant 16 : i32
        %mul3A_322 = arith.muli %mul3A_321, %while3A_311 : i32
        %lt3A_323 = arith.constant 20 : i32
        %lt3A_324 = arith.cmpi slt, %while3A_311, %lt3A_323 : i32
        %sub3A = arith.constant 8 : i32
        %sub3A_325 = arith.subi %while3A_311, %sub3A : i32
        %rem3A_326 = arith.constant 4 : i32
        %rem3A_327 = arith.remsi %sub3A_325, %rem3A_326 : i32
        %mul3A_328 = arith.constant 16 : i32
        %mul3A_329 = arith.muli %mul3A_328, %rem3A_327 : i32
        %add3A_330 = arith.constant 128 : i32
        %add3A_331 = arith.addi %add3A_330, %mul3A_329 : i32
        %lt3A_332 = arith.constant 30 : i32
        %lt3A_333 = arith.cmpi slt, %while3A_311, %lt3A_332 : i32
        %sub3A_334 = arith.constant 20 : i32
        %sub3A_335 = arith.subi %while3A_311, %sub3A_334 : i32
        %rem3A_336 = arith.constant 2 : i32
        %rem3A_337 = arith.remsi %sub3A_335, %rem3A_336 : i32
        %mul3A_338 = arith.constant 16 : i32
        %mul3A_339 = arith.muli %mul3A_338, %rem3A_337 : i32
        %add3A_340 = arith.constant 192 : i32
        %add3A_341 = arith.addi %add3A_340, %mul3A_339 : i32
        %jit3A_342 = arith.constant 224 : i32
        %select_n3A_343 = arith.select %lt3A_333, %add3A_341, %jit3A_342 : i32
        %select_n3A_344 = arith.select %lt3A_324, %add3A_331, %select_n3A_343 : i32
        %select_n3A_345 = arith.select %lt3A_320, %mul3A_322, %select_n3A_344 : i32
        %lt3A_346 = arith.constant 8 : i32
        %lt3A_347 = arith.cmpi slt, %while3A_311, %lt3A_346 : i32
        %lt3A_348 = arith.constant 20 : i32
        %lt3A_349 = arith.cmpi slt, %while3A_311, %lt3A_348 : i32
        %sub3A_350 = arith.constant 8 : i32
        %sub3A_351 = arith.subi %while3A_311, %sub3A_350 : i32
        %div3A_352 = arith.constant 4 : i32
        %div3A_353 = arith.divsi %sub3A_351, %div3A_352 : i32
        %add3A_354 = arith.constant 1 : i32
        %add3A_355 = arith.addi %add3A_354, %div3A_353 : i32
        %lt3A_356 = arith.constant 30 : i32
        %lt3A_357 = arith.cmpi slt, %while3A_311, %lt3A_356 : i32
        %sub3A_358 = arith.constant 20 : i32
        %sub3A_359 = arith.subi %while3A_311, %sub3A_358 : i32
        %div3A_360 = arith.constant 2 : i32
        %div3A_361 = arith.divsi %sub3A_359, %div3A_360 : i32
        %add3A_362 = arith.constant 4 : i32
        %add3A_363 = arith.addi %add3A_362, %div3A_361 : i32
        %sub3A_364 = arith.constant 30 : i32
        %sub3A_365 = arith.subi %while3A_311, %sub3A_364 : i32
        %add3A_366 = arith.constant 9 : i32
        %add3A_367 = arith.addi %add3A_366, %sub3A_365 : i32
        %select_n3A_368 = arith.select %lt3A_357, %add3A_363, %add3A_367 : i32
        %select_n3A_369 = arith.select %lt3A_349, %add3A_355, %select_n3A_368 : i32
        %jit3A_370 = arith.constant 0 : i32
        %select_n3A_371 = arith.select %lt3A_347, %jit3A_370, %select_n3A_369 : i32
        %parallel_loop3A = arith.constant 0 : i32
        %parallel_loop3A_372 = arith.constant 8 : i32
        %parallel_loop3A_373 = arith.constant 1 : i32
        scf.for %parallel_loop3A_391 = %parallel_loop3A to %parallel_loop3A_372 step %parallel_loop3A_373  : i32 {
          %parallel_loop3A_392 = arith.constant 16 : i32
          %parallel_loop3A_393 = arith.muli %parallel_loop3A_391, %parallel_loop3A_392 : i32
          %parallel_loop3A_394 = arith.constant 0 : i32
          %parallel_loop3A_395 = arith.index_cast %parallel_loop3A_394 : i32 to index
          %parallel_loop3A_396 = arith.index_cast %select_n3A_371 : i32 to index
          %parallel_loop3A_397 = arith.index_cast %parallel_loop3A_393 : i32 to index
          %parallel_loop3A_398 = tpu.vector_load %arg6[%parallel_loop3A_395, %parallel_loop3A_396, %parallel_loop3A_397] {strides = array<i32>} : memref<2x16x128xf32, #tpu.memory_space<vmem>>, vector<1x1x16xf32>,
          %parallel_loop3A_399 = vector.shape_cast %parallel_loop3A_398 : vector<1x1x16xf32> to vector<16xf32>
          %parallel_loop3A_400 = arith.constant 0 : i32
          %parallel_loop3A_401 = arith.addi %select_n3A_345, %parallel_loop3A_400 : i32
          %parallel_loop3A_402 = arith.constant 0 : i32
          %parallel_loop3A_403 = arith.index_cast %parallel_loop3A_402 : i32 to index
          %parallel_loop3A_404 = arith.index_cast %parallel_loop3A_401 : i32 to index
          %parallel_loop3A_405 = arith.index_cast %parallel_loop3A_393 : i32 to index
          %parallel_loop3A_406 = tpu.vector_load %arg5[%parallel_loop3A_403, %parallel_loop3A_404, %parallel_loop3A_405] {strides = array<i32>} : memref<2x240x128xf32, #tpu.memory_space<vmem>>, vector<1x1x16xf32>,
          %parallel_loop3A_407 = vector.shape_cast %parallel_loop3A_406 : vector<1x1x16xf32> to vector<16xf32>
          %parallel_loop3A_408 = arith.mulf %parallel_loop3A_407, %parallel_loop3A_399 : vector<16xf32>
          %parallel_loop3A_409 = arith.constant 0 : i32
          %parallel_loop3A_410 = arith.index_cast %rem3A_313 : i32 to index
          %parallel_loop3A_411 = arith.index_cast %parallel_loop3A_409 : i32 to index
          %parallel_loop3A_412 = arith.index_cast %parallel_loop3A_393 : i32 to index
          %parallel_loop3A_413 = tpu.vector_load %arg7[%parallel_loop3A_410, %parallel_loop3A_411, %parallel_loop3A_412] {strides = array<i32>} : memref<12x16x128xf32, #tpu.memory_space<vmem>>, vector<1x1x16xf32>,
          %parallel_loop3A_414 = vector.shape_cast %parallel_loop3A_413 : vector<1x1x16xf32> to vector<16xf32>
          %parallel_loop3A_415 = vector.shape_cast %parallel_loop3A_408 : vector<16xf32> to vector<1x1x16xf32>
          tpu.vector_store %arg7[%parallel_loop3A_410, %parallel_loop3A_411, %parallel_loop3A_412], %parallel_loop3A_415 {strides = array<i32>} : memref<12x16x128xf32, #tpu.memory_space<vmem>>, vector<1x1x16xf32>,
          %parallel_loop3A_416 = arith.constant 1 : i32
          %parallel_loop3A_417 = arith.addi %select_n3A_345, %parallel_loop3A_416 : i32
          %parallel_loop3A_418 = arith.constant 0 : i32
          %parallel_loop3A_419 = arith.index_cast %parallel_loop3A_418 : i32 to index
          %parallel_loop3A_420 = arith.index_cast %parallel_loop3A_417 : i32 to index
          %parallel_loop3A_421 = arith.index_cast %parallel_loop3A_393 : i32 to index
          %parallel_loop3A_422 = tpu.vector_load %arg5[%parallel_loop3A_419, %parallel_loop3A_420, %parallel_loop3A_421] {strides = array<i32>} : memref<2x240x128xf32, #tpu.memory_space<vmem>>, vector<1x1x16xf32>,
          %parallel_loop3A_423 = vector.shape_cast %parallel_loop3A_422 : vector<1x1x16xf32> to vector<16xf32>
          %parallel_loop3A_424 = arith.mulf %parallel_loop3A_423, %parallel_loop3A_399 : vector<16xf32>
          %parallel_loop3A_425 = arith.constant 1 : i32
          %parallel_loop3A_426 = arith.index_cast %rem3A_313 : i32 to index
          %parallel_loop3A_427 = arith.index_cast %parallel_loop3A_425 : i32 to index
          %parallel_loop3A_428 = arith.index_cast %parallel_loop3A_393 : i32 to index
          %parallel_loop3A_429 = tpu.vector_load %arg7[%parallel_loop3A_426, %parallel_loop3A_427, %parallel_loop3A_428] {strides = array<i32>} : memref<12x16x128xf32, #tpu.memory_space<vmem>>, vector<1x1x16xf32>,
          %parallel_loop3A_430 = vector.shape_cast %parallel_loop3A_429 : vector<1x1x16xf32> to vector<16xf32>
          %parallel_loop3A_431 = vector.shape_cast %parallel_loop3A_424 : vector<16xf32> to vector<1x1x16xf32>
          tpu.vector_store %arg7[%parallel_loop3A_426, %parallel_loop3A_427, %parallel_loop3A_428], %parallel_loop3A_431 {strides = array<i32>} : memref<12x16x128xf32, #tpu.memory_space<vmem>>, vector<1x1x16xf32>,
          %parallel_loop3A_432 = arith.constant 2 : i32
          %parallel_loop3A_433 = arith.addi %select_n3A_345, %parallel_loop3A_432 : i32
          %parallel_loop3A_434 = arith.constant 0 : i32
          %parallel_loop3A_435 = arith.index_cast %parallel_loop3A_434 : i32 to index
          %parallel_loop3A_436 = arith.index_cast %parallel_loop3A_433 : i32 to index
          %parallel_loop3A_437 = arith.index_cast %parallel_loop3A_393 : i32 to index
          %parallel_loop3A_438 = tpu.vector_load %arg5[%parallel_loop3A_435, %parallel_loop3A_436, %parallel_loop3A_437] {strides = array<i32>} : memref<2x240x128xf32, #tpu.memory_space<vmem>>, vector<1x1x16xf32>,
          %parallel_loop3A_439 = vector.shape_cast %parallel_loop3A_438 : vector<1x1x16xf32> to vector<16xf32>
          %parallel_loop3A_440 = arith.mulf %parallel_loop3A_439, %parallel_loop3A_399 : vector<16xf32>
          %parallel_loop3A_441 = arith.constant 2 : i32
          %parallel_loop3A_442 = arith.index_cast %rem3A_313 : i32 to index
          %parallel_loop3A_443 = arith.index_cast %parallel_loop3A_441 : i32 to index
          %parallel_loop3A_444 = arith.index_cast %parallel_loop3A_393 : i32 to index
          %parallel_loop3A_445 = tpu.vector_load %arg7[%parallel_loop3A_442, %parallel_loop3A_443, %parallel_loop3A_444] {strides = array<i32>} : memref<12x16x128xf32, #tpu.memory_space<vmem>>, vector<1x1x16xf32>,
          %parallel_loop3A_446 = vector.shape_cast %parallel_loop3A_445 : vector<1x1x16xf32> to vector<16xf32>
          %parallel_loop3A_447 = vector.shape_cast %parallel_loop3A_440 : vector<16xf32> to vector<1x1x16xf32>
          tpu.vector_store %arg7[%parallel_loop3A_442, %parallel_loop3A_443, %parallel_loop3A_444], %parallel_loop3A_447 {strides = array<i32>} : memref<12x16x128xf32, #tpu.memory_space<vmem>>, vector<1x1x16xf32>,
          %parallel_loop3A_448 = arith.constant 3 : i32
          %parallel_loop3A_449 = arith.addi %select_n3A_345, %parallel_loop3A_448 : i32
          %parallel_loop3A_450 = arith.constant 0 : i32
          %parallel_loop3A_451 = arith.index_cast %parallel_loop3A_450 : i32 to index
          %parallel_loop3A_452 = arith.index_cast %parallel_loop3A_449 : i32 to index
          %parallel_loop3A_453 = arith.index_cast %parallel_loop3A_393 : i32 to index
          %parallel_loop3A_454 = tpu.vector_load %arg5[%parallel_loop3A_451, %parallel_loop3A_452, %parallel_loop3A_453] {strides = array<i32>} : memref<2x240x128xf32, #tpu.memory_space<vmem>>, vector<1x1x16xf32>,
          %parallel_loop3A_455 = vector.shape_cast %parallel_loop3A_454 : vector<1x1x16xf32> to vector<16xf32>
          %parallel_loop3A_456 = arith.mulf %parallel_loop3A_455, %parallel_loop3A_399 : vector<16xf32>
          %parallel_loop3A_457 = arith.constant 3 : i32
          %parallel_loop3A_458 = arith.index_cast %rem3A_313 : i32 to index
          %parallel_loop3A_459 = arith.index_cast %parallel_loop3A_457 : i32 to index
          %parallel_loop3A_460 = arith.index_cast %parallel_loop3A_393 : i32 to index
          %parallel_loop3A_461 = tpu.vector_load %arg7[%parallel_loop3A_458, %parallel_loop3A_459, %parallel_loop3A_460] {strides = array<i32>} : memref<12x16x128xf32, #tpu.memory_space<vmem>>, vector<1x1x16xf32>,
          %parallel_loop3A_462 = vector.shape_cast %parallel_loop3A_461 : vector<1x1x16xf32> to vector<16xf32>
          %parallel_loop3A_463 = vector.shape_cast %parallel_loop3A_456 : vector<16xf32> to vector<1x1x16xf32>
          tpu.vector_store %arg7[%parallel_loop3A_458, %parallel_loop3A_459, %parallel_loop3A_460], %parallel_loop3A_463 {strides = array<i32>} : memref<12x16x128xf32, #tpu.memory_space<vmem>>, vector<1x1x16xf32>,
          %parallel_loop3A_464 = arith.constant 4 : i32
          %parallel_loop3A_465 = arith.addi %select_n3A_345, %parallel_loop3A_464 : i32
          %parallel_loop3A_466 = arith.constant 0 : i32
          %parallel_loop3A_467 = arith.index_cast %parallel_loop3A_466 : i32 to index
          %parallel_loop3A_468 = arith.index_cast %parallel_loop3A_465 : i32 to index
          %parallel_loop3A_469 = arith.index_cast %parallel_loop3A_393 : i32 to index
          %parallel_loop3A_470 = tpu.vector_load %arg5[%parallel_loop3A_467, %parallel_loop3A_468, %parallel_loop3A_469] {strides = array<i32>} : memref<2x240x128xf32, #tpu.memory_space<vmem>>, vector<1x1x16xf32>,
          %parallel_loop3A_471 = vector.shape_cast %parallel_loop3A_470 : vector<1x1x16xf32> to vector<16xf32>
          %parallel_loop3A_472 = arith.mulf %parallel_loop3A_471, %parallel_loop3A_399 : vector<16xf32>
          %parallel_loop3A_473 = arith.constant 4 : i32
          %parallel_loop3A_474 = arith.index_cast %rem3A_313 : i32 to index
          %parallel_loop3A_475 = arith.index_cast %parallel_loop3A_473 : i32 to index
          %parallel_loop3A_476 = arith.index_cast %parallel_loop3A_393 : i32 to index
          %parallel_loop3A_477 = tpu.vector_load %arg7[%parallel_loop3A_474, %parallel_loop3A_475, %parallel_loop3A_476] {strides = array<i32>} : memref<12x16x128xf32, #tpu.memory_space<vmem>>, vector<1x1x16xf32>,
          %parallel_loop3A_478 = vector.shape_cast %parallel_loop3A_477 : vector<1x1x16xf32> to vector<16xf32>
          %parallel_loop3A_479 = vector.shape_cast %parallel_loop3A_472 : vector<16xf32> to vector<1x1x16xf32>
          tpu.vector_store %arg7[%parallel_loop3A_474, %parallel_loop3A_475, %parallel_loop3A_476], %parallel_loop3A_479 {strides = array<i32>} : memref<12x16x128xf32, #tpu.memory_space<vmem>>, vector<1x1x16xf32>,
          %parallel_loop3A_480 = arith.constant 5 : i32
          %parallel_loop3A_481 = arith.addi %select_n3A_345, %parallel_loop3A_480 : i32
          %parallel_loop3A_482 = arith.constant 0 : i32
          %parallel_loop3A_483 = arith.index_cast %parallel_loop3A_482 : i32 to index
          %parallel_loop3A_484 = arith.index_cast %parallel_loop3A_481 : i32 to index
          %parallel_loop3A_485 = arith.index_cast %parallel_loop3A_393 : i32 to index
          %parallel_loop3A_486 = tpu.vector_load %arg5[%parallel_loop3A_483, %parallel_loop3A_484, %parallel_loop3A_485] {strides = array<i32>} : memref<2x240x128xf32, #tpu.memory_space<vmem>>, vector<1x1x16xf32>,
          %parallel_loop3A_487 = vector.shape_cast %parallel_loop3A_486 : vector<1x1x16xf32> to vector<16xf32>
          %parallel_loop3A_488 = arith.mulf %parallel_loop3A_487, %parallel_loop3A_399 : vector<16xf32>
          %parallel_loop3A_489 = arith.constant 5 : i32
          %parallel_loop3A_490 = arith.index_cast %rem3A_313 : i32 to index
          %parallel_loop3A_491 = arith.index_cast %parallel_loop3A_489 : i32 to index
          %parallel_loop3A_492 = arith.index_cast %parallel_loop3A_393 : i32 to index
          %parallel_loop3A_493 = tpu.vector_load %arg7[%parallel_loop3A_490, %parallel_loop3A_491, %parallel_loop3A_492] {strides = array<i32>} : memref<12x16x128xf32, #tpu.memory_space<vmem>>, vector<1x1x16xf32>,
          %parallel_loop3A_494 = vector.shape_cast %parallel_loop3A_493 : vector<1x1x16xf32> to vector<16xf32>
          %parallel_loop3A_495 = vector.shape_cast %parallel_loop3A_488 : vector<16xf32> to vector<1x1x16xf32>
          tpu.vector_store %arg7[%parallel_loop3A_490, %parallel_loop3A_491, %parallel_loop3A_492], %parallel_loop3A_495 {strides = array<i32>} : memref<12x16x128xf32, #tpu.memory_space<vmem>>, vector<1x1x16xf32>,
          %parallel_loop3A_496 = arith.constant 6 : i32
          %parallel_loop3A_497 = arith.addi %select_n3A_345, %parallel_loop3A_496 : i32
          %parallel_loop3A_498 = arith.constant 0 : i32
          %parallel_loop3A_499 = arith.index_cast %parallel_loop3A_498 : i32 to index
          %parallel_loop3A_500 = arith.index_cast %parallel_loop3A_497 : i32 to index
          %parallel_loop3A_501 = arith.index_cast %parallel_loop3A_393 : i32 to index
          %parallel_loop3A_502 = tpu.vector_load %arg5[%parallel_loop3A_499, %parallel_loop3A_500, %parallel_loop3A_501] {strides = array<i32>} : memref<2x240x128xf32, #tpu.memory_space<vmem>>, vector<1x1x16xf32>,
          %parallel_loop3A_503 = vector.shape_cast %parallel_loop3A_502 : vector<1x1x16xf32> to vector<16xf32>
          %parallel_loop3A_504 = arith.mulf %parallel_loop3A_503, %parallel_loop3A_399 : vector<16xf32>
          %parallel_loop3A_505 = arith.constant 6 : i32
          %parallel_loop3A_506 = arith.index_cast %rem3A_313 : i32 to index
          %parallel_loop3A_507 = arith.index_cast %parallel_loop3A_505 : i32 to index
          %parallel_loop3A_508 = arith.index_cast %parallel_loop3A_393 : i32 to index
          %parallel_loop3A_509 = tpu.vector_load %arg7[%parallel_loop3A_506, %parallel_loop3A_507, %parallel_loop3A_508] {strides = array<i32>} : memref<12x16x128xf32, #tpu.memory_space<vmem>>, vector<1x1x16xf32>,
          %parallel_loop3A_510 = vector.shape_cast %parallel_loop3A_509 : vector<1x1x16xf32> to vector<16xf32>
          %parallel_loop3A_511 = vector.shape_cast %parallel_loop3A_504 : vector<16xf32> to vector<1x1x16xf32>
          tpu.vector_store %arg7[%parallel_loop3A_506, %parallel_loop3A_507, %parallel_loop3A_508], %parallel_loop3A_511 {strides = array<i32>} : memref<12x16x128xf32, #tpu.memory_space<vmem>>, vector<1x1x16xf32>,
          %parallel_loop3A_512 = arith.constant 7 : i32
          %parallel_loop3A_513 = arith.addi %select_n3A_345, %parallel_loop3A_512 : i32
          %parallel_loop3A_514 = arith.constant 0 : i32
          %parallel_loop3A_515 = arith.index_cast %parallel_loop3A_514 : i32 to index
          %parallel_loop3A_516 = arith.index_cast %parallel_loop3A_513 : i32 to index
          %parallel_loop3A_517 = arith.index_cast %parallel_loop3A_393 : i32 to index
          %parallel_loop3A_518 = tpu.vector_load %arg5[%parallel_loop3A_515, %parallel_loop3A_516, %parallel_loop3A_517] {strides = array<i32>} : memref<2x240x128xf32, #tpu.memory_space<vmem>>, vector<1x1x16xf32>,
          %parallel_loop3A_519 = vector.shape_cast %parallel_loop3A_518 : vector<1x1x16xf32> to vector<16xf32>
          %parallel_loop3A_520 = arith.mulf %parallel_loop3A_519, %parallel_loop3A_399 : vector<16xf32>
          %parallel_loop3A_521 = arith.constant 7 : i32
          %parallel_loop3A_522 = arith.index_cast %rem3A_313 : i32 to index
          %parallel_loop3A_523 = arith.index_cast %parallel_loop3A_521 : i32 to index
          %parallel_loop3A_524 = arith.index_cast %parallel_loop3A_393 : i32 to index
          %parallel_loop3A_525 = tpu.vector_load %arg7[%parallel_loop3A_522, %parallel_loop3A_523, %parallel_loop3A_524] {strides = array<i32>} : memref<12x16x128xf32, #tpu.memory_space<vmem>>, vector<1x1x16xf32>,
          %parallel_loop3A_526 = vector.shape_cast %parallel_loop3A_525 : vector<1x1x16xf32> to vector<16xf32>
          %parallel_loop3A_527 = vector.shape_cast %parallel_loop3A_520 : vector<16xf32> to vector<1x1x16xf32>
          tpu.vector_store %arg7[%parallel_loop3A_522, %parallel_loop3A_523, %parallel_loop3A_524], %parallel_loop3A_527 {strides = array<i32>} : memref<12x16x128xf32, #tpu.memory_space<vmem>>, vector<1x1x16xf32>,
          %parallel_loop3A_528 = arith.constant 8 : i32
          %parallel_loop3A_529 = arith.addi %select_n3A_345, %parallel_loop3A_528 : i32
          %parallel_loop3A_530 = arith.constant 0 : i32
          %parallel_loop3A_531 = arith.index_cast %parallel_loop3A_530 : i32 to index
          %parallel_loop3A_532 = arith.index_cast %parallel_loop3A_529 : i32 to index
          %parallel_loop3A_533 = arith.index_cast %parallel_loop3A_393 : i32 to index
          %parallel_loop3A_534 = tpu.vector_load %arg5[%parallel_loop3A_531, %parallel_loop3A_532, %parallel_loop3A_533] {strides = array<i32>} : memref<2x240x128xf32, #tpu.memory_space<vmem>>, vector<1x1x16xf32>,
          %parallel_loop3A_535 = vector.shape_cast %parallel_loop3A_534 : vector<1x1x16xf32> to vector<16xf32>
          %parallel_loop3A_536 = arith.mulf %parallel_loop3A_535, %parallel_loop3A_399 : vector<16xf32>
          %parallel_loop3A_537 = arith.constant 8 : i32
          %parallel_loop3A_538 = arith.index_cast %rem3A_313 : i32 to index
          %parallel_loop3A_539 = arith.index_cast %parallel_loop3A_537 : i32 to index
          %parallel_loop3A_540 = arith.index_cast %parallel_loop3A_393 : i32 to index
          %parallel_loop3A_541 = tpu.vector_load %arg7[%parallel_loop3A_538, %parallel_loop3A_539, %parallel_loop3A_540] {strides = array<i32>} : memref<12x16x128xf32, #tpu.memory_space<vmem>>, vector<1x1x16xf32>,
          %parallel_loop3A_542 = vector.shape_cast %parallel_loop3A_541 : vector<1x1x16xf32> to vector<16xf32>
          %parallel_loop3A_543 = vector.shape_cast %parallel_loop3A_536 : vector<16xf32> to vector<1x1x16xf32>
          tpu.vector_store %arg7[%parallel_loop3A_538, %parallel_loop3A_539, %parallel_loop3A_540], %parallel_loop3A_543 {strides = array<i32>} : memref<12x16x128xf32, #tpu.memory_space<vmem>>, vector<1x1x16xf32>,
          %parallel_loop3A_544 = arith.constant 9 : i32
          %parallel_loop3A_545 = arith.addi %select_n3A_345, %parallel_loop3A_544 : i32
          %parallel_loop3A_546 = arith.constant 0 : i32
          %parallel_loop3A_547 = arith.index_cast %parallel_loop3A_546 : i32 to index
          %parallel_loop3A_548 = arith.index_cast %parallel_loop3A_545 : i32 to index
          %parallel_loop3A_549 = arith.index_cast %parallel_loop3A_393 : i32 to index
          %parallel_loop3A_550 = tpu.vector_load %arg5[%parallel_loop3A_547, %parallel_loop3A_548, %parallel_loop3A_549] {strides = array<i32>} : memref<2x240x128xf32, #tpu.memory_space<vmem>>, vector<1x1x16xf32>,
          %parallel_loop3A_551 = vector.shape_cast %parallel_loop3A_550 : vector<1x1x16xf32> to vector<16xf32>
          %parallel_loop3A_552 = arith.mulf %parallel_loop3A_551, %parallel_loop3A_399 : vector<16xf32>
          %parallel_loop3A_553 = arith.constant 9 : i32
          %parallel_loop3A_554 = arith.index_cast %rem3A_313 : i32 to index
          %parallel_loop3A_555 = arith.index_cast %parallel_loop3A_553 : i32 to index
          %parallel_loop3A_556 = arith.index_cast %parallel_loop3A_393 : i32 to index
          %parallel_loop3A_557 = tpu.vector_load %arg7[%parallel_loop3A_554, %parallel_loop3A_555, %parallel_loop3A_556] {strides = array<i32>} : memref<12x16x128xf32, #tpu.memory_space<vmem>>, vector<1x1x16xf32>,
          %parallel_loop3A_558 = vector.shape_cast %parallel_loop3A_557 : vector<1x1x16xf32> to vector<16xf32>
          %parallel_loop3A_559 = vector.shape_cast %parallel_loop3A_552 : vector<16xf32> to vector<1x1x16xf32>
          tpu.vector_store %arg7[%parallel_loop3A_554, %parallel_loop3A_555, %parallel_loop3A_556], %parallel_loop3A_559 {strides = array<i32>} : memref<12x16x128xf32, #tpu.memory_space<vmem>>, vector<1x1x16xf32>,
          %parallel_loop3A_560 = arith.constant 10 : i32
          %parallel_loop3A_561 = arith.addi %select_n3A_345, %parallel_loop3A_560 : i32
          %parallel_loop3A_562 = arith.constant 0 : i32
          %parallel_loop3A_563 = arith.index_cast %parallel_loop3A_562 : i32 to index
          %parallel_loop3A_564 = arith.index_cast %parallel_loop3A_561 : i32 to index
          %parallel_loop3A_565 = arith.index_cast %parallel_loop3A_393 : i32 to index
          %parallel_loop3A_566 = tpu.vector_load %arg5[%parallel_loop3A_563, %parallel_loop3A_564, %parallel_loop3A_565] {strides = array<i32>} : memref<2x240x128xf32, #tpu.memory_space<vmem>>, vector<1x1x16xf32>,
          %parallel_loop3A_567 = vector.shape_cast %parallel_loop3A_566 : vector<1x1x16xf32> to vector<16xf32>
          %parallel_loop3A_568 = arith.mulf %parallel_loop3A_567, %parallel_loop3A_399 : vector<16xf32>
          %parallel_loop3A_569 = arith.constant 10 : i32
          %parallel_loop3A_570 = arith.index_cast %rem3A_313 : i32 to index
          %parallel_loop3A_571 = arith.index_cast %parallel_loop3A_569 : i32 to index
          %parallel_loop3A_572 = arith.index_cast %parallel_loop3A_393 : i32 to index
          %parallel_loop3A_573 = tpu.vector_load %arg7[%parallel_loop3A_570, %parallel_loop3A_571, %parallel_loop3A_572] {strides = array<i32>} : memref<12x16x128xf32, #tpu.memory_space<vmem>>, vector<1x1x16xf32>,
          %parallel_loop3A_574 = vector.shape_cast %parallel_loop3A_573 : vector<1x1x16xf32> to vector<16xf32>
          %parallel_loop3A_575 = vector.shape_cast %parallel_loop3A_568 : vector<16xf32> to vector<1x1x16xf32>
          tpu.vector_store %arg7[%parallel_loop3A_570, %parallel_loop3A_571, %parallel_loop3A_572], %parallel_loop3A_575 {strides = array<i32>} : memref<12x16x128xf32, #tpu.memory_space<vmem>>, vector<1x1x16xf32>,
          %parallel_loop3A_576 = arith.constant 11 : i32
          %parallel_loop3A_577 = arith.addi %select_n3A_345, %parallel_loop3A_576 : i32
          %parallel_loop3A_578 = arith.constant 0 : i32
          %parallel_loop3A_579 = arith.index_cast %parallel_loop3A_578 : i32 to index
          %parallel_loop3A_580 = arith.index_cast %parallel_loop3A_577 : i32 to index
          %parallel_loop3A_581 = arith.index_cast %parallel_loop3A_393 : i32 to index
          %parallel_loop3A_582 = tpu.vector_load %arg5[%parallel_loop3A_579, %parallel_loop3A_580, %parallel_loop3A_581] {strides = array<i32>} : memref<2x240x128xf32, #tpu.memory_space<vmem>>, vector<1x1x16xf32>,
          %parallel_loop3A_583 = vector.shape_cast %parallel_loop3A_582 : vector<1x1x16xf32> to vector<16xf32>
          %parallel_loop3A_584 = arith.mulf %parallel_loop3A_583, %parallel_loop3A_399 : vector<16xf32>
          %parallel_loop3A_585 = arith.constant 11 : i32
          %parallel_loop3A_586 = arith.index_cast %rem3A_313 : i32 to index
          %parallel_loop3A_587 = arith.index_cast %parallel_loop3A_585 : i32 to index
          %parallel_loop3A_588 = arith.index_cast %parallel_loop3A_393 : i32 to index
          %parallel_loop3A_589 = tpu.vector_load %arg7[%parallel_loop3A_586, %parallel_loop3A_587, %parallel_loop3A_588] {strides = array<i32>} : memref<12x16x128xf32, #tpu.memory_space<vmem>>, vector<1x1x16xf32>,
          %parallel_loop3A_590 = vector.shape_cast %parallel_loop3A_589 : vector<1x1x16xf32> to vector<16xf32>
          %parallel_loop3A_591 = vector.shape_cast %parallel_loop3A_584 : vector<16xf32> to vector<1x1x16xf32>
          tpu.vector_store %arg7[%parallel_loop3A_586, %parallel_loop3A_587, %parallel_loop3A_588], %parallel_loop3A_591 {strides = array<i32>} : memref<12x16x128xf32, #tpu.memory_space<vmem>>, vector<1x1x16xf32>,
          %parallel_loop3A_592 = arith.constant 12 : i32
          %parallel_loop3A_593 = arith.addi %select_n3A_345, %parallel_loop3A_592 : i32
          %parallel_loop3A_594 = arith.constant 0 : i32
          %parallel_loop3A_595 = arith.index_cast %parallel_loop3A_594 : i32 to index
          %parallel_loop3A_596 = arith.index_cast %parallel_loop3A_593 : i32 to index
          %parallel_loop3A_597 = arith.index_cast %parallel_loop3A_393 : i32 to index
          %parallel_loop3A_598 = tpu.vector_load %arg5[%parallel_loop3A_595, %parallel_loop3A_596, %parallel_loop3A_597] {strides = array<i32>} : memref<2x240x128xf32, #tpu.memory_space<vmem>>, vector<1x1x16xf32>,
          %parallel_loop3A_599 = vector.shape_cast %parallel_loop3A_598 : vector<1x1x16xf32> to vector<16xf32>
          %parallel_loop3A_600 = arith.mulf %parallel_loop3A_599, %parallel_loop3A_399 : vector<16xf32>
          %parallel_loop3A_601 = arith.constant 12 : i32
          %parallel_loop3A_602 = arith.index_cast %rem3A_313 : i32 to index
          %parallel_loop3A_603 = arith.index_cast %parallel_loop3A_601 : i32 to index
          %parallel_loop3A_604 = arith.index_cast %parallel_loop3A_393 : i32 to index
          %parallel_loop3A_605 = tpu.vector_load %arg7[%parallel_loop3A_602, %parallel_loop3A_603, %parallel_loop3A_604] {strides = array<i32>} : memref<12x16x128xf32, #tpu.memory_space<vmem>>, vector<1x1x16xf32>,
          %parallel_loop3A_606 = vector.shape_cast %parallel_loop3A_605 : vector<1x1x16xf32> to vector<16xf32>
          %parallel_loop3A_607 = vector.shape_cast %parallel_loop3A_600 : vector<16xf32> to vector<1x1x16xf32>
          tpu.vector_store %arg7[%parallel_loop3A_602, %parallel_loop3A_603, %parallel_loop3A_604], %parallel_loop3A_607 {strides = array<i32>} : memref<12x16x128xf32, #tpu.memory_space<vmem>>, vector<1x1x16xf32>,
          %parallel_loop3A_608 = arith.constant 13 : i32
          %parallel_loop3A_609 = arith.addi %select_n3A_345, %parallel_loop3A_608 : i32
          %parallel_loop3A_610 = arith.constant 0 : i32
          %parallel_loop3A_611 = arith.index_cast %parallel_loop3A_610 : i32 to index
          %parallel_loop3A_612 = arith.index_cast %parallel_loop3A_609 : i32 to index
          %parallel_loop3A_613 = arith.index_cast %parallel_loop3A_393 : i32 to index
          %parallel_loop3A_614 = tpu.vector_load %arg5[%parallel_loop3A_611, %parallel_loop3A_612, %parallel_loop3A_613] {strides = array<i32>} : memref<2x240x128xf32, #tpu.memory_space<vmem>>, vector<1x1x16xf32>,
          %parallel_loop3A_615 = vector.shape_cast %parallel_loop3A_614 : vector<1x1x16xf32> to vector<16xf32>
          %parallel_loop3A_616 = arith.mulf %parallel_loop3A_615, %parallel_loop3A_399 : vector<16xf32>
          %parallel_loop3A_617 = arith.constant 13 : i32
          %parallel_loop3A_618 = arith.index_cast %rem3A_313 : i32 to index
          %parallel_loop3A_619 = arith.index_cast %parallel_loop3A_617 : i32 to index
          %parallel_loop3A_620 = arith.index_cast %parallel_loop3A_393 : i32 to index
          %parallel_loop3A_621 = tpu.vector_load %arg7[%parallel_loop3A_618, %parallel_loop3A_619, %parallel_loop3A_620] {strides = array<i32>} : memref<12x16x128xf32, #tpu.memory_space<vmem>>, vector<1x1x16xf32>,
          %parallel_loop3A_622 = vector.shape_cast %parallel_loop3A_621 : vector<1x1x16xf32> to vector<16xf32>
          %parallel_loop3A_623 = vector.shape_cast %parallel_loop3A_616 : vector<16xf32> to vector<1x1x16xf32>
          tpu.vector_store %arg7[%parallel_loop3A_618, %parallel_loop3A_619, %parallel_loop3A_620], %parallel_loop3A_623 {strides = array<i32>} : memref<12x16x128xf32, #tpu.memory_space<vmem>>, vector<1x1x16xf32>,
          %parallel_loop3A_624 = arith.constant 14 : i32
          %parallel_loop3A_625 = arith.addi %select_n3A_345, %parallel_loop3A_624 : i32
          %parallel_loop3A_626 = arith.constant 0 : i32
          %parallel_loop3A_627 = arith.index_cast %parallel_loop3A_626 : i32 to index
          %parallel_loop3A_628 = arith.index_cast %parallel_loop3A_625 : i32 to index
          %parallel_loop3A_629 = arith.index_cast %parallel_loop3A_393 : i32 to index
          %parallel_loop3A_630 = tpu.vector_load %arg5[%parallel_loop3A_627, %parallel_loop3A_628, %parallel_loop3A_629] {strides = array<i32>} : memref<2x240x128xf32, #tpu.memory_space<vmem>>, vector<1x1x16xf32>,
          %parallel_loop3A_631 = vector.shape_cast %parallel_loop3A_630 : vector<1x1x16xf32> to vector<16xf32>
          %parallel_loop3A_632 = arith.mulf %parallel_loop3A_631, %parallel_loop3A_399 : vector<16xf32>
          %parallel_loop3A_633 = arith.constant 14 : i32
          %parallel_loop3A_634 = arith.index_cast %rem3A_313 : i32 to index
          %parallel_loop3A_635 = arith.index_cast %parallel_loop3A_633 : i32 to index
          %parallel_loop3A_636 = arith.index_cast %parallel_loop3A_393 : i32 to index
          %parallel_loop3A_637 = tpu.vector_load %arg7[%parallel_loop3A_634, %parallel_loop3A_635, %parallel_loop3A_636] {strides = array<i32>} : memref<12x16x128xf32, #tpu.memory_space<vmem>>, vector<1x1x16xf32>,
          %parallel_loop3A_638 = vector.shape_cast %parallel_loop3A_637 : vector<1x1x16xf32> to vector<16xf32>
          %parallel_loop3A_639 = vector.shape_cast %parallel_loop3A_632 : vector<16xf32> to vector<1x1x16xf32>
          tpu.vector_store %arg7[%parallel_loop3A_634, %parallel_loop3A_635, %parallel_loop3A_636], %parallel_loop3A_639 {strides = array<i32>} : memref<12x16x128xf32, #tpu.memory_space<vmem>>, vector<1x1x16xf32>,
          %parallel_loop3A_640 = arith.constant 15 : i32
          %parallel_loop3A_641 = arith.addi %select_n3A_345, %parallel_loop3A_640 : i32
          %parallel_loop3A_642 = arith.constant 0 : i32
          %parallel_loop3A_643 = arith.index_cast %parallel_loop3A_642 : i32 to index
          %parallel_loop3A_644 = arith.index_cast %parallel_loop3A_641 : i32 to index
          %parallel_loop3A_645 = arith.index_cast %parallel_loop3A_393 : i32 to index
          %parallel_loop3A_646 = tpu.vector_load %arg5[%parallel_loop3A_643, %parallel_loop3A_644, %parallel_loop3A_645] {strides = array<i32>} : memref<2x240x128xf32, #tpu.memory_space<vmem>>, vector<1x1x16xf32>,
          %parallel_loop3A_647 = vector.shape_cast %parallel_loop3A_646 : vector<1x1x16xf32> to vector<16xf32>
          %parallel_loop3A_648 = arith.mulf %parallel_loop3A_647, %parallel_loop3A_399 : vector<16xf32>
          %parallel_loop3A_649 = arith.constant 15 : i32
          %parallel_loop3A_650 = arith.index_cast %rem3A_313 : i32 to index
          %parallel_loop3A_651 = arith.index_cast %parallel_loop3A_649 : i32 to index
          %parallel_loop3A_652 = arith.index_cast %parallel_loop3A_393 : i32 to index
          %parallel_loop3A_653 = tpu.vector_load %arg7[%parallel_loop3A_650, %parallel_loop3A_651, %parallel_loop3A_652] {strides = array<i32>} : memref<12x16x128xf32, #tpu.memory_space<vmem>>, vector<1x1x16xf32>,
          %parallel_loop3A_654 = vector.shape_cast %parallel_loop3A_653 : vector<1x1x16xf32> to vector<16xf32>
          %parallel_loop3A_655 = vector.shape_cast %parallel_loop3A_648 : vector<16xf32> to vector<1x1x16xf32>
          tpu.vector_store %arg7[%parallel_loop3A_650, %parallel_loop3A_651, %parallel_loop3A_652], %parallel_loop3A_655 {strides = array<i32>} : memref<12x16x128xf32, #tpu.memory_space<vmem>>, vector<1x1x16xf32>,
        } {sc.loop_unroll_factor = 1 : i64, sc.parallel_access}
        %mul3A_374 = arith.constant 16 : i32
        %mul3A_375 = arith.muli %while3A_311, %mul3A_374 : i32
        %mul3A_376 = arith.constant 128 : i32
        %mul3A_377 = arith.muli %add3A_3, %mul3A_376 : i32
        %multiple_of3A_378 = tpu.assume_multiple %mul3A_377, 128 : i32
        %dma_start3A_379 = arith.constant 0 : i32
        %dma_start3A_380 = arith.constant 0 : i32
        %dma_start3A_381 = tpu.memref_slice %arg7[%rem3A_313, %dma_start3A_379, %dma_start3A_380] : memref<12x16x128xf32, #tpu.memory_space<vmem>> -> memref<1x16x128xf32, #tpu.memory_space<vmem>>
        %dma_start3A_382 = tpu.memref_squeeze %dma_start3A_381 : memref<1x16x128xf32, #tpu.memory_space<vmem>> -> memref<16x128xf32, #tpu.memory_space<vmem>>
        %dma_start3A_383 = tpu.memref_slice %arg4[%mul3A_375, %multiple_of3A_378] : memref<592x100000xf32, #tpu.memory_space<hbm>> -> memref<16x128xf32, #tpu.memory_space<hbm>>
        %dma_start3A_384 = tpu.memref_slice %arg10[%rem3A_313] : memref<12x!tpu.dma_semaphore, #tpu.memory_space<semaphore_mem>> -> memref<1x!tpu.dma_semaphore, #tpu.memory_space<semaphore_mem>>
        %dma_start3A_385 = tpu.memref_squeeze %dma_start3A_384 : memref<1x!tpu.dma_semaphore, #tpu.memory_space<semaphore_mem>> -> memref<!tpu.dma_semaphore, #tpu.memory_space<semaphore_mem>>
        %dma_start3A_386 = tpu.memref_slice %arg4[%mul3A_375, %multiple_of3A_378] : memref<592x100000xf32, #tpu.memory_space<hbm>> -> memref<16x128xf32, #tpu.memory_space<hbm>>
        %dma_start3A_387 = arith.constant 0 : i32
        %dma_start3A_388 = arith.constant 0 : i32
        %dma_start3A_389 = tpu.memref_slice %arg7[%rem3A_313, %dma_start3A_387, %dma_start3A_388] : memref<12x16x128xf32, #tpu.memory_space<vmem>> -> memref<1x16x128xf32, #tpu.memory_space<vmem>>
        %dma_start3A_390 = tpu.memref_squeeze %dma_start3A_389 : memref<1x16x128xf32, #tpu.memory_space<vmem>> -> memref<16x128xf32, #tpu.memory_space<vmem>>
        tpu.enqueue_dma source(%dma_start3A_390 : memref<16x128xf32, #tpu.memory_space<vmem>>) target(%dma_start3A_386 : memref<16x128xf32, #tpu.memory_space<hbm>>) target_semaphore(%dma_start3A_385 : memref<!tpu.dma_semaphore, #tpu.memory_space<semaphore_mem>>)
      }
      %while3A_310 = arith.constant 1 : i32
      scf.for %while3A_311 = %while3A_308 to %while3A_304 step %while3A_310  : i32 {
        %rem3A_312 = arith.constant 12 : i32
        %rem3A_313 = arith.remsi %while3A_311, %rem3A_312 : i32
        %ge3A = arith.constant 12 : i32
        %ge3A_314 = arith.cmpi sge, %while3A_311, %ge3A : i32
        %or3A = arith.constant true
        %or3A_315 = arith.ori %or3A, %ge3A_314 : i1
        %convert_element_type3A_316 = arith.extui %or3A_315 : i1 to i32
        %cond3A_317 = arith.constant 0 : i32
        %cond3A_318 = arith.cmpi ne, %convert_element_type3A_316, %cond3A_317 : i32
        scf.if %cond3A_318 {
          %multiple_of3A_391 = arith.constant 0 : i32
          %multiple_of3A_392 = tpu.assume_multiple %multiple_of3A_391, 128 : i32
          %dma_wait3A_393 = arith.constant 0 : i32
          %dma_wait3A_394 = arith.constant 0 : i32
          %dma_wait3A_395 = tpu.memref_slice %arg7[%rem3A_313, %dma_wait3A_393, %dma_wait3A_394] : memref<12x16x128xf32, #tpu.memory_space<vmem>> -> memref<1x16x128xf32, #tpu.memory_space<vmem>>
          %dma_wait3A_396 = tpu.memref_squeeze %dma_wait3A_395 : memref<1x16x128xf32, #tpu.memory_space<vmem>> -> memref<16x128xf32, #tpu.memory_space<vmem>>
          %dma_wait3A_397 = arith.constant 0 : i32
          %dma_wait3A_398 = tpu.memref_slice %arg4[%dma_wait3A_397, %multiple_of3A_392] : memref<592x100000xf32, #tpu.memory_space<hbm>> -> memref<16x128xf32, #tpu.memory_space<hbm>>
          %dma_wait3A_399 = tpu.memref_slice %arg10[%rem3A_313] : memref<12x!tpu.dma_semaphore, #tpu.memory_space<semaphore_mem>> -> memref<1x!tpu.dma_semaphore, #tpu.memory_space<semaphore_mem>>
          %dma_wait3A_400 = tpu.memref_squeeze %dma_wait3A_399 : memref<1x!tpu.dma_semaphore, #tpu.memory_space<semaphore_mem>> -> memref<!tpu.dma_semaphore, #tpu.memory_space<semaphore_mem>>
          %dma_wait3A_401 = arith.constant 0 : i32
          %dma_wait3A_402 = tpu.memref_slice %arg4[%dma_wait3A_401, %multiple_of3A_392] : memref<592x100000xf32, #tpu.memory_space<hbm>> -> memref<16x128xf32, #tpu.memory_space<hbm>>
          %dma_wait3A_403 = arith.constant 0 : i32
          %dma_wait3A_404 = arith.constant 0 : i32
          %dma_wait3A_405 = tpu.memref_slice %arg7[%rem3A_313, %dma_wait3A_403, %dma_wait3A_404] : memref<12x16x128xf32, #tpu.memory_space<vmem>> -> memref<1x16x128xf32, #tpu.memory_space<vmem>>
          %dma_wait3A_406 = tpu.memref_squeeze %dma_wait3A_405 : memref<1x16x128xf32, #tpu.memory_space<vmem>> -> memref<16x128xf32, #tpu.memory_space<vmem>>
          tpu.wait_dma2 semaphore(%dma_wait3A_400 : memref<!tpu.dma_semaphore, #tpu.memory_space<semaphore_mem>>) src(%dma_wait3A_406 : memref<16x128xf32, #tpu.memory_space<vmem>>) dst(%dma_wait3A_402 : memref<16x128xf32, #tpu.memory_space<hbm>>)
        } else {
        }
        %lt3A_319 = arith.constant 8 : i32
        %lt3A_320 = arith.cmpi slt, %while3A_311, %lt3A_319 : i32
        %mul3A_321 = arith.constant 16 : i32
        %mul3A_322 = arith.muli %mul3A_321, %while3A_311 : i32
        %lt3A_323 = arith.constant 20 : i32
        %lt3A_324 = arith.cmpi slt, %while3A_311, %lt3A_323 : i32
        %sub3A = arith.constant 8 : i32
        %sub3A_325 = arith.subi %while3A_311, %sub3A : i32
        %rem3A_326 = arith.constant 4 : i32
        %rem3A_327 = arith.remsi %sub3A_325, %rem3A_326 : i32
        %mul3A_328 = arith.constant 16 : i32
        %mul3A_329 = arith.muli %mul3A_328, %rem3A_327 : i32
        %add3A_330 = arith.constant 128 : i32
        %add3A_331 = arith.addi %add3A_330, %mul3A_329 : i32
        %lt3A_332 = arith.constant 30 : i32
        %lt3A_333 = arith.cmpi slt, %while3A_311, %lt3A_332 : i32
        %sub3A_334 = arith.constant 20 : i32
        %sub3A_335 = arith.subi %while3A_311, %sub3A_334 : i32
        %rem3A_336 = arith.constant 2 : i32
        %rem3A_337 = arith.remsi %sub3A_335, %rem3A_336 : i32
        %mul3A_338 = arith.constant 16 : i32
        %mul3A_339 = arith.muli %mul3A_338, %rem3A_337 : i32
        %add3A_340 = arith.constant 192 : i32
        %add3A_341 = arith.addi %add3A_340, %mul3A_339 : i32
        %jit3A_342 = arith.constant 224 : i32
        %select_n3A_343 = arith.select %lt3A_333, %add3A_341, %jit3A_342 : i32
        %select_n3A_344 = arith.select %lt3A_324, %add3A_331, %select_n3A_343 : i32
        %select_n3A_345 = arith.select %lt3A_320, %mul3A_322, %select_n3A_344 : i32
        %lt3A_346 = arith.constant 8 : i32
        %lt3A_347 = arith.cmpi slt, %while3A_311, %lt3A_346 : i32
        %lt3A_348 = arith.constant 20 : i32
        %lt3A_349 = arith.cmpi slt, %while3A_311, %lt3A_348 : i32
        %sub3A_350 = arith.constant 8 : i32
        %sub3A_351 = arith.subi %while3A_311, %sub3A_350 : i32
        %div3A_352 = arith.constant 4 : i32
        %div3A_353 = arith.divsi %sub3A_351, %div3A_352 : i32
        %add3A_354 = arith.constant 1 : i32
        %add3A_355 = arith.addi %add3A_354, %div3A_353 : i32
        %lt3A_356 = arith.constant 30 : i32
        %lt3A_357 = arith.cmpi slt, %while3A_311, %lt3A_356 : i32
        %sub3A_358 = arith.constant 20 : i32
        %sub3A_359 = arith.subi %while3A_311, %sub3A_358 : i32
        %div3A_360 = arith.constant 2 : i32
        %div3A_361 = arith.divsi %sub3A_359, %div3A_360 : i32
        %add3A_362 = arith.constant 4 : i32
        %add3A_363 = arith.addi %add3A_362, %div3A_361 : i32
        %sub3A_364 = arith.constant 30 : i32
        %sub3A_365 = arith.subi %while3A_311, %sub3A_364 : i32
        %add3A_366 = arith.constant 9 : i32
        %add3A_367 = arith.addi %add3A_366, %sub3A_365 : i32
        %select_n3A_368 = arith.select %lt3A_357, %add3A_363, %add3A_367 : i32
        %select_n3A_369 = arith.select %lt3A_349, %add3A_355, %select_n3A_368 : i32
        %jit3A_370 = arith.constant 0 : i32
        %select_n3A_371 = arith.select %lt3A_347, %jit3A_370, %select_n3A_369 : i32
        %parallel_loop3A = arith.constant 0 : i32
        %parallel_loop3A_372 = arith.constant 8 : i32
        %parallel_loop3A_373 = arith.constant 1 : i32
        scf.for %parallel_loop3A_391 = %parallel_loop3A to %parallel_loop3A_372 step %parallel_loop3A_373  : i32 {
          %parallel_loop3A_392 = arith.constant 16 : i32
          %parallel_loop3A_393 = arith.muli %parallel_loop3A_391, %parallel_loop3A_392 : i32
          %parallel_loop3A_394 = arith.constant 0 : i32
          %parallel_loop3A_395 = arith.index_cast %parallel_loop3A_394 : i32 to index
          %parallel_loop3A_396 = arith.index_cast %select_n3A_371 : i32 to index
          %parallel_loop3A_397 = arith.index_cast %parallel_loop3A_393 : i32 to index
          %parallel_loop3A_398 = tpu.vector_load %arg6[%parallel_loop3A_395, %parallel_loop3A_396, %parallel_loop3A_397] {strides = array<i32>} : memref<2x16x128xf32, #tpu.memory_space<vmem>>, vector<1x1x16xf32>,
          %parallel_loop3A_399 = vector.shape_cast %parallel_loop3A_398 : vector<1x1x16xf32> to vector<16xf32>
          %parallel_loop3A_400 = arith.constant 0 : i32
          %parallel_loop3A_401 = arith.addi %select_n3A_345, %parallel_loop3A_400 : i32
          %parallel_loop3A_402 = arith.constant 0 : i32
          %parallel_loop3A_403 = arith.index_cast %parallel_loop3A_402 : i32 to index
          %parallel_loop3A_404 = arith.index_cast %parallel_loop3A_401 : i32 to index
          %parallel_loop3A_405 = arith.index_cast %parallel_loop3A_393 : i32 to index
          %parallel_loop3A_406 = tpu.vector_load %arg5[%parallel_loop3A_403, %parallel_loop3A_404, %parallel_loop3A_405] {strides = array<i32>} : memref<2x240x128xf32, #tpu.memory_space<vmem>>, vector<1x1x16xf32>,
          %parallel_loop3A_407 = vector.shape_cast %parallel_loop3A_406 : vector<1x1x16xf32> to vector<16xf32>
          %parallel_loop3A_408 = arith.mulf %parallel_loop3A_407, %parallel_loop3A_399 : vector<16xf32>
          %parallel_loop3A_409 = arith.constant 0 : i32
          %parallel_loop3A_410 = arith.index_cast %rem3A_313 : i32 to index
          %parallel_loop3A_411 = arith.index_cast %parallel_loop3A_409 : i32 to index
          %parallel_loop3A_412 = arith.index_cast %parallel_loop3A_393 : i32 to index
          %parallel_loop3A_413 = tpu.vector_load %arg7[%parallel_loop3A_410, %parallel_loop3A_411, %parallel_loop3A_412] {strides = array<i32>} : memref<12x16x128xf32, #tpu.memory_space<vmem>>, vector<1x1x16xf32>,
          %parallel_loop3A_414 = vector.shape_cast %parallel_loop3A_413 : vector<1x1x16xf32> to vector<16xf32>
          %parallel_loop3A_415 = vector.shape_cast %parallel_loop3A_408 : vector<16xf32> to vector<1x1x16xf32>
          tpu.vector_store %arg7[%parallel_loop3A_410, %parallel_loop3A_411, %parallel_loop3A_412], %parallel_loop3A_415 {strides = array<i32>} : memref<12x16x128xf32, #tpu.memory_space<vmem>>, vector<1x1x16xf32>,
          %parallel_loop3A_416 = arith.constant 1 : i32
          %parallel_loop3A_417 = arith.addi %select_n3A_345, %parallel_loop3A_416 : i32
          %parallel_loop3A_418 = arith.constant 0 : i32
          %parallel_loop3A_419 = arith.index_cast %parallel_loop3A_418 : i32 to index
          %parallel_loop3A_420 = arith.index_cast %parallel_loop3A_417 : i32 to index
          %parallel_loop3A_421 = arith.index_cast %parallel_loop3A_393 : i32 to index
          %parallel_loop3A_422 = tpu.vector_load %arg5[%parallel_loop3A_419, %parallel_loop3A_420, %parallel_loop3A_421] {strides = array<i32>} : memref<2x240x128xf32, #tpu.memory_space<vmem>>, vector<1x1x16xf32>,
          %parallel_loop3A_423 = vector.shape_cast %parallel_loop3A_422 : vector<1x1x16xf32> to vector<16xf32>
          %parallel_loop3A_424 = arith.mulf %parallel_loop3A_423, %parallel_loop3A_399 : vector<16xf32>
          %parallel_loop3A_425 = arith.constant 1 : i32
          %parallel_loop3A_426 = arith.index_cast %rem3A_313 : i32 to index
          %parallel_loop3A_427 = arith.index_cast %parallel_loop3A_425 : i32 to index
          %parallel_loop3A_428 = arith.index_cast %parallel_loop3A_393 : i32 to index
          %parallel_loop3A_429 = tpu.vector_load %arg7[%parallel_loop3A_426, %parallel_loop3A_427, %parallel_loop3A_428] {strides = array<i32>} : memref<12x16x128xf32, #tpu.memory_space<vmem>>, vector<1x1x16xf32>,
          %parallel_loop3A_430 = vector.shape_cast %parallel_loop3A_429 : vector<1x1x16xf32> to vector<16xf32>
          %parallel_loop3A_431 = vector.shape_cast %parallel_loop3A_424 : vector<16xf32> to vector<1x1x16xf32>
          tpu.vector_store %arg7[%parallel_loop3A_426, %parallel_loop3A_427, %parallel_loop3A_428], %parallel_loop3A_431 {strides = array<i32>} : memref<12x16x128xf32, #tpu.memory_space<vmem>>, vector<1x1x16xf32>,
          %parallel_loop3A_432 = arith.constant 2 : i32
          %parallel_loop3A_433 = arith.addi %select_n3A_345, %parallel_loop3A_432 : i32
          %parallel_loop3A_434 = arith.constant 0 : i32
          %parallel_loop3A_435 = arith.index_cast %parallel_loop3A_434 : i32 to index
          %parallel_loop3A_436 = arith.index_cast %parallel_loop3A_433 : i32 to index
          %parallel_loop3A_437 = arith.index_cast %parallel_loop3A_393 : i32 to index
          %parallel_loop3A_438 = tpu.vector_load %arg5[%parallel_loop3A_435, %parallel_loop3A_436, %parallel_loop3A_437] {strides = array<i32>} : memref<2x240x128xf32, #tpu.memory_space<vmem>>, vector<1x1x16xf32>,
          %parallel_loop3A_439 = vector.shape_cast %parallel_loop3A_438 : vector<1x1x16xf32> to vector<16xf32>
          %parallel_loop3A_440 = arith.mulf %parallel_loop3A_439, %parallel_loop3A_399 : vector<16xf32>
          %parallel_loop3A_441 = arith.constant 2 : i32
          %parallel_loop3A_442 = arith.index_cast %rem3A_313 : i32 to index
          %parallel_loop3A_443 = arith.index_cast %parallel_loop3A_441 : i32 to index
          %parallel_loop3A_444 = arith.index_cast %parallel_loop3A_393 : i32 to index
          %parallel_loop3A_445 = tpu.vector_load %arg7[%parallel_loop3A_442, %parallel_loop3A_443, %parallel_loop3A_444] {strides = array<i32>} : memref<12x16x128xf32, #tpu.memory_space<vmem>>, vector<1x1x16xf32>,
          %parallel_loop3A_446 = vector.shape_cast %parallel_loop3A_445 : vector<1x1x16xf32> to vector<16xf32>
          %parallel_loop3A_447 = vector.shape_cast %parallel_loop3A_440 : vector<16xf32> to vector<1x1x16xf32>
          tpu.vector_store %arg7[%parallel_loop3A_442, %parallel_loop3A_443, %parallel_loop3A_444], %parallel_loop3A_447 {strides = array<i32>} : memref<12x16x128xf32, #tpu.memory_space<vmem>>, vector<1x1x16xf32>,
          %parallel_loop3A_448 = arith.constant 3 : i32
          %parallel_loop3A_449 = arith.addi %select_n3A_345, %parallel_loop3A_448 : i32
          %parallel_loop3A_450 = arith.constant 0 : i32
          %parallel_loop3A_451 = arith.index_cast %parallel_loop3A_450 : i32 to index
          %parallel_loop3A_452 = arith.index_cast %parallel_loop3A_449 : i32 to index
          %parallel_loop3A_453 = arith.index_cast %parallel_loop3A_393 : i32 to index
          %parallel_loop3A_454 = tpu.vector_load %arg5[%parallel_loop3A_451, %parallel_loop3A_452, %parallel_loop3A_453] {strides = array<i32>} : memref<2x240x128xf32, #tpu.memory_space<vmem>>, vector<1x1x16xf32>,
          %parallel_loop3A_455 = vector.shape_cast %parallel_loop3A_454 : vector<1x1x16xf32> to vector<16xf32>
          %parallel_loop3A_456 = arith.mulf %parallel_loop3A_455, %parallel_loop3A_399 : vector<16xf32>
          %parallel_loop3A_457 = arith.constant 3 : i32
          %parallel_loop3A_458 = arith.index_cast %rem3A_313 : i32 to index
          %parallel_loop3A_459 = arith.index_cast %parallel_loop3A_457 : i32 to index
          %parallel_loop3A_460 = arith.index_cast %parallel_loop3A_393 : i32 to index
          %parallel_loop3A_461 = tpu.vector_load %arg7[%parallel_loop3A_458, %parallel_loop3A_459, %parallel_loop3A_460] {strides = array<i32>} : memref<12x16x128xf32, #tpu.memory_space<vmem>>, vector<1x1x16xf32>,
          %parallel_loop3A_462 = vector.shape_cast %parallel_loop3A_461 : vector<1x1x16xf32> to vector<16xf32>
          %parallel_loop3A_463 = vector.shape_cast %parallel_loop3A_456 : vector<16xf32> to vector<1x1x16xf32>
          tpu.vector_store %arg7[%parallel_loop3A_458, %parallel_loop3A_459, %parallel_loop3A_460], %parallel_loop3A_463 {strides = array<i32>} : memref<12x16x128xf32, #tpu.memory_space<vmem>>, vector<1x1x16xf32>,
          %parallel_loop3A_464 = arith.constant 4 : i32
          %parallel_loop3A_465 = arith.addi %select_n3A_345, %parallel_loop3A_464 : i32
          %parallel_loop3A_466 = arith.constant 0 : i32
          %parallel_loop3A_467 = arith.index_cast %parallel_loop3A_466 : i32 to index
          %parallel_loop3A_468 = arith.index_cast %parallel_loop3A_465 : i32 to index
          %parallel_loop3A_469 = arith.index_cast %parallel_loop3A_393 : i32 to index
          %parallel_loop3A_470 = tpu.vector_load %arg5[%parallel_loop3A_467, %parallel_loop3A_468, %parallel_loop3A_469] {strides = array<i32>} : memref<2x240x128xf32, #tpu.memory_space<vmem>>, vector<1x1x16xf32>,
          %parallel_loop3A_471 = vector.shape_cast %parallel_loop3A_470 : vector<1x1x16xf32> to vector<16xf32>
          %parallel_loop3A_472 = arith.mulf %parallel_loop3A_471, %parallel_loop3A_399 : vector<16xf32>
          %parallel_loop3A_473 = arith.constant 4 : i32
          %parallel_loop3A_474 = arith.index_cast %rem3A_313 : i32 to index
          %parallel_loop3A_475 = arith.index_cast %parallel_loop3A_473 : i32 to index
          %parallel_loop3A_476 = arith.index_cast %parallel_loop3A_393 : i32 to index
          %parallel_loop3A_477 = tpu.vector_load %arg7[%parallel_loop3A_474, %parallel_loop3A_475, %parallel_loop3A_476] {strides = array<i32>} : memref<12x16x128xf32, #tpu.memory_space<vmem>>, vector<1x1x16xf32>,
          %parallel_loop3A_478 = vector.shape_cast %parallel_loop3A_477 : vector<1x1x16xf32> to vector<16xf32>
          %parallel_loop3A_479 = vector.shape_cast %parallel_loop3A_472 : vector<16xf32> to vector<1x1x16xf32>
          tpu.vector_store %arg7[%parallel_loop3A_474, %parallel_loop3A_475, %parallel_loop3A_476], %parallel_loop3A_479 {strides = array<i32>} : memref<12x16x128xf32, #tpu.memory_space<vmem>>, vector<1x1x16xf32>,
          %parallel_loop3A_480 = arith.constant 5 : i32
          %parallel_loop3A_481 = arith.addi %select_n3A_345, %parallel_loop3A_480 : i32
          %parallel_loop3A_482 = arith.constant 0 : i32
          %parallel_loop3A_483 = arith.index_cast %parallel_loop3A_482 : i32 to index
          %parallel_loop3A_484 = arith.index_cast %parallel_loop3A_481 : i32 to index
          %parallel_loop3A_485 = arith.index_cast %parallel_loop3A_393 : i32 to index
          %parallel_loop3A_486 = tpu.vector_load %arg5[%parallel_loop3A_483, %parallel_loop3A_484, %parallel_loop3A_485] {strides = array<i32>} : memref<2x240x128xf32, #tpu.memory_space<vmem>>, vector<1x1x16xf32>,
          %parallel_loop3A_487 = vector.shape_cast %parallel_loop3A_486 : vector<1x1x16xf32> to vector<16xf32>
          %parallel_loop3A_488 = arith.mulf %parallel_loop3A_487, %parallel_loop3A_399 : vector<16xf32>
          %parallel_loop3A_489 = arith.constant 5 : i32
          %parallel_loop3A_490 = arith.index_cast %rem3A_313 : i32 to index
          %parallel_loop3A_491 = arith.index_cast %parallel_loop3A_489 : i32 to index
          %parallel_loop3A_492 = arith.index_cast %parallel_loop3A_393 : i32 to index
          %parallel_loop3A_493 = tpu.vector_load %arg7[%parallel_loop3A_490, %parallel_loop3A_491, %parallel_loop3A_492] {strides = array<i32>} : memref<12x16x128xf32, #tpu.memory_space<vmem>>, vector<1x1x16xf32>,
          %parallel_loop3A_494 = vector.shape_cast %parallel_loop3A_493 : vector<1x1x16xf32> to vector<16xf32>
          %parallel_loop3A_495 = vector.shape_cast %parallel_loop3A_488 : vector<16xf32> to vector<1x1x16xf32>
          tpu.vector_store %arg7[%parallel_loop3A_490, %parallel_loop3A_491, %parallel_loop3A_492], %parallel_loop3A_495 {strides = array<i32>} : memref<12x16x128xf32, #tpu.memory_space<vmem>>, vector<1x1x16xf32>,
          %parallel_loop3A_496 = arith.constant 6 : i32
          %parallel_loop3A_497 = arith.addi %select_n3A_345, %parallel_loop3A_496 : i32
          %parallel_loop3A_498 = arith.constant 0 : i32
          %parallel_loop3A_499 = arith.index_cast %parallel_loop3A_498 : i32 to index
          %parallel_loop3A_500 = arith.index_cast %parallel_loop3A_497 : i32 to index
          %parallel_loop3A_501 = arith.index_cast %parallel_loop3A_393 : i32 to index
          %parallel_loop3A_502 = tpu.vector_load %arg5[%parallel_loop3A_499, %parallel_loop3A_500, %parallel_loop3A_501] {strides = array<i32>} : memref<2x240x128xf32, #tpu.memory_space<vmem>>, vector<1x1x16xf32>,
          %parallel_loop3A_503 = vector.shape_cast %parallel_loop3A_502 : vector<1x1x16xf32> to vector<16xf32>
          %parallel_loop3A_504 = arith.mulf %parallel_loop3A_503, %parallel_loop3A_399 : vector<16xf32>
          %parallel_loop3A_505 = arith.constant 6 : i32
          %parallel_loop3A_506 = arith.index_cast %rem3A_313 : i32 to index
          %parallel_loop3A_507 = arith.index_cast %parallel_loop3A_505 : i32 to index
          %parallel_loop3A_508 = arith.index_cast %parallel_loop3A_393 : i32 to index
          %parallel_loop3A_509 = tpu.vector_load %arg7[%parallel_loop3A_506, %parallel_loop3A_507, %parallel_loop3A_508] {strides = array<i32>} : memref<12x16x128xf32, #tpu.memory_space<vmem>>, vector<1x1x16xf32>,
          %parallel_loop3A_510 = vector.shape_cast %parallel_loop3A_509 : vector<1x1x16xf32> to vector<16xf32>
          %parallel_loop3A_511 = vector.shape_cast %parallel_loop3A_504 : vector<16xf32> to vector<1x1x16xf32>
          tpu.vector_store %arg7[%parallel_loop3A_506, %parallel_loop3A_507, %parallel_loop3A_508], %parallel_loop3A_511 {strides = array<i32>} : memref<12x16x128xf32, #tpu.memory_space<vmem>>, vector<1x1x16xf32>,
          %parallel_loop3A_512 = arith.constant 7 : i32
          %parallel_loop3A_513 = arith.addi %select_n3A_345, %parallel_loop3A_512 : i32
          %parallel_loop3A_514 = arith.constant 0 : i32
          %parallel_loop3A_515 = arith.index_cast %parallel_loop3A_514 : i32 to index
          %parallel_loop3A_516 = arith.index_cast %parallel_loop3A_513 : i32 to index
          %parallel_loop3A_517 = arith.index_cast %parallel_loop3A_393 : i32 to index
          %parallel_loop3A_518 = tpu.vector_load %arg5[%parallel_loop3A_515, %parallel_loop3A_516, %parallel_loop3A_517] {strides = array<i32>} : memref<2x240x128xf32, #tpu.memory_space<vmem>>, vector<1x1x16xf32>,
          %parallel_loop3A_519 = vector.shape_cast %parallel_loop3A_518 : vector<1x1x16xf32> to vector<16xf32>
          %parallel_loop3A_520 = arith.mulf %parallel_loop3A_519, %parallel_loop3A_399 : vector<16xf32>
          %parallel_loop3A_521 = arith.constant 7 : i32
          %parallel_loop3A_522 = arith.index_cast %rem3A_313 : i32 to index
          %parallel_loop3A_523 = arith.index_cast %parallel_loop3A_521 : i32 to index
          %parallel_loop3A_524 = arith.index_cast %parallel_loop3A_393 : i32 to index
          %parallel_loop3A_525 = tpu.vector_load %arg7[%parallel_loop3A_522, %parallel_loop3A_523, %parallel_loop3A_524] {strides = array<i32>} : memref<12x16x128xf32, #tpu.memory_space<vmem>>, vector<1x1x16xf32>,
          %parallel_loop3A_526 = vector.shape_cast %parallel_loop3A_525 : vector<1x1x16xf32> to vector<16xf32>
          %parallel_loop3A_527 = vector.shape_cast %parallel_loop3A_520 : vector<16xf32> to vector<1x1x16xf32>
          tpu.vector_store %arg7[%parallel_loop3A_522, %parallel_loop3A_523, %parallel_loop3A_524], %parallel_loop3A_527 {strides = array<i32>} : memref<12x16x128xf32, #tpu.memory_space<vmem>>, vector<1x1x16xf32>,
          %parallel_loop3A_528 = arith.constant 8 : i32
          %parallel_loop3A_529 = arith.addi %select_n3A_345, %parallel_loop3A_528 : i32
          %parallel_loop3A_530 = arith.constant 0 : i32
          %parallel_loop3A_531 = arith.index_cast %parallel_loop3A_530 : i32 to index
          %parallel_loop3A_532 = arith.index_cast %parallel_loop3A_529 : i32 to index
          %parallel_loop3A_533 = arith.index_cast %parallel_loop3A_393 : i32 to index
          %parallel_loop3A_534 = tpu.vector_load %arg5[%parallel_loop3A_531, %parallel_loop3A_532, %parallel_loop3A_533] {strides = array<i32>} : memref<2x240x128xf32, #tpu.memory_space<vmem>>, vector<1x1x16xf32>,
          %parallel_loop3A_535 = vector.shape_cast %parallel_loop3A_534 : vector<1x1x16xf32> to vector<16xf32>
          %parallel_loop3A_536 = arith.mulf %parallel_loop3A_535, %parallel_loop3A_399 : vector<16xf32>
          %parallel_loop3A_537 = arith.constant 8 : i32
          %parallel_loop3A_538 = arith.index_cast %rem3A_313 : i32 to index
          %parallel_loop3A_539 = arith.index_cast %parallel_loop3A_537 : i32 to index
          %parallel_loop3A_540 = arith.index_cast %parallel_loop3A_393 : i32 to index
          %parallel_loop3A_541 = tpu.vector_load %arg7[%parallel_loop3A_538, %parallel_loop3A_539, %parallel_loop3A_540] {strides = array<i32>} : memref<12x16x128xf32, #tpu.memory_space<vmem>>, vector<1x1x16xf32>,
          %parallel_loop3A_542 = vector.shape_cast %parallel_loop3A_541 : vector<1x1x16xf32> to vector<16xf32>
          %parallel_loop3A_543 = vector.shape_cast %parallel_loop3A_536 : vector<16xf32> to vector<1x1x16xf32>
          tpu.vector_store %arg7[%parallel_loop3A_538, %parallel_loop3A_539, %parallel_loop3A_540], %parallel_loop3A_543 {strides = array<i32>} : memref<12x16x128xf32, #tpu.memory_space<vmem>>, vector<1x1x16xf32>,
          %parallel_loop3A_544 = arith.constant 9 : i32
          %parallel_loop3A_545 = arith.addi %select_n3A_345, %parallel_loop3A_544 : i32
          %parallel_loop3A_546 = arith.constant 0 : i32
          %parallel_loop3A_547 = arith.index_cast %parallel_loop3A_546 : i32 to index
          %parallel_loop3A_548 = arith.index_cast %parallel_loop3A_545 : i32 to index
          %parallel_loop3A_549 = arith.index_cast %parallel_loop3A_393 : i32 to index
          %parallel_loop3A_550 = tpu.vector_load %arg5[%parallel_loop3A_547, %parallel_loop3A_548, %parallel_loop3A_549] {strides = array<i32>} : memref<2x240x128xf32, #tpu.memory_space<vmem>>, vector<1x1x16xf32>,
          %parallel_loop3A_551 = vector.shape_cast %parallel_loop3A_550 : vector<1x1x16xf32> to vector<16xf32>
          %parallel_loop3A_552 = arith.mulf %parallel_loop3A_551, %parallel_loop3A_399 : vector<16xf32>
          %parallel_loop3A_553 = arith.constant 9 : i32
          %parallel_loop3A_554 = arith.index_cast %rem3A_313 : i32 to index
          %parallel_loop3A_555 = arith.index_cast %parallel_loop3A_553 : i32 to index
          %parallel_loop3A_556 = arith.index_cast %parallel_loop3A_393 : i32 to index
          %parallel_loop3A_557 = tpu.vector_load %arg7[%parallel_loop3A_554, %parallel_loop3A_555, %parallel_loop3A_556] {strides = array<i32>} : memref<12x16x128xf32, #tpu.memory_space<vmem>>, vector<1x1x16xf32>,
          %parallel_loop3A_558 = vector.shape_cast %parallel_loop3A_557 : vector<1x1x16xf32> to vector<16xf32>
          %parallel_loop3A_559 = vector.shape_cast %parallel_loop3A_552 : vector<16xf32> to vector<1x1x16xf32>
          tpu.vector_store %arg7[%parallel_loop3A_554, %parallel_loop3A_555, %parallel_loop3A_556], %parallel_loop3A_559 {strides = array<i32>} : memref<12x16x128xf32, #tpu.memory_space<vmem>>, vector<1x1x16xf32>,
          %parallel_loop3A_560 = arith.constant 10 : i32
          %parallel_loop3A_561 = arith.addi %select_n3A_345, %parallel_loop3A_560 : i32
          %parallel_loop3A_562 = arith.constant 0 : i32
          %parallel_loop3A_563 = arith.index_cast %parallel_loop3A_562 : i32 to index
          %parallel_loop3A_564 = arith.index_cast %parallel_loop3A_561 : i32 to index
          %parallel_loop3A_565 = arith.index_cast %parallel_loop3A_393 : i32 to index
          %parallel_loop3A_566 = tpu.vector_load %arg5[%parallel_loop3A_563, %parallel_loop3A_564, %parallel_loop3A_565] {strides = array<i32>} : memref<2x240x128xf32, #tpu.memory_space<vmem>>, vector<1x1x16xf32>,
          %parallel_loop3A_567 = vector.shape_cast %parallel_loop3A_566 : vector<1x1x16xf32> to vector<16xf32>
          %parallel_loop3A_568 = arith.mulf %parallel_loop3A_567, %parallel_loop3A_399 : vector<16xf32>
          %parallel_loop3A_569 = arith.constant 10 : i32
          %parallel_loop3A_570 = arith.index_cast %rem3A_313 : i32 to index
          %parallel_loop3A_571 = arith.index_cast %parallel_loop3A_569 : i32 to index
          %parallel_loop3A_572 = arith.index_cast %parallel_loop3A_393 : i32 to index
          %parallel_loop3A_573 = tpu.vector_load %arg7[%parallel_loop3A_570, %parallel_loop3A_571, %parallel_loop3A_572] {strides = array<i32>} : memref<12x16x128xf32, #tpu.memory_space<vmem>>, vector<1x1x16xf32>,
          %parallel_loop3A_574 = vector.shape_cast %parallel_loop3A_573 : vector<1x1x16xf32> to vector<16xf32>
          %parallel_loop3A_575 = vector.shape_cast %parallel_loop3A_568 : vector<16xf32> to vector<1x1x16xf32>
          tpu.vector_store %arg7[%parallel_loop3A_570, %parallel_loop3A_571, %parallel_loop3A_572], %parallel_loop3A_575 {strides = array<i32>} : memref<12x16x128xf32, #tpu.memory_space<vmem>>, vector<1x1x16xf32>,
          %parallel_loop3A_576 = arith.constant 11 : i32
          %parallel_loop3A_577 = arith.addi %select_n3A_345, %parallel_loop3A_576 : i32
          %parallel_loop3A_578 = arith.constant 0 : i32
          %parallel_loop3A_579 = arith.index_cast %parallel_loop3A_578 : i32 to index
          %parallel_loop3A_580 = arith.index_cast %parallel_loop3A_577 : i32 to index
          %parallel_loop3A_581 = arith.index_cast %parallel_loop3A_393 : i32 to index
          %parallel_loop3A_582 = tpu.vector_load %arg5[%parallel_loop3A_579, %parallel_loop3A_580, %parallel_loop3A_581] {strides = array<i32>} : memref<2x240x128xf32, #tpu.memory_space<vmem>>, vector<1x1x16xf32>,
          %parallel_loop3A_583 = vector.shape_cast %parallel_loop3A_582 : vector<1x1x16xf32> to vector<16xf32>
          %parallel_loop3A_584 = arith.mulf %parallel_loop3A_583, %parallel_loop3A_399 : vector<16xf32>
          %parallel_loop3A_585 = arith.constant 11 : i32
          %parallel_loop3A_586 = arith.index_cast %rem3A_313 : i32 to index
          %parallel_loop3A_587 = arith.index_cast %parallel_loop3A_585 : i32 to index
          %parallel_loop3A_588 = arith.index_cast %parallel_loop3A_393 : i32 to index
          %parallel_loop3A_589 = tpu.vector_load %arg7[%parallel_loop3A_586, %parallel_loop3A_587, %parallel_loop3A_588] {strides = array<i32>} : memref<12x16x128xf32, #tpu.memory_space<vmem>>, vector<1x1x16xf32>,
          %parallel_loop3A_590 = vector.shape_cast %parallel_loop3A_589 : vector<1x1x16xf32> to vector<16xf32>
          %parallel_loop3A_591 = vector.shape_cast %parallel_loop3A_584 : vector<16xf32> to vector<1x1x16xf32>
          tpu.vector_store %arg7[%parallel_loop3A_586, %parallel_loop3A_587, %parallel_loop3A_588], %parallel_loop3A_591 {strides = array<i32>} : memref<12x16x128xf32, #tpu.memory_space<vmem>>, vector<1x1x16xf32>,
          %parallel_loop3A_592 = arith.constant 12 : i32
          %parallel_loop3A_593 = arith.addi %select_n3A_345, %parallel_loop3A_592 : i32
          %parallel_loop3A_594 = arith.constant 0 : i32
          %parallel_loop3A_595 = arith.index_cast %parallel_loop3A_594 : i32 to index
          %parallel_loop3A_596 = arith.index_cast %parallel_loop3A_593 : i32 to index
          %parallel_loop3A_597 = arith.index_cast %parallel_loop3A_393 : i32 to index
          %parallel_loop3A_598 = tpu.vector_load %arg5[%parallel_loop3A_595, %parallel_loop3A_596, %parallel_loop3A_597] {strides = array<i32>} : memref<2x240x128xf32, #tpu.memory_space<vmem>>, vector<1x1x16xf32>,
          %parallel_loop3A_599 = vector.shape_cast %parallel_loop3A_598 : vector<1x1x16xf32> to vector<16xf32>
          %parallel_loop3A_600 = arith.mulf %parallel_loop3A_599, %parallel_loop3A_399 : vector<16xf32>
          %parallel_loop3A_601 = arith.constant 12 : i32
          %parallel_loop3A_602 = arith.index_cast %rem3A_313 : i32 to index
          %parallel_loop3A_603 = arith.index_cast %parallel_loop3A_601 : i32 to index
          %parallel_loop3A_604 = arith.index_cast %parallel_loop3A_393 : i32 to index
          %parallel_loop3A_605 = tpu.vector_load %arg7[%parallel_loop3A_602, %parallel_loop3A_603, %parallel_loop3A_604] {strides = array<i32>} : memref<12x16x128xf32, #tpu.memory_space<vmem>>, vector<1x1x16xf32>,
          %parallel_loop3A_606 = vector.shape_cast %parallel_loop3A_605 : vector<1x1x16xf32> to vector<16xf32>
          %parallel_loop3A_607 = vector.shape_cast %parallel_loop3A_600 : vector<16xf32> to vector<1x1x16xf32>
          tpu.vector_store %arg7[%parallel_loop3A_602, %parallel_loop3A_603, %parallel_loop3A_604], %parallel_loop3A_607 {strides = array<i32>} : memref<12x16x128xf32, #tpu.memory_space<vmem>>, vector<1x1x16xf32>,
          %parallel_loop3A_608 = arith.constant 13 : i32
          %parallel_loop3A_609 = arith.addi %select_n3A_345, %parallel_loop3A_608 : i32
          %parallel_loop3A_610 = arith.constant 0 : i32
          %parallel_loop3A_611 = arith.index_cast %parallel_loop3A_610 : i32 to index
          %parallel_loop3A_612 = arith.index_cast %parallel_loop3A_609 : i32 to index
          %parallel_loop3A_613 = arith.index_cast %parallel_loop3A_393 : i32 to index
          %parallel_loop3A_614 = tpu.vector_load %arg5[%parallel_loop3A_611, %parallel_loop3A_612, %parallel_loop3A_613] {strides = array<i32>} : memref<2x240x128xf32, #tpu.memory_space<vmem>>, vector<1x1x16xf32>,
          %parallel_loop3A_615 = vector.shape_cast %parallel_loop3A_614 : vector<1x1x16xf32> to vector<16xf32>
          %parallel_loop3A_616 = arith.mulf %parallel_loop3A_615, %parallel_loop3A_399 : vector<16xf32>
          %parallel_loop3A_617 = arith.constant 13 : i32
          %parallel_loop3A_618 = arith.index_cast %rem3A_313 : i32 to index
          %parallel_loop3A_619 = arith.index_cast %parallel_loop3A_617 : i32 to index
          %parallel_loop3A_620 = arith.index_cast %parallel_loop3A_393 : i32 to index
          %parallel_loop3A_621 = tpu.vector_load %arg7[%parallel_loop3A_618, %parallel_loop3A_619, %parallel_loop3A_620] {strides = array<i32>} : memref<12x16x128xf32, #tpu.memory_space<vmem>>, vector<1x1x16xf32>,
          %parallel_loop3A_622 = vector.shape_cast %parallel_loop3A_621 : vector<1x1x16xf32> to vector<16xf32>
          %parallel_loop3A_623 = vector.shape_cast %parallel_loop3A_616 : vector<16xf32> to vector<1x1x16xf32>
          tpu.vector_store %arg7[%parallel_loop3A_618, %parallel_loop3A_619, %parallel_loop3A_620], %parallel_loop3A_623 {strides = array<i32>} : memref<12x16x128xf32, #tpu.memory_space<vmem>>, vector<1x1x16xf32>,
          %parallel_loop3A_624 = arith.constant 14 : i32
          %parallel_loop3A_625 = arith.addi %select_n3A_345, %parallel_loop3A_624 : i32
          %parallel_loop3A_626 = arith.constant 0 : i32
          %parallel_loop3A_627 = arith.index_cast %parallel_loop3A_626 : i32 to index
          %parallel_loop3A_628 = arith.index_cast %parallel_loop3A_625 : i32 to index
          %parallel_loop3A_629 = arith.index_cast %parallel_loop3A_393 : i32 to index
          %parallel_loop3A_630 = tpu.vector_load %arg5[%parallel_loop3A_627, %parallel_loop3A_628, %parallel_loop3A_629] {strides = array<i32>} : memref<2x240x128xf32, #tpu.memory_space<vmem>>, vector<1x1x16xf32>,
          %parallel_loop3A_631 = vector.shape_cast %parallel_loop3A_630 : vector<1x1x16xf32> to vector<16xf32>
          %parallel_loop3A_632 = arith.mulf %parallel_loop3A_631, %parallel_loop3A_399 : vector<16xf32>
          %parallel_loop3A_633 = arith.constant 14 : i32
          %parallel_loop3A_634 = arith.index_cast %rem3A_313 : i32 to index
          %parallel_loop3A_635 = arith.index_cast %parallel_loop3A_633 : i32 to index
          %parallel_loop3A_636 = arith.index_cast %parallel_loop3A_393 : i32 to index
          %parallel_loop3A_637 = tpu.vector_load %arg7[%parallel_loop3A_634, %parallel_loop3A_635, %parallel_loop3A_636] {strides = array<i32>} : memref<12x16x128xf32, #tpu.memory_space<vmem>>, vector<1x1x16xf32>,
          %parallel_loop3A_638 = vector.shape_cast %parallel_loop3A_637 : vector<1x1x16xf32> to vector<16xf32>
          %parallel_loop3A_639 = vector.shape_cast %parallel_loop3A_632 : vector<16xf32> to vector<1x1x16xf32>
          tpu.vector_store %arg7[%parallel_loop3A_634, %parallel_loop3A_635, %parallel_loop3A_636], %parallel_loop3A_639 {strides = array<i32>} : memref<12x16x128xf32, #tpu.memory_space<vmem>>, vector<1x1x16xf32>,
          %parallel_loop3A_640 = arith.constant 15 : i32
          %parallel_loop3A_641 = arith.addi %select_n3A_345, %parallel_loop3A_640 : i32
          %parallel_loop3A_642 = arith.constant 0 : i32
          %parallel_loop3A_643 = arith.index_cast %parallel_loop3A_642 : i32 to index
          %parallel_loop3A_644 = arith.index_cast %parallel_loop3A_641 : i32 to index
          %parallel_loop3A_645 = arith.index_cast %parallel_loop3A_393 : i32 to index
          %parallel_loop3A_646 = tpu.vector_load %arg5[%parallel_loop3A_643, %parallel_loop3A_644, %parallel_loop3A_645] {strides = array<i32>} : memref<2x240x128xf32, #tpu.memory_space<vmem>>, vector<1x1x16xf32>,
          %parallel_loop3A_647 = vector.shape_cast %parallel_loop3A_646 : vector<1x1x16xf32> to vector<16xf32>
          %parallel_loop3A_648 = arith.mulf %parallel_loop3A_647, %parallel_loop3A_399 : vector<16xf32>
          %parallel_loop3A_649 = arith.constant 15 : i32
          %parallel_loop3A_650 = arith.index_cast %rem3A_313 : i32 to index
          %parallel_loop3A_651 = arith.index_cast %parallel_loop3A_649 : i32 to index
          %parallel_loop3A_652 = arith.index_cast %parallel_loop3A_393 : i32 to index
          %parallel_loop3A_653 = tpu.vector_load %arg7[%parallel_loop3A_650, %parallel_loop3A_651, %parallel_loop3A_652] {strides = array<i32>} : memref<12x16x128xf32, #tpu.memory_space<vmem>>, vector<1x1x16xf32>,
          %parallel_loop3A_654 = vector.shape_cast %parallel_loop3A_653 : vector<1x1x16xf32> to vector<16xf32>
          %parallel_loop3A_655 = vector.shape_cast %parallel_loop3A_648 : vector<16xf32> to vector<1x1x16xf32>
          tpu.vector_store %arg7[%parallel_loop3A_650, %parallel_loop3A_651, %parallel_loop3A_652], %parallel_loop3A_655 {strides = array<i32>} : memref<12x16x128xf32, #tpu.memory_space<vmem>>, vector<1x1x16xf32>,
        } {sc.loop_unroll_factor = 1 : i64, sc.parallel_access}
        %mul3A_374 = arith.constant 16 : i32
        %mul3A_375 = arith.muli %while3A_311, %mul3A_374 : i32
        %mul3A_376 = arith.constant 128 : i32
        %mul3A_377 = arith.muli %add3A_3, %mul3A_376 : i32
        %multiple_of3A_378 = tpu.assume_multiple %mul3A_377, 128 : i32
        %dma_start3A_379 = arith.constant 0 : i32
        %dma_start3A_380 = arith.constant 0 : i32
        %dma_start3A_381 = tpu.memref_slice %arg7[%rem3A_313, %dma_start3A_379, %dma_start3A_380] : memref<12x16x128xf32, #tpu.memory_space<vmem>> -> memref<1x16x128xf32, #tpu.memory_space<vmem>>
        %dma_start3A_382 = tpu.memref_squeeze %dma_start3A_381 : memref<1x16x128xf32, #tpu.memory_space<vmem>> -> memref<16x128xf32, #tpu.memory_space<vmem>>
        %dma_start3A_383 = tpu.memref_slice %arg4[%mul3A_375, %multiple_of3A_378] : memref<592x100000xf32, #tpu.memory_space<hbm>> -> memref<16x128xf32, #tpu.memory_space<hbm>>
        %dma_start3A_384 = tpu.memref_slice %arg10[%rem3A_313] : memref<12x!tpu.dma_semaphore, #tpu.memory_space<semaphore_mem>> -> memref<1x!tpu.dma_semaphore, #tpu.memory_space<semaphore_mem>>
        %dma_start3A_385 = tpu.memref_squeeze %dma_start3A_384 : memref<1x!tpu.dma_semaphore, #tpu.memory_space<semaphore_mem>> -> memref<!tpu.dma_semaphore, #tpu.memory_space<semaphore_mem>>
        %dma_start3A_386 = tpu.memref_slice %arg4[%mul3A_375, %multiple_of3A_378] : memref<592x100000xf32, #tpu.memory_space<hbm>> -> memref<16x128xf32, #tpu.memory_space<hbm>>
        %dma_start3A_387 = arith.constant 0 : i32
        %dma_start3A_388 = arith.constant 0 : i32
        %dma_start3A_389 = tpu.memref_slice %arg7[%rem3A_313, %dma_start3A_387, %dma_start3A_388] : memref<12x16x128xf32, #tpu.memory_space<vmem>> -> memref<1x16x128xf32, #tpu.memory_space<vmem>>
        %dma_start3A_390 = tpu.memref_squeeze %dma_start3A_389 : memref<1x16x128xf32, #tpu.memory_space<vmem>> -> memref<16x128xf32, #tpu.memory_space<vmem>>
        tpu.enqueue_dma source(%dma_start3A_390 : memref<16x128xf32, #tpu.memory_space<vmem>>) target(%dma_start3A_386 : memref<16x128xf32, #tpu.memory_space<hbm>>) target_semaphore(%dma_start3A_385 : memref<!tpu.dma_semaphore, #tpu.memory_space<semaphore_mem>>)
      }
    } else {
    }
    %multiple_of3A_54 = arith.constant 0 : i32
    %multiple_of3A_55 = tpu.assume_multiple %multiple_of3A_54, 128 : i32
    %dma_wait3A = arith.constant 0 : i32
    %dma_wait3A_56 = arith.constant 0 : i32
    %dma_wait3A_57 = arith.constant 0 : i32
    %dma_wait3A_58 = arith.constant 0 : i32
    %dma_wait3A_59 = tpu.memref_slice %arg7[%dma_wait3A, %dma_wait3A_57, %dma_wait3A_58] : memref<12x16x128xf32, #tpu.memory_space<vmem>> -> memref<1x16x128xf32, #tpu.memory_space<vmem>>
    %dma_wait3A_60 = tpu.memref_squeeze %dma_wait3A_59 : memref<1x16x128xf32, #tpu.memory_space<vmem>> -> memref<16x128xf32, #tpu.memory_space<vmem>>
    %dma_wait3A_61 = arith.constant 0 : i32
    %dma_wait3A_62 = tpu.memref_slice %arg4[%dma_wait3A_61, %multiple_of3A_55] : memref<592x100000xf32, #tpu.memory_space<hbm>> -> memref<16x128xf32, #tpu.memory_space<hbm>>
    %dma_wait3A_63 = tpu.memref_slice %arg10[%dma_wait3A_56] : memref<12x!tpu.dma_semaphore, #tpu.memory_space<semaphore_mem>> -> memref<1x!tpu.dma_semaphore, #tpu.memory_space<semaphore_mem>>
    %dma_wait3A_64 = tpu.memref_squeeze %dma_wait3A_63 : memref<1x!tpu.dma_semaphore, #tpu.memory_space<semaphore_mem>> -> memref<!tpu.dma_semaphore, #tpu.memory_space<semaphore_mem>>
    %dma_wait3A_65 = arith.constant 0 : i32
    %dma_wait3A_66 = tpu.memref_slice %arg4[%dma_wait3A_65, %multiple_of3A_55] : memref<592x100000xf32, #tpu.memory_space<hbm>> -> memref<16x128xf32, #tpu.memory_space<hbm>>
    %dma_wait3A_67 = arith.constant 0 : i32
    %dma_wait3A_68 = arith.constant 0 : i32
    %dma_wait3A_69 = tpu.memref_slice %arg7[%dma_wait3A, %dma_wait3A_67, %dma_wait3A_68] : memref<12x16x128xf32, #tpu.memory_space<vmem>> -> memref<1x16x128xf32, #tpu.memory_space<vmem>>
    %dma_wait3A_70 = tpu.memref_squeeze %dma_wait3A_69 : memref<1x16x128xf32, #tpu.memory_space<vmem>> -> memref<16x128xf32, #tpu.memory_space<vmem>>
    tpu.wait_dma2 semaphore(%dma_wait3A_64 : memref<!tpu.dma_semaphore, #tpu.memory_space<semaphore_mem>>) src(%dma_wait3A_70 : memref<16x128xf32, #tpu.memory_space<vmem>>) dst(%dma_wait3A_66 : memref<16x128xf32, #tpu.memory_space<hbm>>)
    %multiple_of3A_71 = arith.constant 0 : i32
    %multiple_of3A_72 = tpu.assume_multiple %multiple_of3A_71, 128 : i32
    %dma_wait3A_73 = arith.constant 1 : i32
    %dma_wait3A_74 = arith.constant 1 : i32
    %dma_wait3A_75 = arith.constant 0 : i32
    %dma_wait3A_76 = arith.constant 0 : i32
    %dma_wait3A_77 = tpu.memref_slice %arg7[%dma_wait3A_73, %dma_wait3A_75, %dma_wait3A_76] : memref<12x16x128xf32, #tpu.memory_space<vmem>> -> memref<1x16x128xf32, #tpu.memory_space<vmem>>
    %dma_wait3A_78 = tpu.memref_squeeze %dma_wait3A_77 : memref<1x16x128xf32, #tpu.memory_space<vmem>> -> memref<16x128xf32, #tpu.memory_space<vmem>>
    %dma_wait3A_79 = arith.constant 0 : i32
    %dma_wait3A_80 = tpu.memref_slice %arg4[%dma_wait3A_79, %multiple_of3A_72] : memref<592x100000xf32, #tpu.memory_space<hbm>> -> memref<16x128xf32, #tpu.memory_space<hbm>>
    %dma_wait3A_81 = tpu.memref_slice %arg10[%dma_wait3A_74] : memref<12x!tpu.dma_semaphore, #tpu.memory_space<semaphore_mem>> -> memref<1x!tpu.dma_semaphore, #tpu.memory_space<semaphore_mem>>
    %dma_wait3A_82 = tpu.memref_squeeze %dma_wait3A_81 : memref<1x!tpu.dma_semaphore, #tpu.memory_space<semaphore_mem>> -> memref<!tpu.dma_semaphore, #tpu.memory_space<semaphore_mem>>
    %dma_wait3A_83 = arith.constant 0 : i32
    %dma_wait3A_84 = tpu.memref_slice %arg4[%dma_wait3A_83, %multiple_of3A_72] : memref<592x100000xf32, #tpu.memory_space<hbm>> -> memref<16x128xf32, #tpu.memory_space<hbm>>
    %dma_wait3A_85 = arith.constant 0 : i32
    %dma_wait3A_86 = arith.constant 0 : i32
    %dma_wait3A_87 = tpu.memref_slice %arg7[%dma_wait3A_73, %dma_wait3A_85, %dma_wait3A_86] : memref<12x16x128xf32, #tpu.memory_space<vmem>> -> memref<1x16x128xf32, #tpu.memory_space<vmem>>
    %dma_wait3A_88 = tpu.memref_squeeze %dma_wait3A_87 : memref<1x16x128xf32, #tpu.memory_space<vmem>> -> memref<16x128xf32, #tpu.memory_space<vmem>>
    tpu.wait_dma2 semaphore(%dma_wait3A_82 : memref<!tpu.dma_semaphore, #tpu.memory_space<semaphore_mem>>) src(%dma_wait3A_88 : memref<16x128xf32, #tpu.memory_space<vmem>>) dst(%dma_wait3A_84 : memref<16x128xf32, #tpu.memory_space<hbm>>)
    %multiple_of3A_89 = arith.constant 0 : i32
    %multiple_of3A_90 = tpu.assume_multiple %multiple_of3A_89, 128 : i32
    %dma_wait3A_91 = arith.constant 2 : i32
    %dma_wait3A_92 = arith.constant 2 : i32
    %dma_wait3A_93 = arith.constant 0 : i32
    %dma_wait3A_94 = arith.constant 0 : i32
    %dma_wait3A_95 = tpu.memref_slice %arg7[%dma_wait3A_91, %dma_wait3A_93, %dma_wait3A_94] : memref<12x16x128xf32, #tpu.memory_space<vmem>> -> memref<1x16x128xf32, #tpu.memory_space<vmem>>
    %dma_wait3A_96 = tpu.memref_squeeze %dma_wait3A_95 : memref<1x16x128xf32, #tpu.memory_space<vmem>> -> memref<16x128xf32, #tpu.memory_space<vmem>>
    %dma_wait3A_97 = arith.constant 0 : i32
    %dma_wait3A_98 = tpu.memref_slice %arg4[%dma_wait3A_97, %multiple_of3A_90] : memref<592x100000xf32, #tpu.memory_space<hbm>> -> memref<16x128xf32, #tpu.memory_space<hbm>>
    %dma_wait3A_99 = tpu.memref_slice %arg10[%dma_wait3A_92] : memref<12x!tpu.dma_semaphore, #tpu.memory_space<semaphore_mem>> -> memref<1x!tpu.dma_semaphore, #tpu.memory_space<semaphore_mem>>
    %dma_wait3A_100 = tpu.memref_squeeze %dma_wait3A_99 : memref<1x!tpu.dma_semaphore, #tpu.memory_space<semaphore_mem>> -> memref<!tpu.dma_semaphore, #tpu.memory_space<semaphore_mem>>
    %dma_wait3A_101 = arith.constant 0 : i32
    %dma_wait3A_102 = tpu.memref_slice %arg4[%dma_wait3A_101, %multiple_of3A_90] : memref<592x100000xf32, #tpu.memory_space<hbm>> -> memref<16x128xf32, #tpu.memory_space<hbm>>
    %dma_wait3A_103 = arith.constant 0 : i32
    %dma_wait3A_104 = arith.constant 0 : i32
    %dma_wait3A_105 = tpu.memref_slice %arg7[%dma_wait3A_91, %dma_wait3A_103, %dma_wait3A_104] : memref<12x16x128xf32, #tpu.memory_space<vmem>> -> memref<1x16x128xf32, #tpu.memory_space<vmem>>
    %dma_wait3A_106 = tpu.memref_squeeze %dma_wait3A_105 : memref<1x16x128xf32, #tpu.memory_space<vmem>> -> memref<16x128xf32, #tpu.memory_space<vmem>>
    tpu.wait_dma2 semaphore(%dma_wait3A_100 : memref<!tpu.dma_semaphore, #tpu.memory_space<semaphore_mem>>) src(%dma_wait3A_106 : memref<16x128xf32, #tpu.memory_space<vmem>>) dst(%dma_wait3A_102 : memref<16x128xf32, #tpu.memory_space<hbm>>)
    %multiple_of3A_107 = arith.constant 0 : i32
    %multiple_of3A_108 = tpu.assume_multiple %multiple_of3A_107, 128 : i32
    %dma_wait3A_109 = arith.constant 3 : i32
    %dma_wait3A_110 = arith.constant 3 : i32
    %dma_wait3A_111 = arith.constant 0 : i32
    %dma_wait3A_112 = arith.constant 0 : i32
    %dma_wait3A_113 = tpu.memref_slice %arg7[%dma_wait3A_109, %dma_wait3A_111, %dma_wait3A_112] : memref<12x16x128xf32, #tpu.memory_space<vmem>> -> memref<1x16x128xf32, #tpu.memory_space<vmem>>
    %dma_wait3A_114 = tpu.memref_squeeze %dma_wait3A_113 : memref<1x16x128xf32, #tpu.memory_space<vmem>> -> memref<16x128xf32, #tpu.memory_space<vmem>>
    %dma_wait3A_115 = arith.constant 0 : i32
    %dma_wait3A_116 = tpu.memref_slice %arg4[%dma_wait3A_115, %multiple_of3A_108] : memref<592x100000xf32, #tpu.memory_space<hbm>> -> memref<16x128xf32, #tpu.memory_space<hbm>>
    %dma_wait3A_117 = tpu.memref_slice %arg10[%dma_wait3A_110] : memref<12x!tpu.dma_semaphore, #tpu.memory_space<semaphore_mem>> -> memref<1x!tpu.dma_semaphore, #tpu.memory_space<semaphore_mem>>
    %dma_wait3A_118 = tpu.memref_squeeze %dma_wait3A_117 : memref<1x!tpu.dma_semaphore, #tpu.memory_space<semaphore_mem>> -> memref<!tpu.dma_semaphore, #tpu.memory_space<semaphore_mem>>
    %dma_wait3A_119 = arith.constant 0 : i32
    %dma_wait3A_120 = tpu.memref_slice %arg4[%dma_wait3A_119, %multiple_of3A_108] : memref<592x100000xf32, #tpu.memory_space<hbm>> -> memref<16x128xf32, #tpu.memory_space<hbm>>
    %dma_wait3A_121 = arith.constant 0 : i32
    %dma_wait3A_122 = arith.constant 0 : i32
    %dma_wait3A_123 = tpu.memref_slice %arg7[%dma_wait3A_109, %dma_wait3A_121, %dma_wait3A_122] : memref<12x16x128xf32, #tpu.memory_space<vmem>> -> memref<1x16x128xf32, #tpu.memory_space<vmem>>
    %dma_wait3A_124 = tpu.memref_squeeze %dma_wait3A_123 : memref<1x16x128xf32, #tpu.memory_space<vmem>> -> memref<16x128xf32, #tpu.memory_space<vmem>>
    tpu.wait_dma2 semaphore(%dma_wait3A_118 : memref<!tpu.dma_semaphore, #tpu.memory_space<semaphore_mem>>) src(%dma_wait3A_124 : memref<16x128xf32, #tpu.memory_space<vmem>>) dst(%dma_wait3A_120 : memref<16x128xf32, #tpu.memory_space<hbm>>)
    %multiple_of3A_125 = arith.constant 0 : i32
    %multiple_of3A_126 = tpu.assume_multiple %multiple_of3A_125, 128 : i32
    %dma_wait3A_127 = arith.constant 4 : i32
    %dma_wait3A_128 = arith.constant 4 : i32
    %dma_wait3A_129 = arith.constant 0 : i32
    %dma_wait3A_130 = arith.constant 0 : i32
    %dma_wait3A_131 = tpu.memref_slice %arg7[%dma_wait3A_127, %dma_wait3A_129, %dma_wait3A_130] : memref<12x16x128xf32, #tpu.memory_space<vmem>> -> memref<1x16x128xf32, #tpu.memory_space<vmem>>
    %dma_wait3A_132 = tpu.memref_squeeze %dma_wait3A_131 : memref<1x16x128xf32, #tpu.memory_space<vmem>> -> memref<16x128xf32, #tpu.memory_space<vmem>>
    %dma_wait3A_133 = arith.constant 0 : i32
    %dma_wait3A_134 = tpu.memref_slice %arg4[%dma_wait3A_133, %multiple_of3A_126] : memref<592x100000xf32, #tpu.memory_space<hbm>> -> memref<16x128xf32, #tpu.memory_space<hbm>>
    %dma_wait3A_135 = tpu.memref_slice %arg10[%dma_wait3A_128] : memref<12x!tpu.dma_semaphore, #tpu.memory_space<semaphore_mem>> -> memref<1x!tpu.dma_semaphore, #tpu.memory_space<semaphore_mem>>
    %dma_wait3A_136 = tpu.memref_squeeze %dma_wait3A_135 : memref<1x!tpu.dma_semaphore, #tpu.memory_space<semaphore_mem>> -> memref<!tpu.dma_semaphore, #tpu.memory_space<semaphore_mem>>
    %dma_wait3A_137 = arith.constant 0 : i32
    %dma_wait3A_138 = tpu.memref_slice %arg4[%dma_wait3A_137, %multiple_of3A_126] : memref<592x100000xf32, #tpu.memory_space<hbm>> -> memref<16x128xf32, #tpu.memory_space<hbm>>
    %dma_wait3A_139 = arith.constant 0 : i32
    %dma_wait3A_140 = arith.constant 0 : i32
    %dma_wait3A_141 = tpu.memref_slice %arg7[%dma_wait3A_127, %dma_wait3A_139, %dma_wait3A_140] : memref<12x16x128xf32, #tpu.memory_space<vmem>> -> memref<1x16x128xf32, #tpu.memory_space<vmem>>
    %dma_wait3A_142 = tpu.memref_squeeze %dma_wait3A_141 : memref<1x16x128xf32, #tpu.memory_space<vmem>> -> memref<16x128xf32, #tpu.memory_space<vmem>>
    tpu.wait_dma2 semaphore(%dma_wait3A_136 : memref<!tpu.dma_semaphore, #tpu.memory_space<semaphore_mem>>) src(%dma_wait3A_142 : memref<16x128xf32, #tpu.memory_space<vmem>>) dst(%dma_wait3A_138 : memref<16x128xf32, #tpu.memory_space<hbm>>)
    %multiple_of3A_143 = arith.constant 0 : i32
    %multiple_of3A_144 = tpu.assume_multiple %multiple_of3A_143, 128 : i32
    %dma_wait3A_145 = arith.constant 5 : i32
    %dma_wait3A_146 = arith.constant 5 : i32
    %dma_wait3A_147 = arith.constant 0 : i32
    %dma_wait3A_148 = arith.constant 0 : i32
    %dma_wait3A_149 = tpu.memref_slice %arg7[%dma_wait3A_145, %dma_wait3A_147, %dma_wait3A_148] : memref<12x16x128xf32, #tpu.memory_space<vmem>> -> memref<1x16x128xf32, #tpu.memory_space<vmem>>
    %dma_wait3A_150 = tpu.memref_squeeze %dma_wait3A_149 : memref<1x16x128xf32, #tpu.memory_space<vmem>> -> memref<16x128xf32, #tpu.memory_space<vmem>>
    %dma_wait3A_151 = arith.constant 0 : i32
    %dma_wait3A_152 = tpu.memref_slice %arg4[%dma_wait3A_151, %multiple_of3A_144] : memref<592x100000xf32, #tpu.memory_space<hbm>> -> memref<16x128xf32, #tpu.memory_space<hbm>>
    %dma_wait3A_153 = tpu.memref_slice %arg10[%dma_wait3A_146] : memref<12x!tpu.dma_semaphore, #tpu.memory_space<semaphore_mem>> -> memref<1x!tpu.dma_semaphore, #tpu.memory_space<semaphore_mem>>
    %dma_wait3A_154 = tpu.memref_squeeze %dma_wait3A_153 : memref<1x!tpu.dma_semaphore, #tpu.memory_space<semaphore_mem>> -> memref<!tpu.dma_semaphore, #tpu.memory_space<semaphore_mem>>
    %dma_wait3A_155 = arith.constant 0 : i32
    %dma_wait3A_156 = tpu.memref_slice %arg4[%dma_wait3A_155, %multiple_of3A_144] : memref<592x100000xf32, #tpu.memory_space<hbm>> -> memref<16x128xf32, #tpu.memory_space<hbm>>
    %dma_wait3A_157 = arith.constant 0 : i32
    %dma_wait3A_158 = arith.constant 0 : i32
    %dma_wait3A_159 = tpu.memref_slice %arg7[%dma_wait3A_145, %dma_wait3A_157, %dma_wait3A_158] : memref<12x16x128xf32, #tpu.memory_space<vmem>> -> memref<1x16x128xf32, #tpu.memory_space<vmem>>
    %dma_wait3A_160 = tpu.memref_squeeze %dma_wait3A_159 : memref<1x16x128xf32, #tpu.memory_space<vmem>> -> memref<16x128xf32, #tpu.memory_space<vmem>>
    tpu.wait_dma2 semaphore(%dma_wait3A_154 : memref<!tpu.dma_semaphore, #tpu.memory_space<semaphore_mem>>) src(%dma_wait3A_160 : memref<16x128xf32, #tpu.memory_space<vmem>>) dst(%dma_wait3A_156 : memref<16x128xf32, #tpu.memory_space<hbm>>)
    %multiple_of3A_161 = arith.constant 0 : i32
    %multiple_of3A_162 = tpu.assume_multiple %multiple_of3A_161, 128 : i32
    %dma_wait3A_163 = arith.constant 6 : i32
    %dma_wait3A_164 = arith.constant 6 : i32
    %dma_wait3A_165 = arith.constant 0 : i32
    %dma_wait3A_166 = arith.constant 0 : i32
    %dma_wait3A_167 = tpu.memref_slice %arg7[%dma_wait3A_163, %dma_wait3A_165, %dma_wait3A_166] : memref<12x16x128xf32, #tpu.memory_space<vmem>> -> memref<1x16x128xf32, #tpu.memory_space<vmem>>
    %dma_wait3A_168 = tpu.memref_squeeze %dma_wait3A_167 : memref<1x16x128xf32, #tpu.memory_space<vmem>> -> memref<16x128xf32, #tpu.memory_space<vmem>>
    %dma_wait3A_169 = arith.constant 0 : i32
    %dma_wait3A_170 = tpu.memref_slice %arg4[%dma_wait3A_169, %multiple_of3A_162] : memref<592x100000xf32, #tpu.memory_space<hbm>> -> memref<16x128xf32, #tpu.memory_space<hbm>>
    %dma_wait3A_171 = tpu.memref_slice %arg10[%dma_wait3A_164] : memref<12x!tpu.dma_semaphore, #tpu.memory_space<semaphore_mem>> -> memref<1x!tpu.dma_semaphore, #tpu.memory_space<semaphore_mem>>
    %dma_wait3A_172 = tpu.memref_squeeze %dma_wait3A_171 : memref<1x!tpu.dma_semaphore, #tpu.memory_space<semaphore_mem>> -> memref<!tpu.dma_semaphore, #tpu.memory_space<semaphore_mem>>
    %dma_wait3A_173 = arith.constant 0 : i32
    %dma_wait3A_174 = tpu.memref_slice %arg4[%dma_wait3A_173, %multiple_of3A_162] : memref<592x100000xf32, #tpu.memory_space<hbm>> -> memref<16x128xf32, #tpu.memory_space<hbm>>
    %dma_wait3A_175 = arith.constant 0 : i32
    %dma_wait3A_176 = arith.constant 0 : i32
    %dma_wait3A_177 = tpu.memref_slice %arg7[%dma_wait3A_163, %dma_wait3A_175, %dma_wait3A_176] : memref<12x16x128xf32, #tpu.memory_space<vmem>> -> memref<1x16x128xf32, #tpu.memory_space<vmem>>
    %dma_wait3A_178 = tpu.memref_squeeze %dma_wait3A_177 : memref<1x16x128xf32, #tpu.memory_space<vmem>> -> memref<16x128xf32, #tpu.memory_space<vmem>>
    tpu.wait_dma2 semaphore(%dma_wait3A_172 : memref<!tpu.dma_semaphore, #tpu.memory_space<semaphore_mem>>) src(%dma_wait3A_178 : memref<16x128xf32, #tpu.memory_space<vmem>>) dst(%dma_wait3A_174 : memref<16x128xf32, #tpu.memory_space<hbm>>)
    %multiple_of3A_179 = arith.constant 0 : i32
    %multiple_of3A_180 = tpu.assume_multiple %multiple_of3A_179, 128 : i32
    %dma_wait3A_181 = arith.constant 7 : i32
    %dma_wait3A_182 = arith.constant 7 : i32
    %dma_wait3A_183 = arith.constant 0 : i32
    %dma_wait3A_184 = arith.constant 0 : i32
    %dma_wait3A_185 = tpu.memref_slice %arg7[%dma_wait3A_181, %dma_wait3A_183, %dma_wait3A_184] : memref<12x16x128xf32, #tpu.memory_space<vmem>> -> memref<1x16x128xf32, #tpu.memory_space<vmem>>
    %dma_wait3A_186 = tpu.memref_squeeze %dma_wait3A_185 : memref<1x16x128xf32, #tpu.memory_space<vmem>> -> memref<16x128xf32, #tpu.memory_space<vmem>>
    %dma_wait3A_187 = arith.constant 0 : i32
    %dma_wait3A_188 = tpu.memref_slice %arg4[%dma_wait3A_187, %multiple_of3A_180] : memref<592x100000xf32, #tpu.memory_space<hbm>> -> memref<16x128xf32, #tpu.memory_space<hbm>>
    %dma_wait3A_189 = tpu.memref_slice %arg10[%dma_wait3A_182] : memref<12x!tpu.dma_semaphore, #tpu.memory_space<semaphore_mem>> -> memref<1x!tpu.dma_semaphore, #tpu.memory_space<semaphore_mem>>
    %dma_wait3A_190 = tpu.memref_squeeze %dma_wait3A_189 : memref<1x!tpu.dma_semaphore, #tpu.memory_space<semaphore_mem>> -> memref<!tpu.dma_semaphore, #tpu.memory_space<semaphore_mem>>
    %dma_wait3A_191 = arith.constant 0 : i32
    %dma_wait3A_192 = tpu.memref_slice %arg4[%dma_wait3A_191, %multiple_of3A_180] : memref<592x100000xf32, #tpu.memory_space<hbm>> -> memref<16x128xf32, #tpu.memory_space<hbm>>
    %dma_wait3A_193 = arith.constant 0 : i32
    %dma_wait3A_194 = arith.constant 0 : i32
    %dma_wait3A_195 = tpu.memref_slice %arg7[%dma_wait3A_181, %dma_wait3A_193, %dma_wait3A_194] : memref<12x16x128xf32, #tpu.memory_space<vmem>> -> memref<1x16x128xf32, #tpu.memory_space<vmem>>
    %dma_wait3A_196 = tpu.memref_squeeze %dma_wait3A_195 : memref<1x16x128xf32, #tpu.memory_space<vmem>> -> memref<16x128xf32, #tpu.memory_space<vmem>>
    tpu.wait_dma2 semaphore(%dma_wait3A_190 : memref<!tpu.dma_semaphore, #tpu.memory_space<semaphore_mem>>) src(%dma_wait3A_196 : memref<16x128xf32, #tpu.memory_space<vmem>>) dst(%dma_wait3A_192 : memref<16x128xf32, #tpu.memory_space<hbm>>)
    %multiple_of3A_197 = arith.constant 0 : i32
    %multiple_of3A_198 = tpu.assume_multiple %multiple_of3A_197, 128 : i32
    %dma_wait3A_199 = arith.constant 8 : i32
    %dma_wait3A_200 = arith.constant 8 : i32
    %dma_wait3A_201 = arith.constant 0 : i32
    %dma_wait3A_202 = arith.constant 0 : i32
    %dma_wait3A_203 = tpu.memref_slice %arg7[%dma_wait3A_199, %dma_wait3A_201, %dma_wait3A_202] : memref<12x16x128xf32, #tpu.memory_space<vmem>> -> memref<1x16x128xf32, #tpu.memory_space<vmem>>
    %dma_wait3A_204 = tpu.memref_squeeze %dma_wait3A_203 : memref<1x16x128xf32, #tpu.memory_space<vmem>> -> memref<16x128xf32, #tpu.memory_space<vmem>>
    %dma_wait3A_205 = arith.constant 0 : i32
    %dma_wait3A_206 = tpu.memref_slice %arg4[%dma_wait3A_205, %multiple_of3A_198] : memref<592x100000xf32, #tpu.memory_space<hbm>> -> memref<16x128xf32, #tpu.memory_space<hbm>>
    %dma_wait3A_207 = tpu.memref_slice %arg10[%dma_wait3A_200] : memref<12x!tpu.dma_semaphore, #tpu.memory_space<semaphore_mem>> -> memref<1x!tpu.dma_semaphore, #tpu.memory_space<semaphore_mem>>
    %dma_wait3A_208 = tpu.memref_squeeze %dma_wait3A_207 : memref<1x!tpu.dma_semaphore, #tpu.memory_space<semaphore_mem>> -> memref<!tpu.dma_semaphore, #tpu.memory_space<semaphore_mem>>
    %dma_wait3A_209 = arith.constant 0 : i32
    %dma_wait3A_210 = tpu.memref_slice %arg4[%dma_wait3A_209, %multiple_of3A_198] : memref<592x100000xf32, #tpu.memory_space<hbm>> -> memref<16x128xf32, #tpu.memory_space<hbm>>
    %dma_wait3A_211 = arith.constant 0 : i32
    %dma_wait3A_212 = arith.constant 0 : i32
    %dma_wait3A_213 = tpu.memref_slice %arg7[%dma_wait3A_199, %dma_wait3A_211, %dma_wait3A_212] : memref<12x16x128xf32, #tpu.memory_space<vmem>> -> memref<1x16x128xf32, #tpu.memory_space<vmem>>
    %dma_wait3A_214 = tpu.memref_squeeze %dma_wait3A_213 : memref<1x16x128xf32, #tpu.memory_space<vmem>> -> memref<16x128xf32, #tpu.memory_space<vmem>>
    tpu.wait_dma2 semaphore(%dma_wait3A_208 : memref<!tpu.dma_semaphore, #tpu.memory_space<semaphore_mem>>) src(%dma_wait3A_214 : memref<16x128xf32, #tpu.memory_space<vmem>>) dst(%dma_wait3A_210 : memref<16x128xf32, #tpu.memory_space<hbm>>)
    %multiple_of3A_215 = arith.constant 0 : i32
    %multiple_of3A_216 = tpu.assume_multiple %multiple_of3A_215, 128 : i32
    %dma_wait3A_217 = arith.constant 9 : i32
    %dma_wait3A_218 = arith.constant 9 : i32
    %dma_wait3A_219 = arith.constant 0 : i32
    %dma_wait3A_220 = arith.constant 0 : i32
    %dma_wait3A_221 = tpu.memref_slice %arg7[%dma_wait3A_217, %dma_wait3A_219, %dma_wait3A_220] : memref<12x16x128xf32, #tpu.memory_space<vmem>> -> memref<1x16x128xf32, #tpu.memory_space<vmem>>
    %dma_wait3A_222 = tpu.memref_squeeze %dma_wait3A_221 : memref<1x16x128xf32, #tpu.memory_space<vmem>> -> memref<16x128xf32, #tpu.memory_space<vmem>>
    %dma_wait3A_223 = arith.constant 0 : i32
    %dma_wait3A_224 = tpu.memref_slice %arg4[%dma_wait3A_223, %multiple_of3A_216] : memref<592x100000xf32, #tpu.memory_space<hbm>> -> memref<16x128xf32, #tpu.memory_space<hbm>>
    %dma_wait3A_225 = tpu.memref_slice %arg10[%dma_wait3A_218] : memref<12x!tpu.dma_semaphore, #tpu.memory_space<semaphore_mem>> -> memref<1x!tpu.dma_semaphore, #tpu.memory_space<semaphore_mem>>
    %dma_wait3A_226 = tpu.memref_squeeze %dma_wait3A_225 : memref<1x!tpu.dma_semaphore, #tpu.memory_space<semaphore_mem>> -> memref<!tpu.dma_semaphore, #tpu.memory_space<semaphore_mem>>
    %dma_wait3A_227 = arith.constant 0 : i32
    %dma_wait3A_228 = tpu.memref_slice %arg4[%dma_wait3A_227, %multiple_of3A_216] : memref<592x100000xf32, #tpu.memory_space<hbm>> -> memref<16x128xf32, #tpu.memory_space<hbm>>
    %dma_wait3A_229 = arith.constant 0 : i32
    %dma_wait3A_230 = arith.constant 0 : i32
    %dma_wait3A_231 = tpu.memref_slice %arg7[%dma_wait3A_217, %dma_wait3A_229, %dma_wait3A_230] : memref<12x16x128xf32, #tpu.memory_space<vmem>> -> memref<1x16x128xf32, #tpu.memory_space<vmem>>
    %dma_wait3A_232 = tpu.memref_squeeze %dma_wait3A_231 : memref<1x16x128xf32, #tpu.memory_space<vmem>> -> memref<16x128xf32, #tpu.memory_space<vmem>>
    tpu.wait_dma2 semaphore(%dma_wait3A_226 : memref<!tpu.dma_semaphore, #tpu.memory_space<semaphore_mem>>) src(%dma_wait3A_232 : memref<16x128xf32, #tpu.memory_space<vmem>>) dst(%dma_wait3A_228 : memref<16x128xf32, #tpu.memory_space<hbm>>)
    %multiple_of3A_233 = arith.constant 0 : i32
    %multiple_of3A_234 = tpu.assume_multiple %multiple_of3A_233, 128 : i32
    %dma_wait3A_235 = arith.constant 10 : i32
    %dma_wait3A_236 = arith.constant 10 : i32
    %dma_wait3A_237 = arith.constant 0 : i32
    %dma_wait3A_238 = arith.constant 0 : i32
    %dma_wait3A_239 = tpu.memref_slice %arg7[%dma_wait3A_235, %dma_wait3A_237, %dma_wait3A_238] : memref<12x16x128xf32, #tpu.memory_space<vmem>> -> memref<1x16x128xf32, #tpu.memory_space<vmem>>
    %dma_wait3A_240 = tpu.memref_squeeze %dma_wait3A_239 : memref<1x16x128xf32, #tpu.memory_space<vmem>> -> memref<16x128xf32, #tpu.memory_space<vmem>>
    %dma_wait3A_241 = arith.constant 0 : i32
    %dma_wait3A_242 = tpu.memref_slice %arg4[%dma_wait3A_241, %multiple_of3A_234] : memref<592x100000xf32, #tpu.memory_space<hbm>> -> memref<16x128xf32, #tpu.memory_space<hbm>>
    %dma_wait3A_243 = tpu.memref_slice %arg10[%dma_wait3A_236] : memref<12x!tpu.dma_semaphore, #tpu.memory_space<semaphore_mem>> -> memref<1x!tpu.dma_semaphore, #tpu.memory_space<semaphore_mem>>
    %dma_wait3A_244 = tpu.memref_squeeze %dma_wait3A_243 : memref<1x!tpu.dma_semaphore, #tpu.memory_space<semaphore_mem>> -> memref<!tpu.dma_semaphore, #tpu.memory_space<semaphore_mem>>
    %dma_wait3A_245 = arith.constant 0 : i32
    %dma_wait3A_246 = tpu.memref_slice %arg4[%dma_wait3A_245, %multiple_of3A_234] : memref<592x100000xf32, #tpu.memory_space<hbm>> -> memref<16x128xf32, #tpu.memory_space<hbm>>
    %dma_wait3A_247 = arith.constant 0 : i32
    %dma_wait3A_248 = arith.constant 0 : i32
    %dma_wait3A_249 = tpu.memref_slice %arg7[%dma_wait3A_235, %dma_wait3A_247, %dma_wait3A_248] : memref<12x16x128xf32, #tpu.memory_space<vmem>> -> memref<1x16x128xf32, #tpu.memory_space<vmem>>
    %dma_wait3A_250 = tpu.memref_squeeze %dma_wait3A_249 : memref<1x16x128xf32, #tpu.memory_space<vmem>> -> memref<16x128xf32, #tpu.memory_space<vmem>>
    tpu.wait_dma2 semaphore(%dma_wait3A_244 : memref<!tpu.dma_semaphore, #tpu.memory_space<semaphore_mem>>) src(%dma_wait3A_250 : memref<16x128xf32, #tpu.memory_space<vmem>>) dst(%dma_wait3A_246 : memref<16x128xf32, #tpu.memory_space<hbm>>)
    %multiple_of3A_251 = arith.constant 0 : i32
    %multiple_of3A_252 = tpu.assume_multiple %multiple_of3A_251, 128 : i32
    %dma_wait3A_253 = arith.constant 11 : i32
    %dma_wait3A_254 = arith.constant 11 : i32
    %dma_wait3A_255 = arith.constant 0 : i32
    %dma_wait3A_256 = arith.constant 0 : i32
    %dma_wait3A_257 = tpu.memref_slice %arg7[%dma_wait3A_253, %dma_wait3A_255, %dma_wait3A_256] : memref<12x16x128xf32, #tpu.memory_space<vmem>> -> memref<1x16x128xf32, #tpu.memory_space<vmem>>
    %dma_wait3A_258 = tpu.memref_squeeze %dma_wait3A_257 : memref<1x16x128xf32, #tpu.memory_space<vmem>> -> memref<16x128xf32, #tpu.memory_space<vmem>>
    %dma_wait3A_259 = arith.constant 0 : i32
    %dma_wait3A_260 = tpu.memref_slice %arg4[%dma_wait3A_259, %multiple_of3A_252] : memref<592x100000xf32, #tpu.memory_space<hbm>> -> memref<16x128xf32, #tpu.memory_space<hbm>>
    %dma_wait3A_261 = tpu.memref_slice %arg10[%dma_wait3A_254] : memref<12x!tpu.dma_semaphore, #tpu.memory_space<semaphore_mem>> -> memref<1x!tpu.dma_semaphore, #tpu.memory_space<semaphore_mem>>
    %dma_wait3A_262 = tpu.memref_squeeze %dma_wait3A_261 : memref<1x!tpu.dma_semaphore, #tpu.memory_space<semaphore_mem>> -> memref<!tpu.dma_semaphore, #tpu.memory_space<semaphore_mem>>
    %dma_wait3A_263 = arith.constant 0 : i32
    %dma_wait3A_264 = tpu.memref_slice %arg4[%dma_wait3A_263, %multiple_of3A_252] : memref<592x100000xf32, #tpu.memory_space<hbm>> -> memref<16x128xf32, #tpu.memory_space<hbm>>
    %dma_wait3A_265 = arith.constant 0 : i32
    %dma_wait3A_266 = arith.constant 0 : i32
    %dma_wait3A_267 = tpu.memref_slice %arg7[%dma_wait3A_253, %dma_wait3A_265, %dma_wait3A_266] : memref<12x16x128xf32, #tpu.memory_space<vmem>> -> memref<1x16x128xf32, #tpu.memory_space<vmem>>
    %dma_wait3A_268 = tpu.memref_squeeze %dma_wait3A_267 : memref<1x16x128xf32, #tpu.memory_space<vmem>> -> memref<16x128xf32, #tpu.memory_space<vmem>>
    tpu.wait_dma2 semaphore(%dma_wait3A_262 : memref<!tpu.dma_semaphore, #tpu.memory_space<semaphore_mem>>) src(%dma_wait3A_268 : memref<16x128xf32, #tpu.memory_space<vmem>>) dst(%dma_wait3A_264 : memref<16x128xf32, #tpu.memory_space<hbm>>)
    return
  }
}

</mosaic_0001>

<sc_bundles>
// kernel: kernel.3.cloned.1.call-start
scs
__scs_entry_jumppad:
0x0: {  	(pc) =	sbr.rel $0x88, $3  }
0x1: {  	(tag) =	ssettag $0x0;
	lr =	simm.s32 $0x1  }
0x2: {  	[smem:$0x3F9F] =	sst lr;
	_ =	strace $0xD0000000  }
0x3: {  	_ = 	snop  }
0x4: {  	_ = 	snop  }
0x5: {  	_ = 	snop  }
0x6: {  	_ = 	snop  }
0x7: {  	_ = 	snop  }
__scs_overlays_trampoline_lowered:
0x8: {  	[smem:$0x3FAE] =	sst s0  }
0x9: {  	[smem:$0x3FAF] =	sst s1  }
0xa: {  	[smem:$0x3FB0] =	sst s2  }
0xb: {  	[smem:$0x3FB1] =	sst s3  }
0xc: {  	[smem:$0x3FB2] =	sst s4  }
0xd: {  	[smem:$0x3FB3] =	sst s5  }
0xe: {  	[smem:$0x3FB4] =	sst s6  }
0xf: {  	[smem:$0x3FB5] =	sst s7  }
0x10: {  	[smem:$0x3FB6] =	sst s8  }
0x11: {  	[smem:$0x3FB7] =	sst s9;
	s0 =	simm.s32 @!p0 $0x0  }
0x12: {  	s1 =	sld [smem:$0x3F9D];
	s0 =	simm.s32 @p0 $0x1  }
0x13: {  	[smem:$0x3FB8] =	sst s0;
	s0 =	simm.s32 @!p1 $0x0  }
0x14: {  	s2 =	sld [smem:$0x3F9C];
	s0 =	simm.s32 @p1 $0x1  }
0x15: {  	[smem:$0x3FB9] =	sst s0;
	s0 =	simm.s32 @!p2 $0x0  }
0x16: {  	s3 =	sld [smem:$0x3FDB];
	s0 =	simm.s32 @p2 $0x1  }
0x17: {  	s4 =	simm.s32 $0x1BF5;
	[smem:$0x3FBB] =	sst s0  }
0x18: {  	s0 =	sld [smem:$0x3F9E];
	_ =	swait.ge [sflag:s4], $0x0  }
0x19: {  	s7 =	sld [smem:$0x3F9F]  }
0x1a: {  	s8 =	sadd.s32 $0xFFFFE003, lr  }
0x1b: {  	s9 =	sadd.s32 $0xFFFFFEF7, lr;
	s5 =	simm.s32 $0xFFFFFFFF;
	p2 =	slt.u32 s8, $0xFFFFF086  }
0x1c: {  	p1 =	slt.u32 s9, $0xF7A;
	s5 =	simm.s32 @!p2 $0x0  }
0x1d: {  	s5 =	simm.s32 @p1 $0x1;
	p0 =	seq.s32 s7, s2  }
0x1e: {  	s7 =	smul.u32 @!p0 $0xF7A, s2;
	p2 =	seq.s32 @!p0 s5, $0x0  }
0x1f: {  	s9 =	smul.u32 $0xF7A, s1;
	s8 =	simm.s32 @!p0 $0x1BF5;
	p2 =	por !p2, p0  }
0x20: {  	[sflag:s8] =	ssyncset.s32 @!p0 $0xFFFFF086;
	s6 =	sadd.s32 @!p0 s3, s7;
	s7 =	simm.s32 @!p0 $0x108  }
0x21: {  	s3 =	sadd.s32 s3, s9;
	s6 =	sadd.s32 @!p0 $0x88, s6;
	s7 =	simm.s32 @p2 $0x1082  }
0x22: {  	[simem:s7], [sflag:s8] =	dma.local @!p0 [hbm:s6], $0xF7A  }
0x23: {  	s9 =	sor.u32 $0xD0000000, s2;
	s6 =	simm.s32 $0x108;
	_ =	swait.ge @!p0 [sflag:s8], $0x0  }
0x24: {  	s3 =	sadd.s32 $0x88, s3;
	s6 =	simm.s32 @!p1 $0x1082;
	[sflag:s4] =	ssyncset.s32 $0xFFFFF086  }
0x25: {  	[simem:s6], [sflag:s4] =	dma.local [hbm:s3], $0xF7A  }
0x26: {  	[smem:$0x3F9F] =	sst s1;
	(tag) =	ssettag s2;
	_ =	strace s9  }
0x27: {  	s1 =	sld [smem:$0x3FAF]  }
0x28: {  	s2 =	sld [smem:$0x3FB0]  }
0x29: {  	s4 =	sld [smem:$0x3FB2]  }
0x2a: {  	p0 =	seq.s32 s5, $0x0;
	s5 =	sld [smem:$0x3FB3]  }
0x2b: {  	s6 =	sld [smem:$0x3FB4]  }
0x2c: {  	s7 =	sld [smem:$0x3FB5]  }
0x2d: {  	s3 =	simm.s32 $0x108;
	s8 =	sld [smem:$0x3FB6]  }
0x2e: {  	s3 =	simm.s32 @!p0 $0x1082;
	s9 =	sld [smem:$0x3FB7]  }
0x2f: {  	lr =	sadd.s32 s0, s3;
	s0 =	sld [smem:$0x3FAE]  }
0x30: {  	s3 =	sld [smem:$0x3FB1]  }
0x31: {  	[smem:$0x3FBA] =	sst s10  }
0x32: {  	s10 =	sld [smem:$0x3FB8];
	_ =	sdelay $0x3  }
0x33: {  	p0 =	seq.s32 s10, $0x1;
	s10 =	sld [smem:$0x3FBA];
	_ =	sdelay $0x3  }
0x34: {  	[smem:$0x3FBA] =	sst s10  }
0x35: {  	s10 =	sld [smem:$0x3FB9];
	_ =	sdelay $0x3  }
0x36: {  	p1 =	seq.s32 s10, $0x1;
	s10 =	sld [smem:$0x3FBA];
	_ =	sdelay $0x3  }
0x37: {  	[smem:$0x3FBA] =	sst s10  }
0x38: {  	s10 =	sld [smem:$0x3FBB]  }
0x39: {  	_ = 	snop;
	(pc) =	sbr.ind lr, $3  }
0x3a: {  	_ = 	snop  }
0x3b: {  	_ = 	snop  }
0x3c: {  	p2 =	seq.s32 s10, $0x1;
	s10 =	sld [smem:$0x3FBA]  }
0x3d: {  	_ =	shalt  }
0x3e: {  	_ =	shalt  }
0x3f: {  	_ =	shalt  }
0x40: {  	_ =	shalt  }
0x41: {  	_ =	shalt  }
0x42: {  	_ =	shalt  }
0x43: {  	_ =	shalt  }
0x44: {  	_ =	shalt  }
0x45: {  	_ =	shalt  }
0x46: {  	_ =	shalt  }
0x47: {  	_ =	shalt  }
0x48: {  	_ =	shalt  }
0x49: {  	_ =	shalt  }
0x4a: {  	_ =	shalt  }
0x4b: {  	_ =	shalt  }
0x4c: {  	_ =	shalt  }
0x4d: {  	_ =	shalt  }
0x4e: {  	_ =	shalt  }
0x4f: {  	_ =	shalt  }
0x50: {  	_ =	shalt  }
0x51: {  	_ =	shalt  }
0x52: {  	_ =	shalt  }
0x53: {  	_ =	shalt  }
0x54: {  	_ =	shalt  }
0x55: {  	_ =	shalt  }
0x56: {  	_ =	shalt  }
0x57: {  	_ =	shalt  }
0x58: {  	_ =	shalt  }
0x59: {  	_ =	shalt  }
0x5a: {  	_ =	shalt  }
0x5b: {  	_ =	shalt  }
0x5c: {  	_ =	shalt  }
0x5d: {  	_ =	shalt  }
0x5e: {  	_ =	shalt  }
0x5f: {  	_ =	shalt  }
0x60: {  	_ =	shalt  }
0x61: {  	_ =	shalt  }
0x62: {  	_ =	shalt  }
0x63: {  	_ =	shalt  }
0x64: {  	_ =	shalt  }
0x65: {  	_ =	shalt  }
0x66: {  	_ =	shalt  }
0x67: {  	_ =	shalt  }
0x68: {  	_ =	shalt  }
0x69: {  	_ =	shalt  }
0x6a: {  	_ =	shalt  }
0x6b: {  	_ =	shalt  }
0x6c: {  	_ =	shalt  }
0x6d: {  	_ =	shalt  }
0x6e: {  	_ =	shalt  }
0x6f: {  	_ =	shalt  }
0x70: {  	_ =	shalt  }
0x71: {  	_ =	shalt  }
0x72: {  	_ =	shalt  }
0x73: {  	_ =	shalt  }
0x74: {  	_ =	shalt  }
0x75: {  	_ =	shalt  }
0x76: {  	_ =	shalt  }
0x77: {  	_ =	shalt  }
0x78: {  	_ =	shalt  }
0x79: {  	_ =	shalt  }
0x7a: {  	_ =	shalt  }
0x7b: {  	_ =	shalt  }
0x7c: {  	_ =	shalt  }
0x7d: {  	_ =	shalt  }
0x7e: {  	_ =	shalt  }
0x7f: {  	_ =	shalt  }
0x80: {  	_ =	shalt  }
0x81: {  	_ =	shalt  }
0x82: {  	_ =	shalt  }
0x83: {  	_ =	shalt  }
0x84: {  	_ =	shalt  }
0x85: {  	_ =	shalt  }
0x86: {  	_ =	shalt  }
0x87: {  	_ =	shalt  }
.Lfunc_end0:
.L_simem_size_0:
called_computation_lowered:
.L_overlay_start_0:
0x88: {  	s2 =	sld [smem:$0x3FD9]  }
0x89: {  	s3 =	sld [smem:$0x3FFE];
	_ =	sdelay $0x1  }
0x8a: {  	s1 =	srdreg.scid  }
0x8b: {  	s0 =	sand.u32 $0x1, s1  }
0x8c: {  	s18 =	sshll.u32 s0, $0xA;
	s2 =	sadd.s32 s3, s2  }
0x8d: {  	s2 =	sadd.s32 s2, s18  }
0x8e: {  	[smem:$0x3FC6] =	sst s2  }
0x8f: {  	_ = 	snop  }
0x90: {  	s2 =	sld [smem:$0x3FC9]  }
0x91: {  	s19 =	sld [smem:$0x3FC8]  }
0x92: {  	s4 =	sld [smem:$0x3FD0];
	(tm) =	ssettm $0x1  }
0x93: {  	s5 =	sld [smem:$0x3FFB];
	_ =	sdelay $0x3  }
0x94: {  	_ =	strace s5  }
0x95: {  	s5 =	sld [smem:$0x3FFC];
	_ =	sdelay $0x3  }
0x96: {  	_ =	strace s5  }
0x97: {  	s5 =	sld [smem:$0x3FFD];
	_ =	sdelay $0x3  }
0x98: {  	_ =	strace s5  }
0x99: {  	_ =	strace $0x8FFFFFFF  }
0x9a: {  	s20 =	sld [smem:$0x3FDB];
	_ =	sdelay $0x1  }
0x9b: {  	s6 =	simm.s32 $_scs_section_size  }
0x9c: {  	s7 =	simm.s32 $_size__tile_overlayer_lowered;
	s8 =	simm.s32 $_tile_overlayer_lowered  }
0x9d: {  	s23 =	simm.s32 $0x1BFF;
	s22 =	sshll.u32 s8, $0x1;
	s5 =	sadd.s32 s6, s20  }
0x9e: {  	s9 =	simm.s32 $0x0;
	s21 =	sshll.u32 s7, $0x1;
	s7 =	sadd.s32 s22, s5  }
0x9f: {  	[timem:s9], [sflag:s23] =	dma.local [hbm:s7], s21  }
0xa0: {  	_ =	swait.ge [sflag:s23], s21  }
0xa1: {  	s6 =	ssub.s32 $0x0, s21;
	[sflag:s23] =	ssyncset.done $0x0  }
0xa2: {  	[sflag:s23] =	ssyncadd.s32 s6;
	_ =	sdelay $0x1  }
0xa3: {  	s24 =	simm.s32 $0x1B8B  }
0xa4: {  	_ =	swait.ge [sflag:s24], $0x1  }
0xa5: {  	[sflag:s24] =	ssyncset.done $0x0  }
0xa6: {  	s25 =	simm.s32 $0x1B8E;
	[sflag:s24] =	ssyncadd.s32 $0xFFFFFFFF  }
0xa7: {  	s26 =	simm.s32 $execute0_lowered;
	[smem:$0x3FD2] =	sst s25  }
0xa8: {  	s6 =	sshll.u32 s26, $0x1;
	_ =	strace $0x80000046;
	[dreg:$0x1] =	wrdreg $0xFFFFFFFF  }
0xa9: {  	s28 =	simm.s32 $_size_execute0_lowered;
	s5 =	sadd.s32 s5, s6;
	[dreg:$0x0] =	wrdreg $0x0  }
0xaa: {  	s6 =	sshll.u32 s28, $0x1;
	[dreg:$0x2] =	wrdreg s5  }
0xab: {  	[dreg:$0x3] =	wrdreg s6  }
0xac: {  	[dreg:$0x4] =	wrdreg $0xC0  }
0xad: {  	_ =	task [dreg:s9], $0x5FFFF  }
0xae: {  	[dreg:$0x1] =	wrdreg $0xFFFFFFFF  }
0xaf: {  	[dreg:$0x0] =	wrdreg $0x60  }
0xb0: {  	[dreg:$0x2] =	wrdreg s2  }
0xb1: {  	[dreg:$0x3] =	wrdreg s19  }
0xb2: {  	[dreg:$0x4] =	wrdreg s4  }
0xb3: {  	[dreg:$0x5] =	wrdreg $0x9  }
0xb4: {  	_ =	task.clear_ibuf [dreg:s9], $0x6FFFF;
	_ =	strace $0x90000046  }
0xb5: {  	s29 =	simm.s32 $0x9;
	_ =	strace $0x80000048  }
0xb6: {  	_ =	swait.ge [sflag:s29], $0x1  }
0xb7: {  	[sflag:s29] =	ssyncadd.s32 $0xFFFFFFFF  }
0xb8: {  	_ =	strace $0x90000048  }
0xb9: {  	_ =	sfence  }
0xba: {  	s30 =	sld [smem:$0x0];
	_ =	sdelay $0x2  }
0xbb: {  	s31 =	sshll.u32 s1, $0xD;
	s1 =	sshrl.u32 s1, $0x2  }
0xbc: {  	s3 =	sand.u32 $0x4000, s31;
	s1 =	sadd.s32 s1, s30  }
0xbd: {  	s0 =	sor.u32 s3, s0;
	s1 =	sshll.u32 s1, $0x11  }
0xbe: {  	s0 =	sor.u32 s1, s0  }
0xbf: {  	s0 =	sadd.s32 $0x8F2B, s0  }
0xc0: {  	[sflag:s0] =	ssyncadd.remote.s32 $0x1  }
0xc1: {  	_ =	sfence.sel $0xFFFF  }
0xc2: {  	[dreg:$0x0] =	wrdreg $0xFFFFFFFF;
	(pc) =	sbr.abs _section_cstart, $3  }
0xc3: {  	[dreg:$0x1] =	wrdreg $0xFFFFFFFF  }
0xc4: {  	_ =	task.clear_ibuf [dreg:s9], $0x2FFFF;
	_ =	strace $0x9FFFFFFF  }
0xc5: {  	(tm) =	ssettm $0x7FFFFFFF  }
tec
execute0_lowered:
.L_overlay_start_1:
0x0: {  	(tag) =	ssettag $0x1  }
0x1: {  	s1 =	rddreg [dreg:$0x0]  }
0x2: {  	s2 =	rddreg [dreg:$0x1]  }
0x3: {  	s3 =	rddreg [dreg:$0x2];
	s0 =	srdreg.scid  }
0x4: {  	s4 =	simm.s32 $0x0;
	s5 =	stileid.u32;
	s17 =	simm.s32 $0x400  }
0x5: {  	s18 =	simm.s32 $0xC3800;
	s19 =	simm.s32 $0xF;
	s16 =	simm.s32 $0x0  }
0x6: {  	s0 =	sand.u32 $0x1, s0;
	[smem:$0x7FF] =	sst s4;
	s28 =	sshll.u32 s5, $0x1  }
0x7: {  	s9 =	sor.u32 $0x300, s5;
	s26 =	ssub.s32 $0x2, s0;
	_ =	strace $0x80000047  }
0x8: {  	s7 =	ssub.s32 $0x0, s0;
	p0 =	seq.s32 s0, $0x0;
	s30 =	sshll.u32 s9, $0x7  }
0x9: {  	s14 =	sshll.u32 s9, $0xA;
	s6 =	sshrl.u32 s26, $0x1;
	s10 =	sand.u32 $0x12, s7  }
0xa: {  	s7 =	simm.s32 $0x12;
	s12 =	sadd.s32 s1, s30;
	s4 =	ssub.s32 s26, s6  }
0xb: {  	s6 =	sor.u32 s0, s28;
	s7 =	simm.s32 @!p0 $0x25;
	[dreg:$0x4] =	wrdreg s10  }
.Ltmp0:
0xc: {  	s31 =	sshll.u32 s10, $0xB;
	s4 =	smax.u32 s4, $0x1;
	(pc) =	sbr.rel .LBB2_1-.Ltmp0, $4  }
0xd: {  	s8 =	sshll.u32 s6, $0x7;
	s0 =	sor.u32 $0x10000, s31;
	[dreg:$0x7] =	wrdreg s4  }
0xe: {  	p0 =	sgt.u32 s5, $0xD;
	s29 =	sadd.s32 s2, s8;
	[dreg:$0x8] =	wrdreg s0  }
0xf: {  	s13 =	sshll.u32 s6, $0xA;
	s11 =	sadd.s32 s1, s8;
	[dreg:$0x5] =	wrdreg s29  }
0x10: {  	s4 =	simm.s32 $0x10;
	[dreg:$0x6] =	wrdreg s11;
	s11 =	sadd.s32 s2, s30  }
.LBB2_12:
0x11: {  	s0 =	simm.s32 $0x5  }
0x12: {  	_ =	swait.ge [sflag:s0], $0x800  }
0x13: {  	[sflag:s0] =	ssyncset.done $0x0  }
0x14: {  	s21 =	simm.s32 $0x6;
	[sflag:s0] =	ssyncadd.s32 $0xFFFFF800  }
0x15: {  	_ =	swait.ge [sflag:s21], $0x800  }
0x16: {  	[sflag:s21] =	ssyncset.done $0x0  }
0x17: {  	s22 =	simm.s32 $0x7;
	[sflag:s21] =	ssyncadd.s32 $0xFFFFF800  }
0x18: {  	_ =	swait.ge [sflag:s22], $0x800  }
0x19: {  	[sflag:s22] =	ssyncset.done $0x0  }
0x1a: {  	s23 =	simm.s32 $0x8;
	[sflag:s22] =	ssyncadd.s32 $0xFFFFF800  }
0x1b: {  	_ =	swait.ge [sflag:s23], $0x800  }
0x1c: {  	[sflag:s23] =	ssyncset.done $0x0  }
0x1d: {  	s24 =	simm.s32 $0x9;
	[sflag:s23] =	ssyncadd.s32 $0xFFFFF800  }
0x1e: {  	_ =	swait.ge [sflag:s24], $0x800  }
0x1f: {  	[sflag:s24] =	ssyncset.done $0x0  }
0x20: {  	s25 =	simm.s32 $0xA;
	[sflag:s24] =	ssyncadd.s32 $0xFFFFF800  }
0x21: {  	_ =	swait.ge [sflag:s25], $0x800  }
0x22: {  	[sflag:s25] =	ssyncset.done $0x0  }
0x23: {  	s26 =	simm.s32 $0xB;
	[sflag:s25] =	ssyncadd.s32 $0xFFFFF800  }
0x24: {  	_ =	swait.ge [sflag:s26], $0x800  }
0x25: {  	[sflag:s26] =	ssyncset.done $0x0  }
0x26: {  	s28 =	simm.s32 $0xC;
	[sflag:s26] =	ssyncadd.s32 $0xFFFFF800  }
0x27: {  	_ =	swait.ge [sflag:s28], $0x800  }
0x28: {  	[sflag:s28] =	ssyncset.done $0x0  }
0x29: {  	s29 =	simm.s32 $0xD;
	[sflag:s28] =	ssyncadd.s32 $0xFFFFF800  }
0x2a: {  	_ =	swait.ge [sflag:s29], $0x800  }
0x2b: {  	[sflag:s29] =	ssyncset.done $0x0  }
0x2c: {  	s30 =	simm.s32 $0xE;
	[sflag:s29] =	ssyncadd.s32 $0xFFFFF800  }
0x2d: {  	_ =	swait.ge [sflag:s30], $0x800  }
0x2e: {  	[sflag:s30] =	ssyncset.done $0x0  }
0x2f: {  	[sflag:s30] =	ssyncadd.s32 $0xFFFFF800  }
0x30: {  	_ =	swait.ge [sflag:s19], $0x800  }
0x31: {  	[sflag:s19] =	ssyncset.done $0x0  }
0x32: {  	[sflag:s19] =	ssyncadd.s32 $0xFFFFF800  }
0x33: {  	_ =	swait.ge [sflag:s4], $0x800  }
0x34: {  	s16 =	sadd.s32 $0x1, s16;
	s31 =	rddreg [dreg:$0x7]  }
0x35: {  	p1 =	sne.s32 s16, s31  }
.Ltmp1:
0x36: {  	_ = 	snop;
	(pc) =	sbr.rel @!p1 .LBB2_13-.Ltmp1, $3  }
0x37: {  	_ =	sdelay $0x1  }
0x38: {  	[sflag:s4] =	ssyncset.done $0x0  }
0x39: {  	[sflag:s4] =	ssyncadd.s32 $0xFFFFF800  }
.LBB2_1:
0x3a: {  	s6 =	rddreg [dreg:$0x5]  }
0x3b: {  	s0 =	simm.s32 $0x0;
	s30 =	rddreg [dreg:$0x6]  }
0x3c: {  	[tilespmem:s0], [sflag:$0x1] =	stream.strided.gather [hbm4b:s6+s17], $0x7800, s18, s17, $0x38;
	[tilespmem:$0x16000] =	vst v63  }
0x3d: {  	s31 =	simm.s32 $0xF000;
	p1 =	por $0x0, $0x0;
	s6 =	simm.s32 $0x0  }
0x3e: {  	[tilespmem:s31], [sflag:$0x3] =	stream.strided.gather [hbm4b:s30+s17], $0x800, s18, s17, $0x38;
	[tilespmem:$0x16000] =	vst v63  }
.LBB2_3:
0x3f: {  	p2 =	seq.s32 s6, $0x17  }
0x40: {  	p3 =	sgt.u32 @p2 s5, $0xD  }
0x41: {  	s0 =	smov.u32 s6;
	p3 =	por p3, !p2  }
0x42: {  	s6 =	simm.s32 @!p3 $0x400;
	s9 =	simm.s32 @!p3 $0xC3800;
	s10 =	simm.s32 @!p3 $0x0  }
0x43: {  	[tilespmem:s10], [sflag:$0x1] =	stream.strided.gather @!p3 [hbm4b:s11+s6], $0x7800, s9, s6, $0x38;
	[tilespmem:$0x16000] =	vst v63  }
0x44: {  	s15 =	simm.s32 @!p3 $0xF000;
	s10 =	sand.u32 $0x1, s0  }
0x45: {  	[tilespmem:s15], [sflag:$0x3] =	stream.strided.gather @!p3 [hbm4b:s12+s6], $0x800, s9, s6, $0x38;
	[tilespmem:$0x16000] =	vst v63  }
0x46: {  	s9 =	sxor.u32 @!p2 $0x1, s10;
	s6 =	sadd.s32 $0x1, s0  }
0x47: {  	s15 =	smul.u32 @!p2 $0x1E000, s9;
	s20 =	sshll.u32 @!p2 s6, $0xC  }
0x48: {  	s23 =	simm.s32 @!p2 $0x400;
	s24 =	simm.s32 @!p2 $0xC3800;
	s20 =	sor.u32 @!p2 s8, s20  }
0x49: {  	s21 =	sadd.s32 @!p2 $0x1, s9;
	s15 =	sshrl.u32 @!p2 s15, $0x2;
	s22 =	sadd.s32 @!p2 s2, s20  }
0x4a: {  	[tilespmem:s15], [sflag:s21] =	stream.strided.gather @!p2 [hbm4b:s22+s23], $0x7800, s24, s23, $0x38;
	[tilespmem:$0x16000] =	vst v63  }
0x4b: {  	s31 =	sshll.u32 s0, $0xF;
	s28 =	sadd.s32 $0x1, s10;
	s15 =	sshll.u32 @!p2 s9, $0xB  }
0x4c: {  	s20 =	sadd.s32 @!p2 s1, s20;
	s9 =	sadd.s32 @!p2 $0x3, s9;
	s15 =	sor.u32 @!p2 $0xF000, s15  }
0x4d: {  	[tilespmem:s15], [sflag:s9] =	stream.strided.gather @!p2 [hbm4b:s20+s23], $0x800, s24, s23, $0x38;
	[tilespmem:$0x16000] =	vst v63  }
0x4e: {  	s29 =	sadd.s32 $0x3, s10;
	s15 =	simm.s32 $0x1;
	_ =	swait.ge [sflag:s28], $0x7800  }
0x4f: {  	s20 =	sor.u32 s13, s31;
	s15 =	simm.s32 @!p1 $0x0;
	[sflag:s28] =	ssyncset.done $0x0  }
0x50: {  	s30 =	sshll.u32 s15, $0xD;
	s15 =	smul.u32 $0x1E000, s15;
	[sflag:s28] =	ssyncadd.s32 $0xFFFF8800  }
0x51: {  	p2 =	sne.s32 s0, $0x0;
	s10 =	sshrl.u32 s30, $0x2;
	_ =	swait.ge [sflag:s29], $0x800  }
0x52: {  	s21 =	sor.u32 $0xF000, s10;
	s9 =	sshrl.u32 s15, $0x2;
	[sflag:s29] =	ssyncset.done $0x0  }
0x53: {  	s10 =	simm.s32 $0x0;
	s15 =	simm.s32 $0x10400;
	[sflag:s29] =	ssyncadd.s32 $0xFFFFF800  }
.LBB2_4:
0x54: {  	s0 =	sand.u32 $0xFF, s10  }
0x55: {  	s0 =	smul.u32 $0xAB, s0;
	_ =	sdelay $0x1  }
0x56: {  	s0 =	sshrl.u32 s0, $0xB  }
0x57: {  	s0 =	smul.u32 $0xC, s0  }
0x58: {  	p3 =	slt.u32 @!p2 s10, $0xC  }
0x59: {  	s24 =	sadd.s32 $0xFFFFFFEC, s10;
	p4 =	slt.u32 s10, $0x14;
	s0 =	ssub.s32 s10, s0  }
0x5a: {  	p5 =	slt.u32 s10, $0x1E;
	s29 =	sand.u32 $0xFF, s0;
	s0 =	sadd.s32 $0xFFFFFFF8, s10  }
0x5b: {  	p3 =	por p2, !p3;
	s22 =	sadd.s32 $0x5, s29;
	s23 =	sshll.u32 s0, $0x18  }
0x5c: {  	s25 =	sand.u32 $0x80, s24;
	_ =	swait.ge @p3 [sflag:s22], $0x800;
	s23 =	sshra.s32 s23, $0x1F  }
0x5d: {  	s25 =	sshrl.u32 s25, $0x7;
	[sflag:s22] =	ssyncset.done @p3 $0x0;
	s23 =	sand.u32 $0x3, s23  }
0x5e: {  	s25 =	sadd.s32 s25, s24;
	[sflag:s22] =	ssyncadd.s32 @p3 $0xFFFFF800;
	s23 =	sadd.s32 s23, s0  }
0x5f: {  	p3 =	slt.u32 s10, $0x8;
	s26 =	sand.u32 $0xFC, s23;
	s23 =	sshll.u32 s23, $0x18  }
0x60: {  	s0 =	ssub.s32 s0, s26;
	s23 =	sshra.s32 s23, $0x1A;
	s26 =	sand.u32 $0xFE, s25  }
0x61: {  	s25 =	sshll.u32 s25, $0x18;
	s0 =	sshll.u32 s0, $0x18;
	s24 =	ssub.s32 s24, s26  }
0x62: {  	s25 =	sshra.s32 s25, $0x19;
	s26 =	sadd.s32 $0x1FFFFEB, s10;
	s24 =	sshll.u32 s24, $0x18  }
0x63: {  	s23 =	sadd.s32 $0x1, s23;
	s25 =	sadd.s32 $0x4, s25;
	s24 =	sshra.s32 s24, $0x18  }
0x64: {  	s0 =	sshra.s32 s0, $0x18;
	s26 =	smov.u32 @p5 s25;
	s24 =	sshll.u32 s24, $0x4  }
0x65: {  	s0 =	sshll.u32 s0, $0x4;
	s26 =	smov.u32 @p4 s23;
	s24 =	sadd.s32 $0xC0, s24  }
0x66: {  	s0 =	sadd.s32 $0x80, s0;
	s23 =	sshll.u32 s26, $0x7;
	s24 =	simm.s32 @!p5 $0xE0  }
0x67: {  	s25 =	sshll.u32 s10, $0x4;
	s23 =	simm.s32 @p3 $0x0;
	s24 =	smov.u32 @p4 s0  }
0x68: {  	s23 =	sshll.u32 s23, $0x2;
	s24 =	smov.u32 @p3 s25  }
0x69: {  	s0 =	sshra.s32 s23, $0x2;
	s24 =	sshll.u32 s24, $0x9  }
0x6a: {  	s0 =	sadd.s32 s0, s21;
	s30 =	sshra.s32 s24, $0x2  }
0x6b: {  	v6 =	vmov s0;
	s23 =	sadd.s32 s30, s9  }
0x6c: {  	s25 =	smulhi.u32 $0xAAAAAAAB, s10;
	v7 =	vmov s23;
	_ =	sdelay $0x1  }
0x6d: {  	s0 =	sshrl.u32 s25, $0x3  }
0x6e: {  	s0 =	smul.u32 $0xFFFE8000, s0;
	s23 =	simm.s32 $0x0  }
0x6f: {  	v1 =	vld.idx.msk [tilespmem:v6+s23+$0x0 ss:$0x1], $0xffff  }
0x70: {  	s0 =	sshra.s32 s0, $0x2;
	v2 =	vld.idx.msk [tilespmem:v7+s23+$0x0 ss:$0x1], $0xffff  }
0x71: {  	s26 =	sor.u32 $0x80, s30;
	s0 =	sadd.s32 s0, s15  }
0x72: {  	s24 =	sadd.s32 s26, s9;
	v0 =	vmov s0  }
0x73: {  	v8 =	vmov s24;
	_ =	sdelay $0x1  }
0x74: {  	v2 =	vmul.f32 v2, v1;
	_ =	sdelay $0x1  }
0x75: {  	[tilespmem:v0+s23+$0xFFFFFC00 ss:$0x1] =	vst.idx.msk $0xffff, v2  }
0x76: {  	v2 =	vld.idx.msk [tilespmem:v8+s23+$0x0 ss:$0x1], $0xffff  }
0x77: {  	s24 =	sor.u32 $0x100, s30  }
0x78: {  	s0 =	sadd.s32 s24, s9  }
0x79: {  	v9 =	vmov s0;
	_ =	sdelay $0x1  }
0x7a: {  	v2 =	vmul.f32 v2, v1;
	_ =	sdelay $0x1  }
0x7b: {  	[tilespmem:v0+s23+$0xFFFFFC80 ss:$0x1] =	vst.idx.msk $0xffff, v2  }
0x7c: {  	v3 =	vld.idx.msk [tilespmem:v9+s23+$0x0 ss:$0x1], $0xffff  }
0x7d: {  	s25 =	sor.u32 $0x180, s30  }
0x7e: {  	s24 =	simm.s32 $0x10;
	s0 =	sadd.s32 s25, s9  }
0x7f: {  	v10 =	vmov s0;
	v4 =	vld.idx.msk [tilespmem:v7+s24+$0x0 ss:$0x1], $0xffff  }
0x80: {  	v2 =	vld.idx.msk [tilespmem:v6+s24+$0x0 ss:$0x1], $0xffff  }
0x81: {  	v3 =	vmul.f32 v3, v1;
	_ =	sdelay $0x1  }
0x82: {  	[tilespmem:v0+s23+$0xFFFFFD00 ss:$0x1] =	vst.idx.msk $0xffff, v3  }
0x83: {  	v3 =	vld.idx.msk [tilespmem:v10+s23+$0x0 ss:$0x1], $0xffff  }
0x84: {  	s26 =	sor.u32 $0x200, s30;
	v4 =	vmul.f32 v4, v2  }
0x85: {  	s0 =	sadd.s32 s26, s9  }
0x86: {  	v12 =	vmov s0;
	[tilespmem:v0+s24+$0xFFFFFC00 ss:$0x1] =	vst.idx.msk $0xffff, v4  }
0x87: {  	v4 =	vld.idx.msk [tilespmem:v8+s24+$0x0 ss:$0x1], $0xffff  }
0x88: {  	v3 =	vmul.f32 v3, v1;
	_ =	sdelay $0x1  }
0x89: {  	[tilespmem:v0+s23+$0xFFFFFD80 ss:$0x1] =	vst.idx.msk $0xffff, v3  }
0x8a: {  	v3 =	vld.idx.msk [tilespmem:v12+s23+$0x0 ss:$0x1], $0xffff  }
0x8b: {  	s25 =	sor.u32 $0x280, s30;
	v4 =	vmul.f32 v4, v2  }
0x8c: {  	s0 =	sadd.s32 s25, s9  }
0x8d: {  	v13 =	vmov s0;
	[tilespmem:v0+s24+$0xFFFFFC80 ss:$0x1] =	vst.idx.msk $0xffff, v4  }
0x8e: {  	v4 =	vld.idx.msk [tilespmem:v9+s24+$0x0 ss:$0x1], $0xffff  }
0x8f: {  	v3 =	vmul.f32 v3, v1;
	_ =	sdelay $0x1  }
0x90: {  	[tilespmem:v0+s23+$0xFFFFFE00 ss:$0x1] =	vst.idx.msk $0xffff, v3  }
0x91: {  	s25 =	simm.s32 $0x20;
	v5 =	vld.idx.msk [tilespmem:v13+s23+$0x0 ss:$0x1], $0xffff  }
0x92: {  	s26 =	sor.u32 $0x300, s30;
	v11 =	vld.idx.msk [tilespmem:v7+s25+$0x0 ss:$0x1], $0xffff;
	v4 =	vmul.f32 v4, v2  }
0x93: {  	s0 =	sadd.s32 s26, s9;
	v3 =	vld.idx.msk [tilespmem:v6+s25+$0x0 ss:$0x1], $0xffff  }
0x94: {  	v14 =	vmov s0;
	[tilespmem:v0+s24+$0xFFFFFD00 ss:$0x1] =	vst.idx.msk $0xffff, v4  }
0x95: {  	v4 =	vld.idx.msk [tilespmem:v10+s24+$0x0 ss:$0x1], $0xffff  }
0x96: {  	v5 =	vmul.f32 v5, v1;
	_ =	sdelay $0x1  }
0x97: {  	[tilespmem:v0+s23+$0xFFFFFE80 ss:$0x1] =	vst.idx.msk $0xffff, v5;
	v5 =	vmul.f32 v11, v3  }
0x98: {  	v11 =	vld.idx.msk [tilespmem:v14+s23+$0x0 ss:$0x1], $0xffff  }
0x99: {  	s26 =	sor.u32 $0x380, s30;
	v4 =	vmul.f32 v4, v2;
	[tilespmem:v0+s25+$0xFFFFFC00 ss:$0x1] =	vst.idx.msk $0xffff, v5  }
0x9a: {  	s0 =	sadd.s32 s26, s9;
	v5 =	vld.idx.msk [tilespmem:v8+s25+$0x0 ss:$0x1], $0xffff  }
0x9b: {  	v15 =	vmov s0;
	[tilespmem:v0+s24+$0xFFFFFD80 ss:$0x1] =	vst.idx.msk $0xffff, v4  }
0x9c: {  	v4 =	vld.idx.msk [tilespmem:v12+s24+$0x0 ss:$0x1], $0xffff  }
0x9d: {  	v11 =	vmul.f32 v11, v1;
	_ =	sdelay $0x1  }
0x9e: {  	[tilespmem:v0+s23+$0xFFFFFF00 ss:$0x1] =	vst.idx.msk $0xffff, v11;
	v5 =	vmul.f32 v5, v3  }
0x9f: {  	v11 =	vld.idx.msk [tilespmem:v15+s23+$0x0 ss:$0x1], $0xffff  }
0xa0: {  	s26 =	sor.u32 $0x400, s30;
	v4 =	vmul.f32 v4, v2;
	[tilespmem:v0+s25+$0xFFFFFC80 ss:$0x1] =	vst.idx.msk $0xffff, v5  }
0xa1: {  	s0 =	sadd.s32 s26, s9;
	v5 =	vld.idx.msk [tilespmem:v9+s25+$0x0 ss:$0x1], $0xffff  }
0xa2: {  	v17 =	vmov s0;
	[tilespmem:v0+s24+$0xFFFFFE00 ss:$0x1] =	vst.idx.msk $0xffff, v4  }
0xa3: {  	v16 =	vld.idx.msk [tilespmem:v13+s24+$0x0 ss:$0x1], $0xffff  }
0xa4: {  	s26 =	simm.s32 $0x30;
	v11 =	vmul.f32 v11, v1  }
0xa5: {  	v4 =	vld.idx.msk [tilespmem:v6+s26+$0x0 ss:$0x1], $0xffff  }
0xa6: {  	[tilespmem:v0+s23+$0xFFFFFF80 ss:$0x1] =	vst.idx.msk $0xffff, v11;
	v11 =	vld.idx.msk [tilespmem:v7+s26+$0x0 ss:$0x1], $0xffff;
	v5 =	vmul.f32 v5, v3  }
0xa7: {  	v19 =	vld.idx.msk [tilespmem:v17+s23+$0x0 ss:$0x1], $0xffff  }
0xa8: {  	s0 =	sor.u32 $0x480, s30;
	v16 =	vmul.f32 v16, v2;
	[tilespmem:v0+s25+$0xFFFFFD00 ss:$0x1] =	vst.idx.msk $0xffff, v5  }
0xa9: {  	s0 =	sadd.s32 s0, s9;
	v5 =	vld.idx.msk [tilespmem:v10+s25+$0x0 ss:$0x1], $0xffff  }
0xaa: {  	v18 =	vmov s0;
	[tilespmem:v0+s24+$0xFFFFFE80 ss:$0x1] =	vst.idx.msk $0xffff, v16  }
0xab: {  	v20 =	vld.idx.msk [tilespmem:v14+s24+$0x0 ss:$0x1], $0xffff;
	v11 =	vmul.f32 v11, v4  }
0xac: {  	v16 =	vmul.f32 v19, v1  }
0xad: {  	[tilespmem:v0+s26+$0xFFFFFC00 ss:$0x1] =	vst.idx.msk $0xffff, v11  }
0xae: {  	v11 =	vld.idx.msk [tilespmem:v8+s26+$0x0 ss:$0x1], $0xffff;
	[tilespmem:v0+s23+$0x0 ss:$0x1] =	vst.idx.msk $0xffff, v16;
	v5 =	vmul.f32 v5, v3  }
0xaf: {  	v16 =	vld.idx.msk [tilespmem:v18+s23+$0x0 ss:$0x1], $0xffff  }
0xb0: {  	s0 =	sor.u32 $0x500, s30;
	v20 =	vmul.f32 v20, v2;
	[tilespmem:v0+s25+$0xFFFFFD80 ss:$0x1] =	vst.idx.msk $0xffff, v5  }
0xb1: {  	s0 =	sadd.s32 s0, s9;
	v5 =	vld.idx.msk [tilespmem:v12+s25+$0x0 ss:$0x1], $0xffff  }
0xb2: {  	v19 =	vmov s0;
	[tilespmem:v0+s24+$0xFFFFFF00 ss:$0x1] =	vst.idx.msk $0xffff, v20  }
0xb3: {  	v21 =	vld.idx.msk [tilespmem:v15+s24+$0x0 ss:$0x1], $0xffff;
	v11 =	vmul.f32 v11, v4  }
0xb4: {  	v16 =	vmul.f32 v16, v1  }
0xb5: {  	[tilespmem:v0+s26+$0xFFFFFC80 ss:$0x1] =	vst.idx.msk $0xffff, v11  }
0xb6: {  	v11 =	vld.idx.msk [tilespmem:v9+s26+$0x0 ss:$0x1], $0xffff;
	[tilespmem:v0+s23+$0x80 ss:$0x1] =	vst.idx.msk $0xffff, v16;
	v5 =	vmul.f32 v5, v3  }
0xb7: {  	v16 =	vld.idx.msk [tilespmem:v19+s23+$0x0 ss:$0x1], $0xffff  }
0xb8: {  	s0 =	sor.u32 $0x580, s30;
	v21 =	vmul.f32 v21, v2;
	[tilespmem:v0+s25+$0xFFFFFE00 ss:$0x1] =	vst.idx.msk $0xffff, v5  }
0xb9: {  	s28 =	simm.s32 $0x40;
	s0 =	sadd.s32 s0, s9;
	v22 =	vld.idx.msk [tilespmem:v13+s25+$0x0 ss:$0x1], $0xffff  }
0xba: {  	v20 =	vmov s0;
	[tilespmem:v0+s24+$0xFFFFFF80 ss:$0x1] =	vst.idx.msk $0xffff, v21;
	v21 =	vld.idx.msk [tilespmem:v7+s28+$0x0 ss:$0x1], $0xffff  }
0xbb: {  	v5 =	vld.idx.msk [tilespmem:v6+s28+$0x0 ss:$0x1], $0xffff;
	v11 =	vmul.f32 v11, v4  }
0xbc: {  	v23 =	vld.idx.msk [tilespmem:v17+s24+$0x0 ss:$0x1], $0xffff;
	v16 =	vmul.f32 v16, v1  }
0xbd: {  	[tilespmem:v0+s26+$0xFFFFFD00 ss:$0x1] =	vst.idx.msk $0xffff, v11  }
0xbe: {  	v11 =	vld.idx.msk [tilespmem:v10+s26+$0x0 ss:$0x1], $0xffff;
	[tilespmem:v0+s23+$0x100 ss:$0x1] =	vst.idx.msk $0xffff, v16;
	v16 =	vmul.f32 v22, v3  }
0xbf: {  	v22 =	vld.idx.msk [tilespmem:v20+s23+$0x0 ss:$0x1], $0xffff  }
0xc0: {  	s0 =	sor.u32 $0x600, s30;
	[tilespmem:v0+s25+$0xFFFFFE80 ss:$0x1] =	vst.idx.msk $0xffff, v16;
	v16 =	vmul.f32 v21, v5  }
0xc1: {  	s0 =	sadd.s32 s0, s9;
	v23 =	vmul.f32 v23, v2;
	v24 =	vld.idx.msk [tilespmem:v14+s25+$0x0 ss:$0x1], $0xffff  }
0xc2: {  	v21 =	vmov s0;
	[tilespmem:v0+s28+$0xFFFFFC00 ss:$0x1] =	vst.idx.msk $0xffff, v16  }
0xc3: {  	[tilespmem:v0+s24+$0x0 ss:$0x1] =	vst.idx.msk $0xffff, v23;
	v11 =	vmul.f32 v11, v4;
	v16 =	vld.idx.msk [tilespmem:v8+s28+$0x0 ss:$0x1], $0xffff  }
0xc4: {  	v23 =	vld.idx.msk [tilespmem:v18+s24+$0x0 ss:$0x1], $0xffff;
	v22 =	vmul.f32 v22, v1  }
0xc5: {  	[tilespmem:v0+s26+$0xFFFFFD80 ss:$0x1] =	vst.idx.msk $0xffff, v11  }
0xc6: {  	v11 =	vld.idx.msk [tilespmem:v12+s26+$0x0 ss:$0x1], $0xffff;
	[tilespmem:v0+s23+$0x180 ss:$0x1] =	vst.idx.msk $0xffff, v22;
	v22 =	vmul.f32 v24, v3  }
0xc7: {  	v24 =	vld.idx.msk [tilespmem:v21+s23+$0x0 ss:$0x1], $0xffff  }
0xc8: {  	s0 =	sor.u32 $0x680, s30;
	[tilespmem:v0+s25+$0xFFFFFF00 ss:$0x1] =	vst.idx.msk $0xffff, v22;
	v16 =	vmul.f32 v16, v5  }
0xc9: {  	s0 =	sadd.s32 s0, s9;
	v23 =	vmul.f32 v23, v2;
	v27 =	vld.idx.msk [tilespmem:v15+s25+$0x0 ss:$0x1], $0xffff  }
0xca: {  	v22 =	vmov s0;
	[tilespmem:v0+s28+$0xFFFFFC80 ss:$0x1] =	vst.idx.msk $0xffff, v16  }
0xcb: {  	[tilespmem:v0+s24+$0x80 ss:$0x1] =	vst.idx.msk $0xffff, v23;
	v11 =	vmul.f32 v11, v4;
	v28 =	vld.idx.msk [tilespmem:v9+s28+$0x0 ss:$0x1], $0xffff  }
0xcc: {  	s31 =	sor.u32 $0x700, s30;
	v25 =	vld.idx.msk [tilespmem:v19+s24+$0x0 ss:$0x1], $0xffff;
	s0 =	sor.u32 $0x780, s30;
	s30 =	simm.s32 $0x50;
	v16 =	vmul.f32 v24, v1  }
0xcd: {  	[tilespmem:v0+s26+$0xFFFFFE00 ss:$0x1] =	vst.idx.msk $0xffff, v11;
	v11 =	vld.idx.msk [tilespmem:v6+s30+$0x0 ss:$0x1], $0xffff  }
0xce: {  	v26 =	vld.idx.msk [tilespmem:v13+s26+$0x0 ss:$0x1], $0xffff;
	[tilespmem:v0+s23+$0x200 ss:$0x1] =	vst.idx.msk $0xffff, v16;
	v27 =	vmul.f32 v27, v3  }
0xcf: {  	s29 =	sshll.u32 s29, $0xB;
	s31 =	sadd.s32 s31, s9;
	s0 =	sadd.s32 s0, s9;
	v24 =	vld.idx.msk [tilespmem:v22+s23+$0x0 ss:$0x1], $0xffff  }
0xd0: {  	s29 =	sadd.s32 $0x10000, s29;
	v23 =	vmov s31;
	s31 =	simm.s32 $0x180;
	v16 =	vmov s0;
	[tilespmem:v0+s25+$0xFFFFFF80 ss:$0x1] =	vst.idx.msk $0xffff, v27;
	v27 =	vld.idx.msk [tilespmem:v7+s30+$0x0 ss:$0x1], $0xffff;
	v28 =	vmul.f32 v28, v5  }
.LBB2_5:
0xd1: {  	p3 =	sne.s32 s31, $0x1C0;
	v29 =	vld.idx.msk [tilespmem:v17+s25+$0x0 ss:$0x1], $0xffff;
	v25 =	vmul.f32 v25, v2;
	s0 =	smov.u32 s25;
	s25 =	smov.u32 s26  }
0xd2: {  	s26 =	smov.u32 s28;
	[tilespmem:v0+s28+$0xFFFFFD00 ss:$0x1] =	vst.idx.msk $0xffff, v28;
	s28 =	smov.u32 s30  }
0xd3: {  	v26 =	vmul.f32 v26, v4;
	v28 =	vld.idx.msk [tilespmem:v10+s26+$0x0 ss:$0x1], $0xffff;
	[tilespmem:v0+s24+$0x100 ss:$0x1] =	vst.idx.msk $0xffff, v25  }
0xd4: {  	v24 =	vmul.f32 v24, v1;
	v25 =	vld.idx.msk [tilespmem:v20+s24+$0x0 ss:$0x1], $0xffff  }
0xd5: {  	[tilespmem:v0+s25+$0xFFFFFE80 ss:$0x1] =	vst.idx.msk $0xffff, v26  }
0xd6: {  	v26 =	vmul.f32 v27, v11;
	v27 =	vld.idx.msk [tilespmem:v14+s25+$0x0 ss:$0x1], $0xffff;
	[tilespmem:v0+s23+$0x280 ss:$0x1] =	vst.idx.msk $0xffff, v24  }
0xd7: {  	v24 =	vmul.f32 v29, v3;
	v29 =	vld.idx.msk [tilespmem:v23+s23+$0x0 ss:$0x1], $0xffff  }
0xd8: {  	[tilespmem:v0+s28+$0xFFFFFC00 ss:$0x1] =	vst.idx.msk $0xffff, v26  }
0xd9: {  	v28 =	vmul.f32 v28, v5;
	v26 =	vld.idx.msk [tilespmem:v8+s28+$0x0 ss:$0x1], $0xffff;
	[tilespmem:v0+s0+$0x0 ss:$0x1] =	vst.idx.msk $0xffff, v24  }
0xda: {  	v25 =	vmul.f32 v25, v2;
	v24 =	vld.idx.msk [tilespmem:v18+s0+$0x0 ss:$0x1], $0xffff  }
0xdb: {  	[tilespmem:v0+s26+$0xFFFFFD80 ss:$0x1] =	vst.idx.msk $0xffff, v28  }
0xdc: {  	v27 =	vmul.f32 v27, v4;
	v28 =	vld.idx.msk [tilespmem:v12+s26+$0x0 ss:$0x1], $0xffff;
	[tilespmem:v0+s24+$0x180 ss:$0x1] =	vst.idx.msk $0xffff, v25  }
0xdd: {  	v25 =	vmul.f32 v29, v1;
	v30 =	vld.idx.msk [tilespmem:v21+s24+$0x0 ss:$0x1], $0xffff  }
0xde: {  	[tilespmem:v0+s25+$0xFFFFFF00 ss:$0x1] =	vst.idx.msk $0xffff, v27  }
0xdf: {  	v26 =	vmul.f32 v26, v11;
	v27 =	vld.idx.msk [tilespmem:v15+s25+$0x0 ss:$0x1], $0xffff;
	[tilespmem:v0+s23+$0x300 ss:$0x1] =	vst.idx.msk $0xffff, v25  }
0xe0: {  	v24 =	vmul.f32 v24, v3;
	v29 =	vld.idx.msk [tilespmem:v16+s23+$0x0 ss:$0x1], $0xffff  }
0xe1: {  	[tilespmem:v0+s28+$0xFFFFFC80 ss:$0x1] =	vst.idx.msk $0xffff, v26  }
0xe2: {  	v26 =	vmul.f32 v28, v5;
	v31 =	vld.idx.msk [tilespmem:v9+s28+$0x0 ss:$0x1], $0xffff;
	[tilespmem:v0+s0+$0x80 ss:$0x1] =	vst.idx.msk $0xffff, v24  }
0xe3: {  	v24 =	vmul.f32 v30, v2;
	v25 =	vld.idx.msk [tilespmem:v19+s0+$0x0 ss:$0x1], $0xffff  }
.Ltmp2:
0xe4: {  	[tilespmem:v0+s26+$0xFFFFFE00 ss:$0x1] =	vst.idx.msk $0xffff, v26;
	(pc) =	sbr.rel @p3 .LBB2_5-.Ltmp2, $4  }
0xe5: {  	v27 =	vmul.f32 v27, v4;
	v26 =	vld.idx.msk [tilespmem:v13+s26+$0x0 ss:$0x1], $0xffff;
	[tilespmem:v0+s24+$0x200 ss:$0x1] =	vst.idx.msk $0xffff, v24  }
0xe6: {  	s30 =	sshra.s32 s31, $0x2;
	v29 =	vmul.f32 v29, v1;
	v1 =	vmovc v2;
	v2 =	vmovc v3;
	v3 =	vmov v4;
	v4 =	vmov v5;
	v24 =	vld.idx.msk [tilespmem:v22+s24+$0x0 ss:$0x1], $0xffff  }
0xe7: {  	v5 =	vmov v11;
	[tilespmem:v0+s25+$0xFFFFFF80 ss:$0x1] =	vst.idx.msk $0xffff, v27;
	v11 =	vld.idx.msk [tilespmem:v6+s30+$0x0 ss:$0x1], $0xffff  }
0xe8: {  	s31 =	sadd.s32 $0x40, s31;
	v28 =	vmul.f32 v31, v5;
	v27 =	vld.idx.msk [tilespmem:v7+s30+$0x0 ss:$0x1], $0xffff;
	[tilespmem:v0+s23+$0x380 ss:$0x1] =	vst.idx.msk $0xffff, v29;
	s23 =	smov.u32 s24;
	s24 =	smov.u32 s0  }
0xe9: {  	_ =	sdelay $0x3  }
0xea: {  	v6 =	vmul.f32 v27, v11;
	_ =	sdelay $0x1  }
0xeb: {  	[tilespmem:v0+s30+$0xFFFFFC00 ss:$0x1] =	vst.idx.msk $0xffff, v6  }
0xec: {  	v6 =	vld.idx.msk [tilespmem:v8+s30+$0x0 ss:$0x1], $0xffff;
	_ =	sdelay $0x4  }
0xed: {  	v6 =	vmul.f32 v6, v11;
	_ =	sdelay $0x1  }
0xee: {  	[tilespmem:v0+s30+$0xFFFFFC80 ss:$0x1] =	vst.idx.msk $0xffff, v6  }
0xef: {  	v6 =	vld.idx.msk [tilespmem:v9+s30+$0x0 ss:$0x1], $0xffff;
	_ =	sdelay $0x4  }
0xf0: {  	v6 =	vmul.f32 v6, v11  }
0xf1: {  	[tilespmem:v0+s28+$0xFFFFFD00 ss:$0x1] =	vst.idx.msk $0xffff, v28  }
0xf2: {  	v7 =	vld.idx.msk [tilespmem:v10+s28+$0x0 ss:$0x1], $0xffff;
	[tilespmem:v0+s30+$0xFFFFFD00 ss:$0x1] =	vst.idx.msk $0xffff, v6  }
0xf3: {  	v6 =	vld.idx.msk [tilespmem:v10+s30+$0x0 ss:$0x1], $0xffff;
	_ =	sdelay $0x3  }
0xf4: {  	v7 =	vmul.f32 v7, v5  }
0xf5: {  	v6 =	vmul.f32 v6, v11  }
0xf6: {  	[tilespmem:v0+s28+$0xFFFFFD80 ss:$0x1] =	vst.idx.msk $0xffff, v7  }
0xf7: {  	v7 =	vld.idx.msk [tilespmem:v12+s28+$0x0 ss:$0x1], $0xffff;
	[tilespmem:v0+s30+$0xFFFFFD80 ss:$0x1] =	vst.idx.msk $0xffff, v6  }
0xf8: {  	v6 =	vld.idx.msk [tilespmem:v12+s30+$0x0 ss:$0x1], $0xffff;
	_ =	sdelay $0x3  }
0xf9: {  	v7 =	vmul.f32 v7, v5  }
0xfa: {  	v6 =	vmul.f32 v6, v11  }
0xfb: {  	[tilespmem:v0+s28+$0xFFFFFE00 ss:$0x1] =	vst.idx.msk $0xffff, v7  }
0xfc: {  	v7 =	vld.idx.msk [tilespmem:v13+s28+$0x0 ss:$0x1], $0xffff;
	[tilespmem:v0+s30+$0xFFFFFE00 ss:$0x1] =	vst.idx.msk $0xffff, v6  }
0xfd: {  	v6 =	vld.idx.msk [tilespmem:v13+s30+$0x0 ss:$0x1], $0xffff;
	_ =	sdelay $0x1  }
0xfe: {  	v42 =	vmul.f32 v26, v4;
	_ =	sdelay $0x1  }
0xff: {  	[tilespmem:v0+s26+$0xFFFFFE80 ss:$0x1] =	vst.idx.msk $0xffff, v42;
	v7 =	vmul.f32 v7, v5  }
0x100: {  	v8 =	vld.idx.msk [tilespmem:v14+s26+$0x0 ss:$0x1], $0xffff;
	v6 =	vmul.f32 v6, v11  }
0x101: {  	[tilespmem:v0+s28+$0xFFFFFE80 ss:$0x1] =	vst.idx.msk $0xffff, v7  }
0x102: {  	v7 =	vld.idx.msk [tilespmem:v14+s28+$0x0 ss:$0x1], $0xffff;
	[tilespmem:v0+s30+$0xFFFFFE80 ss:$0x1] =	vst.idx.msk $0xffff, v6  }
0x103: {  	v6 =	vld.idx.msk [tilespmem:v14+s30+$0x0 ss:$0x1], $0xffff;
	_ =	sdelay $0x1  }
0x104: {  	v8 =	vmul.f32 v8, v4;
	_ =	sdelay $0x1  }
0x105: {  	[tilespmem:v0+s26+$0xFFFFFF00 ss:$0x1] =	vst.idx.msk $0xffff, v8;
	v7 =	vmul.f32 v7, v5  }
0x106: {  	v8 =	vld.idx.msk [tilespmem:v15+s26+$0x0 ss:$0x1], $0xffff;
	v6 =	vmul.f32 v6, v11  }
0x107: {  	[tilespmem:v0+s28+$0xFFFFFF00 ss:$0x1] =	vst.idx.msk $0xffff, v7  }
0x108: {  	v7 =	vld.idx.msk [tilespmem:v15+s28+$0x0 ss:$0x1], $0xffff;
	[tilespmem:v0+s30+$0xFFFFFF00 ss:$0x1] =	vst.idx.msk $0xffff, v6  }
0x109: {  	v6 =	vld.idx.msk [tilespmem:v15+s30+$0x0 ss:$0x1], $0xffff;
	_ =	sdelay $0x1  }
0x10a: {  	v8 =	vmul.f32 v8, v4;
	_ =	sdelay $0x1  }
0x10b: {  	[tilespmem:v0+s26+$0xFFFFFF80 ss:$0x1] =	vst.idx.msk $0xffff, v8;
	v7 =	vmul.f32 v7, v5  }
0x10c: {  	v8 =	vld.idx.msk [tilespmem:v17+s26+$0x0 ss:$0x1], $0xffff;
	v6 =	vmul.f32 v6, v11  }
0x10d: {  	v43 =	vld.idx.msk [tilespmem:v17+s25+$0x0 ss:$0x1], $0xffff;
	[tilespmem:v0+s28+$0xFFFFFF80 ss:$0x1] =	vst.idx.msk $0xffff, v7  }
0x10e: {  	v7 =	vld.idx.msk [tilespmem:v17+s28+$0x0 ss:$0x1], $0xffff;
	[tilespmem:v0+s30+$0xFFFFFF80 ss:$0x1] =	vst.idx.msk $0xffff, v6  }
0x10f: {  	v6 =	vld.idx.msk [tilespmem:v17+s30+$0x0 ss:$0x1], $0xffff;
	_ =	sdelay $0x1  }
0x110: {  	v8 =	vmul.f32 v8, v4  }
0x111: {  	v9 =	vmul.f32 v43, v3  }
0x112: {  	[tilespmem:v0+s26+$0x0 ss:$0x1] =	vst.idx.msk $0xffff, v8;
	v7 =	vmul.f32 v7, v5  }
0x113: {  	[tilespmem:v0+s25+$0x0 ss:$0x1] =	vst.idx.msk $0xffff, v9;
	v8 =	vld.idx.msk [tilespmem:v18+s26+$0x0 ss:$0x1], $0xffff;
	v6 =	vmul.f32 v6, v11  }
0x114: {  	v9 =	vld.idx.msk [tilespmem:v18+s25+$0x0 ss:$0x1], $0xffff;
	[tilespmem:v0+s28+$0x0 ss:$0x1] =	vst.idx.msk $0xffff, v7  }
0x115: {  	v7 =	vld.idx.msk [tilespmem:v18+s28+$0x0 ss:$0x1], $0xffff;
	[tilespmem:v0+s30+$0x0 ss:$0x1] =	vst.idx.msk $0xffff, v6  }
0x116: {  	v6 =	vld.idx.msk [tilespmem:v18+s30+$0x0 ss:$0x1], $0xffff;
	_ =	sdelay $0x1  }
0x117: {  	v8 =	vmul.f32 v8, v4  }
0x118: {  	v9 =	vmul.f32 v9, v3  }
0x119: {  	[tilespmem:v0+s26+$0x80 ss:$0x1] =	vst.idx.msk $0xffff, v8;
	v7 =	vmul.f32 v7, v5  }
0x11a: {  	[tilespmem:v0+s25+$0x80 ss:$0x1] =	vst.idx.msk $0xffff, v9;
	v8 =	vld.idx.msk [tilespmem:v19+s26+$0x0 ss:$0x1], $0xffff;
	v6 =	vmul.f32 v6, v11  }
0x11b: {  	v9 =	vld.idx.msk [tilespmem:v19+s25+$0x0 ss:$0x1], $0xffff;
	[tilespmem:v0+s28+$0x80 ss:$0x1] =	vst.idx.msk $0xffff, v7  }
0x11c: {  	v7 =	vld.idx.msk [tilespmem:v19+s28+$0x0 ss:$0x1], $0xffff;
	[tilespmem:v0+s30+$0x80 ss:$0x1] =	vst.idx.msk $0xffff, v6  }
0x11d: {  	v44 =	vmul.f32 v25, v2;
	v6 =	vld.idx.msk [tilespmem:v19+s30+$0x0 ss:$0x1], $0xffff;
	_ =	sdelay $0x1  }
0x11e: {  	[tilespmem:v0+s24+$0x100 ss:$0x1] =	vst.idx.msk $0xffff, v44;
	v8 =	vmul.f32 v8, v4  }
0x11f: {  	v10 =	vld.idx.msk [tilespmem:v20+s24+$0x0 ss:$0x1], $0xffff;
	v9 =	vmul.f32 v9, v3  }
0x120: {  	[tilespmem:v0+s26+$0x100 ss:$0x1] =	vst.idx.msk $0xffff, v8;
	v7 =	vmul.f32 v7, v5  }
0x121: {  	[tilespmem:v0+s25+$0x100 ss:$0x1] =	vst.idx.msk $0xffff, v9;
	v8 =	vld.idx.msk [tilespmem:v20+s26+$0x0 ss:$0x1], $0xffff;
	v6 =	vmul.f32 v6, v11  }
0x122: {  	v9 =	vld.idx.msk [tilespmem:v20+s25+$0x0 ss:$0x1], $0xffff;
	[tilespmem:v0+s28+$0x100 ss:$0x1] =	vst.idx.msk $0xffff, v7  }
0x123: {  	v7 =	vld.idx.msk [tilespmem:v20+s28+$0x0 ss:$0x1], $0xffff;
	[tilespmem:v0+s30+$0x100 ss:$0x1] =	vst.idx.msk $0xffff, v6  }
0x124: {  	v10 =	vmul.f32 v10, v2;
	v6 =	vld.idx.msk [tilespmem:v20+s30+$0x0 ss:$0x1], $0xffff;
	_ =	sdelay $0x1  }
0x125: {  	[tilespmem:v0+s24+$0x180 ss:$0x1] =	vst.idx.msk $0xffff, v10;
	v8 =	vmul.f32 v8, v4  }
0x126: {  	v10 =	vld.idx.msk [tilespmem:v21+s24+$0x0 ss:$0x1], $0xffff;
	v9 =	vmul.f32 v9, v3  }
0x127: {  	[tilespmem:v0+s26+$0x180 ss:$0x1] =	vst.idx.msk $0xffff, v8;
	v7 =	vmul.f32 v7, v5  }
0x128: {  	[tilespmem:v0+s25+$0x180 ss:$0x1] =	vst.idx.msk $0xffff, v9;
	v8 =	vld.idx.msk [tilespmem:v21+s26+$0x0 ss:$0x1], $0xffff;
	v6 =	vmul.f32 v6, v11  }
0x129: {  	v9 =	vld.idx.msk [tilespmem:v21+s25+$0x0 ss:$0x1], $0xffff;
	[tilespmem:v0+s28+$0x180 ss:$0x1] =	vst.idx.msk $0xffff, v7  }
0x12a: {  	v7 =	vld.idx.msk [tilespmem:v21+s28+$0x0 ss:$0x1], $0xffff;
	[tilespmem:v0+s30+$0x180 ss:$0x1] =	vst.idx.msk $0xffff, v6  }
0x12b: {  	v10 =	vmul.f32 v10, v2;
	v6 =	vld.idx.msk [tilespmem:v21+s30+$0x0 ss:$0x1], $0xffff;
	_ =	sdelay $0x1  }
0x12c: {  	[tilespmem:v0+s24+$0x200 ss:$0x1] =	vst.idx.msk $0xffff, v10;
	v8 =	vmul.f32 v8, v4  }
0x12d: {  	v10 =	vld.idx.msk [tilespmem:v22+s24+$0x0 ss:$0x1], $0xffff;
	v9 =	vmul.f32 v9, v3  }
0x12e: {  	[tilespmem:v0+s26+$0x200 ss:$0x1] =	vst.idx.msk $0xffff, v8;
	v7 =	vmul.f32 v7, v5  }
0x12f: {  	[tilespmem:v0+s25+$0x200 ss:$0x1] =	vst.idx.msk $0xffff, v9;
	v8 =	vld.idx.msk [tilespmem:v22+s26+$0x0 ss:$0x1], $0xffff;
	v6 =	vmul.f32 v6, v11  }
0x130: {  	v9 =	vld.idx.msk [tilespmem:v22+s25+$0x0 ss:$0x1], $0xffff;
	[tilespmem:v0+s28+$0x200 ss:$0x1] =	vst.idx.msk $0xffff, v7  }
0x131: {  	v7 =	vld.idx.msk [tilespmem:v22+s28+$0x0 ss:$0x1], $0xffff;
	[tilespmem:v0+s30+$0x200 ss:$0x1] =	vst.idx.msk $0xffff, v6  }
0x132: {  	v10 =	vmul.f32 v10, v2;
	v46 =	vld.idx.msk [tilespmem:v22+s30+$0x0 ss:$0x1], $0xffff  }
0x133: {  	v45 =	vmul.f32 v24, v1  }
0x134: {  	[tilespmem:v0+s24+$0x280 ss:$0x1] =	vst.idx.msk $0xffff, v10;
	v8 =	vmul.f32 v8, v4  }
0x135: {  	[tilespmem:v0+s23+$0x280 ss:$0x1] =	vst.idx.msk $0xffff, v45;
	v10 =	vld.idx.msk [tilespmem:v23+s24+$0x0 ss:$0x1], $0xffff;
	v47 =	vmul.f32 v9, v3  }
0x136: {  	v48 =	vld.idx.msk [tilespmem:v23+s23+$0x0 ss:$0x1], $0xffff;
	[tilespmem:v0+s26+$0x280 ss:$0x1] =	vst.idx.msk $0xffff, v8;
	v49 =	vmul.f32 v7, v5  }
0x137: {  	[tilespmem:v0+s25+$0x280 ss:$0x1] =	vst.idx.msk $0xffff, v47;
	v52 =	vld.idx.msk [tilespmem:v23+s26+$0x0 ss:$0x1], $0xffff;
	v51 =	vmul.f32 v46, v11  }
0x138: {  	v50 =	vld.idx.msk [tilespmem:v23+s25+$0x0 ss:$0x1], $0xffff;
	[tilespmem:v0+s28+$0x280 ss:$0x1] =	vst.idx.msk $0xffff, v49  }
0x139: {  	v6 =	vld.idx.msk [tilespmem:v23+s28+$0x0 ss:$0x1], $0xffff;
	[tilespmem:v0+s30+$0x280 ss:$0x1] =	vst.idx.msk $0xffff, v51  }
0x13a: {  	v10 =	vmul.f32 v10, v2;
	v54 =	vld.idx.msk [tilespmem:v23+s30+$0x0 ss:$0x1], $0xffff  }
0x13b: {  	v53 =	vmul.f32 v48, v1  }
0x13c: {  	[tilespmem:v0+s24+$0x300 ss:$0x1] =	vst.idx.msk $0xffff, v10;
	v55 =	vmul.f32 v52, v4  }
0x13d: {  	[tilespmem:v0+s23+$0x300 ss:$0x1] =	vst.idx.msk $0xffff, v53;
	v56 =	vld.idx.msk [tilespmem:v16+s24+$0x0 ss:$0x1], $0xffff;
	v7 =	vmul.f32 v50, v3  }
0x13e: {  	v8 =	vld.idx.msk [tilespmem:v16+s23+$0x0 ss:$0x1], $0xffff;
	[tilespmem:v0+s26+$0x300 ss:$0x1] =	vst.idx.msk $0xffff, v55;
	v6 =	vmul.f32 v6, v5  }
0x13f: {  	v10 =	vld.idx.msk [tilespmem:v16+s26+$0x0 ss:$0x1], $0xffff;
	[tilespmem:v0+s25+$0x300 ss:$0x1] =	vst.idx.msk $0xffff, v7;
	v9 =	vmul.f32 v54, v11  }
0x140: {  	v7 =	vld.idx.msk [tilespmem:v16+s25+$0x0 ss:$0x1], $0xffff;
	[tilespmem:v0+s28+$0x300 ss:$0x1] =	vst.idx.msk $0xffff, v6  }
0x141: {  	v6 =	vld.idx.msk [tilespmem:v16+s28+$0x0 ss:$0x1], $0xffff;
	[tilespmem:v0+s30+$0x300 ss:$0x1] =	vst.idx.msk $0xffff, v9  }
0x142: {  	v59 =	vmul.f32 v56, v2;
	v58 =	vld.idx.msk [tilespmem:v16+s30+$0x0 ss:$0x1], $0xffff  }
0x143: {  	v57 =	vmul.f32 v8, v1  }
0x144: {  	s0 =	smul.u32 $0x187000, s10;
	s10 =	sadd.s32 $0x1, s10;
	[tilespmem:v0+s24+$0x380 ss:$0x1] =	vst.idx.msk $0xffff, v59;
	v61 =	vmul.f32 v10, v4  }
0x145: {  	p3 =	seq.s32 s10, $0x25;
	[tilespmem:v0+s23+$0x380 ss:$0x1] =	vst.idx.msk $0xffff, v57;
	v60 =	vmul.f32 v7, v3  }
.Ltmp3:
0x146: {  	[tilespmem:v0+s26+$0x380 ss:$0x1] =	vst.idx.msk $0xffff, v61;
	v62 =	vmul.f32 v6, v5;
	(pc) =	sbr.rel @!p3 .LBB2_4-.Ltmp3, $4  }
0x147: {  	s0 =	sadd.s32 s0, s20;
	[tilespmem:v0+s25+$0x380 ss:$0x1] =	vst.idx.msk $0xffff, v60;
	v63 =	vmul.f32 v58, v11  }
0x148: {  	s0 =	sshrl.u32 s0, $0x3;
	[tilespmem:v0+s28+$0x380 ss:$0x1] =	vst.idx.msk $0xffff, v62  }
0x149: {  	s15 =	sadd.s32 $0x800, s15;
	s0 =	sadd.s32 s3, s0;
	[tilespmem:v0+s30+$0x380 ss:$0x1] =	vst.idx.msk $0xffff, v63  }
0x14a: {  	[hbm4b:s0+s17] =	stream.strided.scatter [tilespmem:s29], [sflag:s22], $0x800, s18, s17, $0x38;
	[tilespmem:$0x16000] =	vst v63  }
0x14b: {  	p2 =	seq.s32 s6, $0x18  }
.Ltmp4:
0x14c: {  	_ = 	snop;
	(pc) =	sbr.rel @!p2 .LBB2_3-.Ltmp4, $2  }
0x14d: {  	_ =	sdelay $0x2  }
0x14e: {  	p1 =	por !p1, !p1  }
.Ltmp5:
0x14f: {  	(pc) =	sbr.rel @p0 .LBB2_12-.Ltmp5, $1  }
0x150: {  	_ =	sdelay $0x3  }
0x151: {  	s0 =	simm.s32 $0x1  }
0x152: {  	_ =	swait.ge [sflag:s0], $0x7800  }
0x153: {  	[sflag:s0] =	ssyncset.done $0x0  }
0x154: {  	s31 =	simm.s32 $0x3;
	[sflag:s0] =	ssyncadd.s32 $0xFFFF8800  }
0x155: {  	_ =	swait.ge [sflag:s31], $0x800  }
0x156: {  	[sflag:s31] =	ssyncset.done $0x0;
	s6 =	rddreg [dreg:$0x8]  }
0x157: {  	s9 =	rddreg [dreg:$0x4];
	[sflag:s31] =	ssyncadd.s32 $0xFFFFF800  }
.LBB2_9:
0x158: {  	s0 =	smulhi.u32 $0xAAAAAAAB, s9  }
0x159: {  	s10 =	sadd.s32 $0xFFFFFFF8, s9;
	s21 =	sadd.s32 $0xFFFFFFEC, s9;
	p1 =	slt.u32 s9, $0x8  }
0x15a: {  	p2 =	slt.u32 s9, $0x14;
	p3 =	slt.u32 s9, $0x1E;
	s15 =	sshra.s32 s10, $0x1F  }
0x15b: {  	s22 =	sshrl.u32 s21, $0x1F;
	s0 =	sshrl.u32 s0, $0x3;
	s15 =	sshrl.u32 s15, $0x1E  }
0x15c: {  	s22 =	sadd.s32 s22, s21;
	s21 =	sshll.u32 s21, $0x4;
	s15 =	sadd.s32 s15, s10  }
0x15d: {  	s10 =	sshll.u32 s10, $0x4;
	s22 =	sshra.s32 s22, $0x1;
	s15 =	sshra.s32 s15, $0x2  }
0x15e: {  	s29 =	sshll.u32 s22, $0x5;
	s22 =	sadd.s32 $0x4, s22;
	s23 =	sshll.u32 s15, $0x6  }
0x15f: {  	s21 =	ssub.s32 s21, s29;
	s10 =	ssub.s32 s10, s23;
	s23 =	sadd.s32 $0x1FFFFEB, s9  }
0x160: {  	s15 =	sadd.s32 $0x1, s15;
	s21 =	sadd.s32 $0xC0, s21;
	s23 =	smov.u32 @p3 s22  }
0x161: {  	s10 =	sadd.s32 $0x80, s10;
	s21 =	simm.s32 @!p3 $0xE0;
	s23 =	smov.u32 @p2 s15  }
0x162: {  	s15 =	sshll.u32 s9, $0x4;
	s21 =	smov.u32 @p2 s10;
	s10 =	sshll.u32 s23, $0x7  }
0x163: {  	s20 =	smul.u32 $0xC, s0;
	s21 =	smov.u32 @p1 s15;
	s10 =	simm.s32 @p1 $0x0  }
0x164: {  	s30 =	sshll.u32 s21, $0x9;
	s10 =	sadd.s32 $0xF000, s10  }
0x165: {  	s25 =	ssub.s32 s9, s20;
	s31 =	sshra.s32 s30, $0x2;
	v6 =	vmov s10  }
0x166: {  	s10 =	sadd.s32 $0x5, s25;
	v8 =	vmov s31  }
0x167: {  	_ =	swait.ge [sflag:s10], $0x800  }
0x168: {  	[sflag:s10] =	ssyncset.done $0x0  }
0x169: {  	s0 =	smul.u32 $0xFFFE8000, s0;
	s20 =	simm.s32 $0x0;
	[sflag:s10] =	ssyncadd.s32 $0xFFFFF800  }
0x16a: {  	v1 =	vld.idx.msk [tilespmem:v6+s20+$0x0 ss:$0x1], $0xffff  }
0x16b: {  	s0 =	sshra.s32 s0, $0x2;
	v2 =	vld.idx.msk [tilespmem:v8+s20+$0x0 ss:$0x1], $0xffff  }
0x16c: {  	s0 =	sadd.s32 s0, s6;
	s28 =	sshll.u32 s21, $0x7  }
0x16d: {  	v0 =	vmov s0;
	s21 =	sor.u32 $0x80, s28  }
0x16e: {  	v9 =	vmov s21;
	_ =	sdelay $0x1  }
0x16f: {  	v2 =	vmul.f32 v2, v1;
	_ =	sdelay $0x1  }
0x170: {  	[tilespmem:v0+s20+$0x0 ss:$0x1] =	vst.idx.msk $0xffff, v2  }
0x171: {  	v2 =	vld.idx.msk [tilespmem:v9+s20+$0x0 ss:$0x1], $0xffff;
	_ =	sdelay $0x1  }
0x172: {  	s21 =	sor.u32 $0x100, s28  }
0x173: {  	v10 =	vmov s21;
	_ =	sdelay $0x1  }
0x174: {  	v2 =	vmul.f32 v2, v1;
	_ =	sdelay $0x1  }
0x175: {  	[tilespmem:v0+s20+$0x80 ss:$0x1] =	vst.idx.msk $0xffff, v2  }
0x176: {  	v3 =	vld.idx.msk [tilespmem:v10+s20+$0x0 ss:$0x1], $0xffff;
	_ =	sdelay $0x1  }
0x177: {  	s22 =	sor.u32 $0x180, s28  }
0x178: {  	v11 =	vmov s22;
	s21 =	simm.s32 $0x10  }
0x179: {  	v4 =	vld.idx.msk [tilespmem:v8+s21+$0x0 ss:$0x1], $0xffff  }
0x17a: {  	v2 =	vld.idx.msk [tilespmem:v6+s21+$0x0 ss:$0x1], $0xffff;
	v3 =	vmul.f32 v3, v1;
	_ =	sdelay $0x1  }
0x17b: {  	[tilespmem:v0+s20+$0x100 ss:$0x1] =	vst.idx.msk $0xffff, v3  }
0x17c: {  	v3 =	vld.idx.msk [tilespmem:v11+s20+$0x0 ss:$0x1], $0xffff;
	_ =	sdelay $0x1  }
0x17d: {  	s23 =	sor.u32 $0x200, s28;
	v4 =	vmul.f32 v4, v2  }
0x17e: {  	v13 =	vmov s23  }
0x17f: {  	[tilespmem:v0+s21+$0x0 ss:$0x1] =	vst.idx.msk $0xffff, v4  }
0x180: {  	v4 =	vld.idx.msk [tilespmem:v9+s21+$0x0 ss:$0x1], $0xffff;
	v3 =	vmul.f32 v3, v1;
	_ =	sdelay $0x1  }
0x181: {  	[tilespmem:v0+s20+$0x180 ss:$0x1] =	vst.idx.msk $0xffff, v3  }
0x182: {  	v3 =	vld.idx.msk [tilespmem:v13+s20+$0x0 ss:$0x1], $0xffff;
	_ =	sdelay $0x1  }
0x183: {  	s24 =	sor.u32 $0x280, s28;
	v4 =	vmul.f32 v4, v2  }
0x184: {  	v14 =	vmov s24  }
0x185: {  	[tilespmem:v0+s21+$0x80 ss:$0x1] =	vst.idx.msk $0xffff, v4  }
0x186: {  	v4 =	vld.idx.msk [tilespmem:v10+s21+$0x0 ss:$0x1], $0xffff;
	v3 =	vmul.f32 v3, v1;
	_ =	sdelay $0x1  }
0x187: {  	[tilespmem:v0+s20+$0x200 ss:$0x1] =	vst.idx.msk $0xffff, v3  }
0x188: {  	s22 =	simm.s32 $0x20;
	v5 =	vld.idx.msk [tilespmem:v14+s20+$0x0 ss:$0x1], $0xffff  }
0x189: {  	v7 =	vld.idx.msk [tilespmem:v8+s22+$0x0 ss:$0x1], $0xffff  }
0x18a: {  	s26 =	sor.u32 $0x300, s28;
	v4 =	vmul.f32 v4, v2;
	v3 =	vld.idx.msk [tilespmem:v6+s22+$0x0 ss:$0x1], $0xffff  }
0x18b: {  	v15 =	vmov s26  }
0x18c: {  	[tilespmem:v0+s21+$0x100 ss:$0x1] =	vst.idx.msk $0xffff, v4  }
0x18d: {  	v4 =	vld.idx.msk [tilespmem:v11+s21+$0x0 ss:$0x1], $0xffff;
	v5 =	vmul.f32 v5, v1;
	_ =	sdelay $0x1  }
0x18e: {  	[tilespmem:v0+s20+$0x280 ss:$0x1] =	vst.idx.msk $0xffff, v5;
	v5 =	vmul.f32 v7, v3  }
0x18f: {  	v7 =	vld.idx.msk [tilespmem:v15+s20+$0x0 ss:$0x1], $0xffff  }
0x190: {  	[tilespmem:v0+s22+$0x0 ss:$0x1] =	vst.idx.msk $0xffff, v5  }
0x191: {  	s29 =	sor.u32 $0x380, s28;
	v4 =	vmul.f32 v4, v2;
	v5 =	vld.idx.msk [tilespmem:v9+s22+$0x0 ss:$0x1], $0xffff  }
0x192: {  	v16 =	vmov s29  }
0x193: {  	[tilespmem:v0+s21+$0x180 ss:$0x1] =	vst.idx.msk $0xffff, v4  }
0x194: {  	v4 =	vld.idx.msk [tilespmem:v13+s21+$0x0 ss:$0x1], $0xffff;
	v7 =	vmul.f32 v7, v1;
	_ =	sdelay $0x1  }
0x195: {  	[tilespmem:v0+s20+$0x300 ss:$0x1] =	vst.idx.msk $0xffff, v7;
	v5 =	vmul.f32 v5, v3  }
0x196: {  	v7 =	vld.idx.msk [tilespmem:v16+s20+$0x0 ss:$0x1], $0xffff  }
0x197: {  	[tilespmem:v0+s22+$0x80 ss:$0x1] =	vst.idx.msk $0xffff, v5  }
0x198: {  	s30 =	sor.u32 $0x400, s28;
	v4 =	vmul.f32 v4, v2;
	v5 =	vld.idx.msk [tilespmem:v10+s22+$0x0 ss:$0x1], $0xffff  }
0x199: {  	v17 =	vmov s30  }
0x19a: {  	[tilespmem:v0+s21+$0x200 ss:$0x1] =	vst.idx.msk $0xffff, v4  }
0x19b: {  	s23 =	simm.s32 $0x30;
	v12 =	vld.idx.msk [tilespmem:v14+s21+$0x0 ss:$0x1], $0xffff;
	v7 =	vmul.f32 v7, v1  }
0x19c: {  	v4 =	vld.idx.msk [tilespmem:v6+s23+$0x0 ss:$0x1], $0xffff  }
0x19d: {  	[tilespmem:v0+s20+$0x380 ss:$0x1] =	vst.idx.msk $0xffff, v7;
	v7 =	vld.idx.msk [tilespmem:v8+s23+$0x0 ss:$0x1], $0xffff;
	v5 =	vmul.f32 v5, v3  }
0x19e: {  	v19 =	vld.idx.msk [tilespmem:v17+s20+$0x0 ss:$0x1], $0xffff  }
0x19f: {  	[tilespmem:v0+s22+$0x100 ss:$0x1] =	vst.idx.msk $0xffff, v5  }
0x1a0: {  	s31 =	sor.u32 $0x480, s28;
	v12 =	vmul.f32 v12, v2;
	v5 =	vld.idx.msk [tilespmem:v11+s22+$0x0 ss:$0x1], $0xffff  }
0x1a1: {  	v18 =	vmov s31  }
0x1a2: {  	[tilespmem:v0+s21+$0x280 ss:$0x1] =	vst.idx.msk $0xffff, v12;
	v7 =	vmul.f32 v7, v4  }
0x1a3: {  	v12 =	vmul.f32 v19, v1;
	v19 =	vld.idx.msk [tilespmem:v15+s21+$0x0 ss:$0x1], $0xffff  }
0x1a4: {  	[tilespmem:v0+s23+$0x0 ss:$0x1] =	vst.idx.msk $0xffff, v7  }
0x1a5: {  	v7 =	vld.idx.msk [tilespmem:v9+s23+$0x0 ss:$0x1], $0xffff;
	[tilespmem:v0+s20+$0x400 ss:$0x1] =	vst.idx.msk $0xffff, v12;
	v5 =	vmul.f32 v5, v3  }
0x1a6: {  	v12 =	vld.idx.msk [tilespmem:v18+s20+$0x0 ss:$0x1], $0xffff  }
0x1a7: {  	[tilespmem:v0+s22+$0x180 ss:$0x1] =	vst.idx.msk $0xffff, v5  }
0x1a8: {  	s24 =	sor.u32 $0x500, s28;
	v5 =	vld.idx.msk [tilespmem:v13+s22+$0x0 ss:$0x1], $0xffff;
	v19 =	vmul.f32 v19, v2  }
0x1a9: {  	v20 =	vmov s24  }
0x1aa: {  	v7 =	vmul.f32 v7, v4;
	[tilespmem:v0+s21+$0x300 ss:$0x1] =	vst.idx.msk $0xffff, v19  }
0x1ab: {  	v12 =	vmul.f32 v12, v1;
	v21 =	vld.idx.msk [tilespmem:v16+s21+$0x0 ss:$0x1], $0xffff  }
0x1ac: {  	[tilespmem:v0+s23+$0x80 ss:$0x1] =	vst.idx.msk $0xffff, v7  }
0x1ad: {  	v7 =	vld.idx.msk [tilespmem:v10+s23+$0x0 ss:$0x1], $0xffff;
	[tilespmem:v0+s20+$0x480 ss:$0x1] =	vst.idx.msk $0xffff, v12;
	v5 =	vmul.f32 v5, v3  }
0x1ae: {  	v12 =	vld.idx.msk [tilespmem:v20+s20+$0x0 ss:$0x1], $0xffff  }
0x1af: {  	[tilespmem:v0+s22+$0x200 ss:$0x1] =	vst.idx.msk $0xffff, v5  }
0x1b0: {  	s26 =	sor.u32 $0x580, s28;
	s24 =	simm.s32 $0x40;
	v22 =	vld.idx.msk [tilespmem:v14+s22+$0x0 ss:$0x1], $0xffff;
	v21 =	vmul.f32 v21, v2  }
0x1b1: {  	v19 =	vmov s26;
	v5 =	vld.idx.msk [tilespmem:v6+s24+$0x0 ss:$0x1], $0xffff  }
0x1b2: {  	v7 =	vmul.f32 v7, v4;
	[tilespmem:v0+s21+$0x380 ss:$0x1] =	vst.idx.msk $0xffff, v21;
	v21 =	vld.idx.msk [tilespmem:v8+s24+$0x0 ss:$0x1], $0xffff  }
0x1b3: {  	v12 =	vmul.f32 v12, v1;
	v23 =	vld.idx.msk [tilespmem:v17+s21+$0x0 ss:$0x1], $0xffff  }
0x1b4: {  	[tilespmem:v0+s23+$0x100 ss:$0x1] =	vst.idx.msk $0xffff, v7  }
0x1b5: {  	v7 =	vld.idx.msk [tilespmem:v11+s23+$0x0 ss:$0x1], $0xffff;
	[tilespmem:v0+s20+$0x500 ss:$0x1] =	vst.idx.msk $0xffff, v12;
	v12 =	vmul.f32 v22, v3  }
0x1b6: {  	v22 =	vld.idx.msk [tilespmem:v19+s20+$0x0 ss:$0x1], $0xffff  }
0x1b7: {  	[tilespmem:v0+s22+$0x280 ss:$0x1] =	vst.idx.msk $0xffff, v12;
	v12 =	vmul.f32 v21, v5  }
0x1b8: {  	s29 =	sor.u32 $0x600, s28;
	v24 =	vld.idx.msk [tilespmem:v15+s22+$0x0 ss:$0x1], $0xffff;
	v23 =	vmul.f32 v23, v2  }
0x1b9: {  	v21 =	vmov s29;
	[tilespmem:v0+s24+$0x0 ss:$0x1] =	vst.idx.msk $0xffff, v12  }
0x1ba: {  	v7 =	vmul.f32 v7, v4;
	v12 =	vld.idx.msk [tilespmem:v9+s24+$0x0 ss:$0x1], $0xffff;
	[tilespmem:v0+s21+$0x400 ss:$0x1] =	vst.idx.msk $0xffff, v23  }
0x1bb: {  	v22 =	vmul.f32 v22, v1;
	v23 =	vld.idx.msk [tilespmem:v18+s21+$0x0 ss:$0x1], $0xffff  }
0x1bc: {  	[tilespmem:v0+s23+$0x180 ss:$0x1] =	vst.idx.msk $0xffff, v7  }
0x1bd: {  	v7 =	vld.idx.msk [tilespmem:v13+s23+$0x0 ss:$0x1], $0xffff;
	[tilespmem:v0+s20+$0x580 ss:$0x1] =	vst.idx.msk $0xffff, v22;
	v22 =	vmul.f32 v24, v3  }
0x1be: {  	v24 =	vld.idx.msk [tilespmem:v21+s20+$0x0 ss:$0x1], $0xffff  }
0x1bf: {  	[tilespmem:v0+s22+$0x300 ss:$0x1] =	vst.idx.msk $0xffff, v22;
	v12 =	vmul.f32 v12, v5  }
0x1c0: {  	s30 =	sor.u32 $0x680, s28;
	v27 =	vld.idx.msk [tilespmem:v16+s22+$0x0 ss:$0x1], $0xffff;
	v23 =	vmul.f32 v23, v2  }
0x1c1: {  	v22 =	vmov s30;
	[tilespmem:v0+s24+$0x80 ss:$0x1] =	vst.idx.msk $0xffff, v12  }
0x1c2: {  	v7 =	vmul.f32 v7, v4;
	v28 =	vld.idx.msk [tilespmem:v10+s24+$0x0 ss:$0x1], $0xffff;
	[tilespmem:v0+s21+$0x480 ss:$0x1] =	vst.idx.msk $0xffff, v23  }
0x1c3: {  	s26 =	simm.s32 $0x50;
	v12 =	vmul.f32 v24, v1;
	v25 =	vld.idx.msk [tilespmem:v20+s21+$0x0 ss:$0x1], $0xffff  }
0x1c4: {  	[tilespmem:v0+s23+$0x200 ss:$0x1] =	vst.idx.msk $0xffff, v7;
	v7 =	vld.idx.msk [tilespmem:v6+s26+$0x0 ss:$0x1], $0xffff  }
0x1c5: {  	v26 =	vld.idx.msk [tilespmem:v14+s23+$0x0 ss:$0x1], $0xffff;
	[tilespmem:v0+s20+$0x600 ss:$0x1] =	vst.idx.msk $0xffff, v12;
	v27 =	vmul.f32 v27, v3  }
0x1c6: {  	s31 =	sshll.u32 s25, $0xB;
	s29 =	sor.u32 $0x700, s28;
	s28 =	sor.u32 $0x780, s28;
	v24 =	vld.idx.msk [tilespmem:v22+s20+$0x0 ss:$0x1], $0xffff  }
0x1c7: {  	s25 =	sor.u32 $0x10000, s31;
	v23 =	vmov s29;
	v12 =	vmov s28;
	s28 =	simm.s32 $0x180;
	[tilespmem:v0+s22+$0x380 ss:$0x1] =	vst.idx.msk $0xffff, v27;
	v27 =	vld.idx.msk [tilespmem:v8+s26+$0x0 ss:$0x1], $0xffff;
	v28 =	vmul.f32 v28, v5  }
.LBB2_10:
0x1c8: {  	p1 =	sne.s32 s28, $0x1C0;
	v29 =	vld.idx.msk [tilespmem:v17+s22+$0x0 ss:$0x1], $0xffff;
	v25 =	vmul.f32 v25, v2;
	s0 =	smov.u32 s22;
	s22 =	smov.u32 s23  }
0x1c9: {  	s23 =	smov.u32 s24;
	[tilespmem:v0+s24+$0x100 ss:$0x1] =	vst.idx.msk $0xffff, v28;
	s24 =	smov.u32 s26  }
0x1ca: {  	v26 =	vmul.f32 v26, v4;
	v28 =	vld.idx.msk [tilespmem:v11+s23+$0x0 ss:$0x1], $0xffff;
	[tilespmem:v0+s21+$0x500 ss:$0x1] =	vst.idx.msk $0xffff, v25  }
0x1cb: {  	v24 =	vmul.f32 v24, v1;
	v25 =	vld.idx.msk [tilespmem:v19+s21+$0x0 ss:$0x1], $0xffff  }
0x1cc: {  	[tilespmem:v0+s22+$0x280 ss:$0x1] =	vst.idx.msk $0xffff, v26  }
0x1cd: {  	v26 =	vmul.f32 v27, v7;
	v27 =	vld.idx.msk [tilespmem:v15+s22+$0x0 ss:$0x1], $0xffff;
	[tilespmem:v0+s20+$0x680 ss:$0x1] =	vst.idx.msk $0xffff, v24  }
0x1ce: {  	v24 =	vmul.f32 v29, v3;
	v29 =	vld.idx.msk [tilespmem:v23+s20+$0x0 ss:$0x1], $0xffff  }
0x1cf: {  	[tilespmem:v0+s24+$0x0 ss:$0x1] =	vst.idx.msk $0xffff, v26  }
0x1d0: {  	v28 =	vmul.f32 v28, v5;
	v26 =	vld.idx.msk [tilespmem:v9+s24+$0x0 ss:$0x1], $0xffff;
	[tilespmem:v0+s0+$0x400 ss:$0x1] =	vst.idx.msk $0xffff, v24  }
0x1d1: {  	v25 =	vmul.f32 v25, v2;
	v24 =	vld.idx.msk [tilespmem:v18+s0+$0x0 ss:$0x1], $0xffff  }
0x1d2: {  	[tilespmem:v0+s23+$0x180 ss:$0x1] =	vst.idx.msk $0xffff, v28  }
0x1d3: {  	v27 =	vmul.f32 v27, v4;
	v28 =	vld.idx.msk [tilespmem:v13+s23+$0x0 ss:$0x1], $0xffff;
	[tilespmem:v0+s21+$0x580 ss:$0x1] =	vst.idx.msk $0xffff, v25  }
0x1d4: {  	v25 =	vmul.f32 v29, v1;
	v30 =	vld.idx.msk [tilespmem:v21+s21+$0x0 ss:$0x1], $0xffff  }
0x1d5: {  	[tilespmem:v0+s22+$0x300 ss:$0x1] =	vst.idx.msk $0xffff, v27  }
0x1d6: {  	v26 =	vmul.f32 v26, v7;
	v27 =	vld.idx.msk [tilespmem:v16+s22+$0x0 ss:$0x1], $0xffff;
	[tilespmem:v0+s20+$0x700 ss:$0x1] =	vst.idx.msk $0xffff, v25  }
0x1d7: {  	v24 =	vmul.f32 v24, v3;
	v29 =	vld.idx.msk [tilespmem:v12+s20+$0x0 ss:$0x1], $0xffff  }
0x1d8: {  	[tilespmem:v0+s24+$0x80 ss:$0x1] =	vst.idx.msk $0xffff, v26  }
0x1d9: {  	v26 =	vmul.f32 v28, v5;
	v31 =	vld.idx.msk [tilespmem:v10+s24+$0x0 ss:$0x1], $0xffff;
	[tilespmem:v0+s0+$0x480 ss:$0x1] =	vst.idx.msk $0xffff, v24  }
0x1da: {  	v24 =	vmul.f32 v30, v2;
	v25 =	vld.idx.msk [tilespmem:v20+s0+$0x0 ss:$0x1], $0xffff  }
.Ltmp6:
0x1db: {  	[tilespmem:v0+s23+$0x200 ss:$0x1] =	vst.idx.msk $0xffff, v26;
	(pc) =	sbr.rel @p1 .LBB2_10-.Ltmp6, $4  }
0x1dc: {  	v27 =	vmul.f32 v27, v4;
	v26 =	vld.idx.msk [tilespmem:v14+s23+$0x0 ss:$0x1], $0xffff;
	[tilespmem:v0+s21+$0x600 ss:$0x1] =	vst.idx.msk $0xffff, v24  }
0x1dd: {  	s26 =	sshra.s32 s28, $0x2;
	v29 =	vmul.f32 v29, v1;
	v1 =	vmovc v2;
	v2 =	vmovc v3;
	v3 =	vmov v4;
	v4 =	vmov v5;
	v24 =	vld.idx.msk [tilespmem:v22+s21+$0x0 ss:$0x1], $0xffff  }
0x1de: {  	v5 =	vmov v7;
	[tilespmem:v0+s22+$0x380 ss:$0x1] =	vst.idx.msk $0xffff, v27;
	v7 =	vld.idx.msk [tilespmem:v6+s26+$0x0 ss:$0x1], $0xffff  }
0x1df: {  	s28 =	sadd.s32 $0x40, s28;
	v28 =	vmul.f32 v31, v5;
	v27 =	vld.idx.msk [tilespmem:v8+s26+$0x0 ss:$0x1], $0xffff;
	[tilespmem:v0+s20+$0x780 ss:$0x1] =	vst.idx.msk $0xffff, v29;
	s20 =	smov.u32 s21;
	s21 =	smov.u32 s0  }
0x1e0: {  	_ =	sdelay $0x3  }
0x1e1: {  	v6 =	vmul.f32 v27, v7;
	_ =	sdelay $0x1  }
0x1e2: {  	[tilespmem:v0+s26+$0x0 ss:$0x1] =	vst.idx.msk $0xffff, v6  }
0x1e3: {  	v6 =	vld.idx.msk [tilespmem:v9+s26+$0x0 ss:$0x1], $0xffff;
	_ =	sdelay $0x4  }
0x1e4: {  	v6 =	vmul.f32 v6, v7;
	_ =	sdelay $0x1  }
0x1e5: {  	[tilespmem:v0+s26+$0x80 ss:$0x1] =	vst.idx.msk $0xffff, v6  }
0x1e6: {  	v6 =	vld.idx.msk [tilespmem:v10+s26+$0x0 ss:$0x1], $0xffff;
	_ =	sdelay $0x4  }
0x1e7: {  	v6 =	vmul.f32 v6, v7  }
0x1e8: {  	[tilespmem:v0+s24+$0x100 ss:$0x1] =	vst.idx.msk $0xffff, v28  }
0x1e9: {  	v8 =	vld.idx.msk [tilespmem:v11+s24+$0x0 ss:$0x1], $0xffff;
	[tilespmem:v0+s26+$0x100 ss:$0x1] =	vst.idx.msk $0xffff, v6  }
0x1ea: {  	v6 =	vld.idx.msk [tilespmem:v11+s26+$0x0 ss:$0x1], $0xffff;
	_ =	sdelay $0x3  }
0x1eb: {  	v8 =	vmul.f32 v8, v5  }
0x1ec: {  	v6 =	vmul.f32 v6, v7  }
0x1ed: {  	[tilespmem:v0+s24+$0x180 ss:$0x1] =	vst.idx.msk $0xffff, v8  }
0x1ee: {  	v8 =	vld.idx.msk [tilespmem:v13+s24+$0x0 ss:$0x1], $0xffff;
	[tilespmem:v0+s26+$0x180 ss:$0x1] =	vst.idx.msk $0xffff, v6  }
0x1ef: {  	v6 =	vld.idx.msk [tilespmem:v13+s26+$0x0 ss:$0x1], $0xffff;
	_ =	sdelay $0x3  }
0x1f0: {  	v8 =	vmul.f32 v8, v5  }
0x1f1: {  	v6 =	vmul.f32 v6, v7  }
0x1f2: {  	[tilespmem:v0+s24+$0x200 ss:$0x1] =	vst.idx.msk $0xffff, v8  }
0x1f3: {  	v8 =	vld.idx.msk [tilespmem:v14+s24+$0x0 ss:$0x1], $0xffff;
	[tilespmem:v0+s26+$0x200 ss:$0x1] =	vst.idx.msk $0xffff, v6  }
0x1f4: {  	v6 =	vld.idx.msk [tilespmem:v14+s26+$0x0 ss:$0x1], $0xffff;
	_ =	sdelay $0x1  }
0x1f5: {  	v42 =	vmul.f32 v26, v4;
	_ =	sdelay $0x1  }
0x1f6: {  	[tilespmem:v0+s23+$0x280 ss:$0x1] =	vst.idx.msk $0xffff, v42;
	v8 =	vmul.f32 v8, v5  }
0x1f7: {  	v9 =	vld.idx.msk [tilespmem:v15+s23+$0x0 ss:$0x1], $0xffff;
	v6 =	vmul.f32 v6, v7  }
0x1f8: {  	[tilespmem:v0+s24+$0x280 ss:$0x1] =	vst.idx.msk $0xffff, v8  }
0x1f9: {  	v8 =	vld.idx.msk [tilespmem:v15+s24+$0x0 ss:$0x1], $0xffff;
	[tilespmem:v0+s26+$0x280 ss:$0x1] =	vst.idx.msk $0xffff, v6  }
0x1fa: {  	v6 =	vld.idx.msk [tilespmem:v15+s26+$0x0 ss:$0x1], $0xffff;
	_ =	sdelay $0x1  }
0x1fb: {  	v9 =	vmul.f32 v9, v4;
	_ =	sdelay $0x1  }
0x1fc: {  	[tilespmem:v0+s23+$0x300 ss:$0x1] =	vst.idx.msk $0xffff, v9;
	v8 =	vmul.f32 v8, v5  }
0x1fd: {  	v9 =	vld.idx.msk [tilespmem:v16+s23+$0x0 ss:$0x1], $0xffff;
	v6 =	vmul.f32 v6, v7  }
0x1fe: {  	[tilespmem:v0+s24+$0x300 ss:$0x1] =	vst.idx.msk $0xffff, v8  }
0x1ff: {  	v8 =	vld.idx.msk [tilespmem:v16+s24+$0x0 ss:$0x1], $0xffff;
	[tilespmem:v0+s26+$0x300 ss:$0x1] =	vst.idx.msk $0xffff, v6  }
0x200: {  	v6 =	vld.idx.msk [tilespmem:v16+s26+$0x0 ss:$0x1], $0xffff;
	_ =	sdelay $0x1  }
0x201: {  	v9 =	vmul.f32 v9, v4;
	_ =	sdelay $0x1  }
0x202: {  	[tilespmem:v0+s23+$0x380 ss:$0x1] =	vst.idx.msk $0xffff, v9;
	v8 =	vmul.f32 v8, v5  }
0x203: {  	v9 =	vld.idx.msk [tilespmem:v17+s23+$0x0 ss:$0x1], $0xffff;
	v6 =	vmul.f32 v6, v7  }
0x204: {  	v43 =	vld.idx.msk [tilespmem:v17+s22+$0x0 ss:$0x1], $0xffff;
	[tilespmem:v0+s24+$0x380 ss:$0x1] =	vst.idx.msk $0xffff, v8  }
0x205: {  	v8 =	vld.idx.msk [tilespmem:v17+s24+$0x0 ss:$0x1], $0xffff;
	[tilespmem:v0+s26+$0x380 ss:$0x1] =	vst.idx.msk $0xffff, v6  }
0x206: {  	v6 =	vld.idx.msk [tilespmem:v17+s26+$0x0 ss:$0x1], $0xffff;
	_ =	sdelay $0x1  }
0x207: {  	v9 =	vmul.f32 v9, v4  }
0x208: {  	v10 =	vmul.f32 v43, v3  }
0x209: {  	[tilespmem:v0+s23+$0x400 ss:$0x1] =	vst.idx.msk $0xffff, v9;
	v8 =	vmul.f32 v8, v5  }
0x20a: {  	[tilespmem:v0+s22+$0x400 ss:$0x1] =	vst.idx.msk $0xffff, v10;
	v9 =	vld.idx.msk [tilespmem:v18+s23+$0x0 ss:$0x1], $0xffff;
	v6 =	vmul.f32 v6, v7  }
0x20b: {  	v10 =	vld.idx.msk [tilespmem:v18+s22+$0x0 ss:$0x1], $0xffff;
	[tilespmem:v0+s24+$0x400 ss:$0x1] =	vst.idx.msk $0xffff, v8  }
0x20c: {  	v8 =	vld.idx.msk [tilespmem:v18+s24+$0x0 ss:$0x1], $0xffff;
	[tilespmem:v0+s26+$0x400 ss:$0x1] =	vst.idx.msk $0xffff, v6  }
0x20d: {  	v6 =	vld.idx.msk [tilespmem:v18+s26+$0x0 ss:$0x1], $0xffff;
	_ =	sdelay $0x1  }
0x20e: {  	v9 =	vmul.f32 v9, v4  }
0x20f: {  	v10 =	vmul.f32 v10, v3  }
0x210: {  	[tilespmem:v0+s23+$0x480 ss:$0x1] =	vst.idx.msk $0xffff, v9;
	v8 =	vmul.f32 v8, v5  }
0x211: {  	[tilespmem:v0+s22+$0x480 ss:$0x1] =	vst.idx.msk $0xffff, v10;
	v9 =	vld.idx.msk [tilespmem:v20+s23+$0x0 ss:$0x1], $0xffff;
	v6 =	vmul.f32 v6, v7  }
0x212: {  	v10 =	vld.idx.msk [tilespmem:v20+s22+$0x0 ss:$0x1], $0xffff;
	[tilespmem:v0+s24+$0x480 ss:$0x1] =	vst.idx.msk $0xffff, v8  }
0x213: {  	v8 =	vld.idx.msk [tilespmem:v20+s24+$0x0 ss:$0x1], $0xffff;
	[tilespmem:v0+s26+$0x480 ss:$0x1] =	vst.idx.msk $0xffff, v6  }
0x214: {  	v44 =	vmul.f32 v25, v2;
	v6 =	vld.idx.msk [tilespmem:v20+s26+$0x0 ss:$0x1], $0xffff;
	_ =	sdelay $0x1  }
0x215: {  	[tilespmem:v0+s21+$0x500 ss:$0x1] =	vst.idx.msk $0xffff, v44;
	v9 =	vmul.f32 v9, v4  }
0x216: {  	v11 =	vld.idx.msk [tilespmem:v19+s21+$0x0 ss:$0x1], $0xffff;
	v10 =	vmul.f32 v10, v3  }
0x217: {  	[tilespmem:v0+s23+$0x500 ss:$0x1] =	vst.idx.msk $0xffff, v9;
	v8 =	vmul.f32 v8, v5  }
0x218: {  	[tilespmem:v0+s22+$0x500 ss:$0x1] =	vst.idx.msk $0xffff, v10;
	v9 =	vld.idx.msk [tilespmem:v19+s23+$0x0 ss:$0x1], $0xffff;
	v6 =	vmul.f32 v6, v7  }
0x219: {  	v10 =	vld.idx.msk [tilespmem:v19+s22+$0x0 ss:$0x1], $0xffff;
	[tilespmem:v0+s24+$0x500 ss:$0x1] =	vst.idx.msk $0xffff, v8  }
0x21a: {  	v8 =	vld.idx.msk [tilespmem:v19+s24+$0x0 ss:$0x1], $0xffff;
	[tilespmem:v0+s26+$0x500 ss:$0x1] =	vst.idx.msk $0xffff, v6  }
0x21b: {  	v11 =	vmul.f32 v11, v2;
	v6 =	vld.idx.msk [tilespmem:v19+s26+$0x0 ss:$0x1], $0xffff;
	_ =	sdelay $0x1  }
0x21c: {  	[tilespmem:v0+s21+$0x580 ss:$0x1] =	vst.idx.msk $0xffff, v11;
	v9 =	vmul.f32 v9, v4  }
0x21d: {  	v11 =	vld.idx.msk [tilespmem:v21+s21+$0x0 ss:$0x1], $0xffff;
	v10 =	vmul.f32 v10, v3  }
0x21e: {  	[tilespmem:v0+s23+$0x580 ss:$0x1] =	vst.idx.msk $0xffff, v9;
	v8 =	vmul.f32 v8, v5  }
0x21f: {  	[tilespmem:v0+s22+$0x580 ss:$0x1] =	vst.idx.msk $0xffff, v10;
	v9 =	vld.idx.msk [tilespmem:v21+s23+$0x0 ss:$0x1], $0xffff;
	v6 =	vmul.f32 v6, v7  }
0x220: {  	v10 =	vld.idx.msk [tilespmem:v21+s22+$0x0 ss:$0x1], $0xffff;
	[tilespmem:v0+s24+$0x580 ss:$0x1] =	vst.idx.msk $0xffff, v8  }
0x221: {  	v8 =	vld.idx.msk [tilespmem:v21+s24+$0x0 ss:$0x1], $0xffff;
	[tilespmem:v0+s26+$0x580 ss:$0x1] =	vst.idx.msk $0xffff, v6  }
0x222: {  	v11 =	vmul.f32 v11, v2;
	v6 =	vld.idx.msk [tilespmem:v21+s26+$0x0 ss:$0x1], $0xffff;
	_ =	sdelay $0x1  }
0x223: {  	[tilespmem:v0+s21+$0x600 ss:$0x1] =	vst.idx.msk $0xffff, v11;
	v9 =	vmul.f32 v9, v4  }
0x224: {  	v11 =	vld.idx.msk [tilespmem:v22+s21+$0x0 ss:$0x1], $0xffff;
	v10 =	vmul.f32 v10, v3  }
0x225: {  	[tilespmem:v0+s23+$0x600 ss:$0x1] =	vst.idx.msk $0xffff, v9;
	v8 =	vmul.f32 v8, v5  }
0x226: {  	[tilespmem:v0+s22+$0x600 ss:$0x1] =	vst.idx.msk $0xffff, v10;
	v9 =	vld.idx.msk [tilespmem:v22+s23+$0x0 ss:$0x1], $0xffff;
	v6 =	vmul.f32 v6, v7  }
0x227: {  	v10 =	vld.idx.msk [tilespmem:v22+s22+$0x0 ss:$0x1], $0xffff;
	[tilespmem:v0+s24+$0x600 ss:$0x1] =	vst.idx.msk $0xffff, v8  }
0x228: {  	v8 =	vld.idx.msk [tilespmem:v22+s24+$0x0 ss:$0x1], $0xffff;
	[tilespmem:v0+s26+$0x600 ss:$0x1] =	vst.idx.msk $0xffff, v6  }
0x229: {  	v11 =	vmul.f32 v11, v2;
	v46 =	vld.idx.msk [tilespmem:v22+s26+$0x0 ss:$0x1], $0xffff  }
0x22a: {  	v45 =	vmul.f32 v24, v1  }
0x22b: {  	[tilespmem:v0+s21+$0x680 ss:$0x1] =	vst.idx.msk $0xffff, v11;
	v9 =	vmul.f32 v9, v4  }
0x22c: {  	[tilespmem:v0+s20+$0x680 ss:$0x1] =	vst.idx.msk $0xffff, v45;
	v11 =	vld.idx.msk [tilespmem:v23+s21+$0x0 ss:$0x1], $0xffff;
	v47 =	vmul.f32 v10, v3  }
0x22d: {  	v48 =	vld.idx.msk [tilespmem:v23+s20+$0x0 ss:$0x1], $0xffff;
	[tilespmem:v0+s23+$0x680 ss:$0x1] =	vst.idx.msk $0xffff, v9;
	v49 =	vmul.f32 v8, v5  }
0x22e: {  	[tilespmem:v0+s22+$0x680 ss:$0x1] =	vst.idx.msk $0xffff, v47;
	v52 =	vld.idx.msk [tilespmem:v23+s23+$0x0 ss:$0x1], $0xffff;
	v51 =	vmul.f32 v46, v7  }
0x22f: {  	v50 =	vld.idx.msk [tilespmem:v23+s22+$0x0 ss:$0x1], $0xffff;
	[tilespmem:v0+s24+$0x680 ss:$0x1] =	vst.idx.msk $0xffff, v49  }
0x230: {  	v6 =	vld.idx.msk [tilespmem:v23+s24+$0x0 ss:$0x1], $0xffff;
	[tilespmem:v0+s26+$0x680 ss:$0x1] =	vst.idx.msk $0xffff, v51  }
0x231: {  	v11 =	vmul.f32 v11, v2;
	v54 =	vld.idx.msk [tilespmem:v23+s26+$0x0 ss:$0x1], $0xffff  }
0x232: {  	v53 =	vmul.f32 v48, v1  }
0x233: {  	[tilespmem:v0+s21+$0x700 ss:$0x1] =	vst.idx.msk $0xffff, v11;
	v55 =	vmul.f32 v52, v4  }
0x234: {  	[tilespmem:v0+s20+$0x700 ss:$0x1] =	vst.idx.msk $0xffff, v53;
	v56 =	vld.idx.msk [tilespmem:v12+s21+$0x0 ss:$0x1], $0xffff;
	v8 =	vmul.f32 v50, v3  }
0x235: {  	v9 =	vld.idx.msk [tilespmem:v12+s20+$0x0 ss:$0x1], $0xffff;
	[tilespmem:v0+s23+$0x700 ss:$0x1] =	vst.idx.msk $0xffff, v55;
	v6 =	vmul.f32 v6, v5  }
0x236: {  	v11 =	vld.idx.msk [tilespmem:v12+s23+$0x0 ss:$0x1], $0xffff;
	[tilespmem:v0+s22+$0x700 ss:$0x1] =	vst.idx.msk $0xffff, v8;
	v10 =	vmul.f32 v54, v7  }
0x237: {  	v8 =	vld.idx.msk [tilespmem:v12+s22+$0x0 ss:$0x1], $0xffff;
	[tilespmem:v0+s24+$0x700 ss:$0x1] =	vst.idx.msk $0xffff, v6  }
0x238: {  	v6 =	vld.idx.msk [tilespmem:v12+s24+$0x0 ss:$0x1], $0xffff;
	[tilespmem:v0+s26+$0x700 ss:$0x1] =	vst.idx.msk $0xffff, v10  }
0x239: {  	v59 =	vmul.f32 v56, v2;
	v58 =	vld.idx.msk [tilespmem:v12+s26+$0x0 ss:$0x1], $0xffff  }
0x23a: {  	v57 =	vmul.f32 v9, v1  }
0x23b: {  	s0 =	sshrl.u32 s15, $0x3;
	s9 =	sadd.s32 $0x1, s9;
	[tilespmem:v0+s21+$0x780 ss:$0x1] =	vst.idx.msk $0xffff, v59;
	v61 =	vmul.f32 v11, v4  }
0x23c: {  	s0 =	smul.u32 $0xC3800, s0;
	p1 =	slt.u32 s9, s7;
	[tilespmem:v0+s20+$0x780 ss:$0x1] =	vst.idx.msk $0xffff, v57;
	v60 =	vmul.f32 v8, v3  }
.Ltmp7:
0x23d: {  	[tilespmem:v0+s23+$0x780 ss:$0x1] =	vst.idx.msk $0xffff, v61;
	v62 =	vmul.f32 v6, v5;
	(pc) =	sbr.rel @p1 .LBB2_9-.Ltmp7, $4  }
.Ltmp8:
0x23e: {  	s0 =	sadd.s32 s14, s0;
	[tilespmem:v0+s22+$0x780 ss:$0x1] =	vst.idx.msk $0xffff, v60;
	v63 =	vmul.f32 v58, v7;
	(pc) =	sbr.rel @!p1 .LBB2_12-.Ltmp8, $4  }
0x23f: {  	s0 =	sshrl.u32 s0, $0x3;
	[tilespmem:v0+s24+$0x780 ss:$0x1] =	vst.idx.msk $0xffff, v62  }
0x240: {  	s6 =	sadd.s32 $0x800, s6;
	s0 =	sadd.s32 s3, s0;
	[tilespmem:v0+s26+$0x780 ss:$0x1] =	vst.idx.msk $0xffff, v63  }
0x241: {  	[hbm4b:s0+s17] =	stream.strided.scatter [tilespmem:s25], [sflag:s10], $0x800, s18, s17, $0x38;
	[tilespmem:$0x16000] =	vst v63  }
0x242: {  	_ = 	snop  }
.LBB2_13:
0x243: {  	_ =	sfence.sel $0x180000  }
0x244: {  	[bflag:$0x0] =	sbarrier.arrive $0xFFFF  }
0x245: {  	_ =	strace $0x90000047  }
0x246: {  	[bflag:$0x2] =	sbarrier.arrive $0xFFFF  }
0x247: {  	p0 =	sne.s32 s5, $0x0;
	s0 =	rddreg [dreg:$0x3]  }
0x248: {  	s0 =	sadd.s32 @!p0 $0x100000, s0  }
0x249: {  	[sflag:s0] =	ssyncadd.tile.s32 @!p0 $0x1;
	_ =	shalt  }
.Lfunc_end2:
_tile_overlayer_lowered:
.L_overlay_start_2:
0x24a: {  	(tag) =	ssettag $0x2  }
0x24b: {  	s0 =	rddreg [dreg:$0x0];
	s2 =	stileid.u32  }
0x24c: {  	s1 =	rddreg [dreg:$0x1];
	p0 =	sne.s32 s2, $0x0  }
0x24d: {  	s3 =	rddreg [dreg:$0x2];
	[bflag:$0x3] =	sbarrier.arrive $0xFFFF;
	s2 =	simm.s32 @!p0 $0x1C11  }
0x24e: {  	[timem:s3], [sflag:s2] =	dma.local @!p0 [hbm:s0], s1  }
0x24f: {  	s0 =	simm.s32 @!p0 $0x11  }
0x250: {  	_ =	swait.ge @!p0 [sflag:s0], s1  }
0x251: {  	s1 =	ssub.s32 @!p0 $0x0, s1;
	[sflag:s0] =	ssyncset.done @!p0 $0x0  }
0x252: {  	[sflag:s0] =	ssyncadd.s32 @!p0 s1  }
0x253: {  	[bflag:$0x3] =	sbarrier.arrive $0xFFFF  }
0x254: {  	_ =	shalt  }

</sc_bundles>
